<compile_context>
chip_gen: v7x
topology: tpu7x:2x2x1
jax: 0.10.2.dev20260603
libtpu: 0.0.44.dev20260713+nightly
codegen_flags: <defaults>
</compile_context>

<pallas_src>
import functools

import jax
import jax.numpy as jnp
from jax import lax
from jax.experimental import pallas as pl
from jax.experimental.pallas import tpu as pltpu
from jax.experimental.pallas import tpu_sc as plsc

NFRAG = 3200000
LANE = 128
TOT_ROWS = NFRAG // LANE
NC = 2
NS = 16
NW = NC * NS
GROUPS = TOT_ROWS // 8
GBASE = GROUPS // NW
GEXTRA = GROUPS - NW * GBASE
NSEG = 1000000
ACC_PAD = 1000448
STAGE_ELEMS = 8192
NBUF = 3
FULL_STAGES = (GBASE * 8 * LANE) // STAGE_ELEMS
TAIL_ELEMS = GBASE * 8 * LANE - FULL_STAGES * STAGE_ELEMS
TAIL_ELEMS_X = TAIL_ELEMS + 8 * LANE
WB_SLICE = ACC_PAD // NS
ZB = 8192


def _sc_body(idx_hbm, val_hbm, out_hbm, acc, idxv0, valv0, idxv1, valv1,
             idxv2, valv2, idxt8, valt8, idxt16, valt16, zb, sems):
    c = lax.axis_index("c")
    s = lax.axis_index("s")
    wid = s * NC + c
    idxb = (idxv0, idxv1, idxv2)
    valb = (valv0, valv1, valv2)
    start_elem = (wid * GBASE + jnp.minimum(wid, GEXTRA)) * 8 * LANE
    base0 = s * WB_SLICE

    def _z(i, carry):
        for u in range(8):
            zb[pl.ds(i * 128 + u * 16, 16)] = jnp.zeros((16,), jnp.float32)
        return carry

    lax.fori_loop(0, ZB // 128, _z, 0)
    zhs = []
    off = 0
    for sz in [ZB] * (WB_SLICE // ZB) + [WB_SLICE - (WB_SLICE // ZB) * ZB]:
        zhs.append(pltpu.async_copy(
            zb.at[pl.ds(0, sz)], acc.at[pl.ds(base0 + off, sz)],
            sems.at[6]))
        off += sz

    ins = {}

    def _stage_start(t):
        b = t % NBUF
        e0 = start_elem + t * STAGE_ELEMS
        ins[t] = (
            pltpu.async_copy(idx_hbm.at[pl.ds(e0, STAGE_ELEMS)], idxb[b],
                             sems.at[b]),
            pltpu.async_copy(val_hbm.at[pl.ds(e0, STAGE_ELEMS)], valb[b],
                             sems.at[NBUF + b]),
        )

    for t in range(min(NBUF, FULL_STAGES)):
        _stage_start(t)
    for h in zhs:
        h.wait()
    plsc.subcore_barrier()

    scs = {}
    for t in range(FULL_STAGES):
        b = t % NBUF
        for h in ins[t]:
            h.wait()
        scs[t] = pltpu.async_copy(valb[b], acc.at[idxb[b]],
                                  sems.at[7 + b], add=True)
        if t + 1 >= NBUF and t + 1 < FULL_STAGES:
            if t - 2 >= 0:
                scs[t - 2].wait()
            _stage_start(t + 1)
    for t in range(max(0, FULL_STAGES - NBUF), FULL_STAGES):
        scs[t].wait()

    tail_elem = start_elem + FULL_STAGES * STAGE_ELEMS

    def _do_tail(ib, vb):
        pltpu.sync_copy(idx_hbm.at[pl.ds(tail_elem, ib.shape[0])], ib)
        pltpu.sync_copy(val_hbm.at[pl.ds(tail_elem, vb.shape[0])], vb)
        pltpu.sync_copy(vb, acc.at[ib], add=True)

    @pl.when(wid < GEXTRA)
    def _():
        _do_tail(idxt16, valt16)

    @pl.when(wid >= GEXTRA)
    def _():
        _do_tail(idxt8, valt8)

    plsc.subcore_barrier()

    last = NSEG - (NS - 1) * WB_SLICE

    def _wb(total):
        nfull = total // STAGE_ELEMS
        sizes = [STAGE_ELEMS] * nfull
        if total - nfull * STAGE_ELEMS:
            sizes.append(total - nfull * STAGE_ELEMS)
        offs = [sum(sizes[:k]) for k in range(len(sizes))]
        inh = [None, None]
        outh = [None, None]

        def _in(k):
            b = k % 2
            if outh[b] is not None:
                outh[b].wait()
            inh[b] = pltpu.async_copy(
                acc.at[pl.ds(base0 + offs[k], sizes[k])],
                valb[b].at[pl.ds(0, sizes[k])], sems.at[b])

        _in(0)
        for k, sz in enumerate(sizes):
            b = k % 2
            if k + 1 < len(sizes):
                _in(k + 1)
            inh[b].wait()
            outh[b] = pltpu.async_copy(
                valb[b].at[pl.ds(0, sz)],
                out_hbm.at[pl.ds(c * NSEG + base0 + offs[k], sz)],
                sems.at[7 + b])
        for h in outh:
            if h is not None:
                h.wait()

    @pl.when(s < NS - 1)
    def _():
        _wb(WB_SLICE)

    @pl.when(s == NS - 1)
    def _():
        _wb(last)


@functools.partial(
    pl.kernel,
    out_type=jax.ShapeDtypeStruct((NC * NSEG,), jnp.float32),
    mesh=plsc.VectorSubcoreMesh(core_axis_name="c", subcore_axis_name="s",
                                num_cores=NC),
    scratch_types=[
        pltpu.VMEM_SHARED((ACC_PAD,), jnp.float32),
        pltpu.VMEM((STAGE_ELEMS,), jnp.int32),
        pltpu.VMEM((STAGE_ELEMS,), jnp.float32),
        pltpu.VMEM((STAGE_ELEMS,), jnp.int32),
        pltpu.VMEM((STAGE_ELEMS,), jnp.float32),
        pltpu.VMEM((STAGE_ELEMS,), jnp.int32),
        pltpu.VMEM((STAGE_ELEMS,), jnp.float32),
        pltpu.VMEM((TAIL_ELEMS,), jnp.int32),
        pltpu.VMEM((TAIL_ELEMS,), jnp.float32),
        pltpu.VMEM((TAIL_ELEMS_X,), jnp.int32),
        pltpu.VMEM((TAIL_ELEMS_X,), jnp.float32),
        pltpu.VMEM((ZB,), jnp.float32),
        pltpu.SemaphoreType.DMA((10,)),
    ],
)
def _sc_segment_sum(idx_hbm, val_hbm, out_hbm, acc, idxv0, valv0,
                    idxv1, valv1, idxv2, valv2, idxt8, valt8,
                    idxt16, valt16, zb, sems):
    _sc_body(idx_hbm, val_hbm, out_hbm, acc, idxv0, valv0, idxv1, valv1,
             idxv2, valv2, idxt8, valt8, idxt16, valt16, zb, sems)


def _combine_body(p_ref, o_ref):
    o_ref[...] = p_ref[0] + p_ref[1]


def kernel(likelihood, local_cellxgene_ix, n_cells, n_genes):
    idx1d = local_cellxgene_ix.astype(jnp.int32)
    part = _sc_segment_sum(idx1d, likelihood)
    part3 = part.reshape(NC, 1000, 1000)
    out = pl.pallas_call(
        _combine_body,
        out_shape=jax.ShapeDtypeStruct((1000, 1000), jnp.float32),
    )(part3)
    return out

# --- scband reference (transcript-rebuilt; emitter-appended) ---
"""Pipeline reference for scband-model-42219528519996 (READ-ONLY COPY).

The authoritative reference and input builder live on the scoring server;
editing this copy changes nothing except your own understanding.
"""

import jax, jax.numpy as jnp
import numpy as np

N_FRAGMENTS = 3200000
N_CELLS = 1000
N_GENES = 1000


def setup_inputs(seed: int = 0) -> dict:
    key = jax.random.key(seed)
    k1, k2 = jax.random.split(key)
    likelihood = jax.random.normal(k1, (N_FRAGMENTS,), dtype=jnp.float32)
    local_cellxgene_ix = jnp.sort(
        jax.random.randint(k2, (N_FRAGMENTS,), 0, N_CELLS * N_GENES, dtype=jnp.int64)
    )
    return {
        "likelihood": likelihood,
        "local_cellxgene_ix": local_cellxgene_ix,
        "n_cells": N_CELLS,
        "n_genes": N_GENES,
    }


def reference(likelihood, local_cellxgene_ix, n_cells, n_genes):
    # Faithful translation of Model._get_likelihood_cell_gene:
    #   torch_scatter.segment_sum_coo(likelihood, local_cellxgene_ix,
    #                                 dim_size=n_cells*n_genes).reshape((n_cells, n_genes))
    # segment ids are sorted (COO segment semantics); jax.ops.segment_sum with
    # indices_are_sorted matches exactly.
    num_segments = N_CELLS * N_GENES
    segment_ids = local_cellxgene_ix + jnp.asarray(
        n_cells * n_genes - num_segments, dtype=local_cellxgene_ix.dtype
    )
    summed = jax.ops.segment_sum(
        likelihood,
        segment_ids,
        num_segments=num_segments,
        indices_are_sorted=True,
    )
    return summed.reshape((N_CELLS, N_GENES))

if __name__ == "__main__":
    import jax
    _d = setup_inputs()
    print(jax.jit(kernel)(*tuple(_d.values())))

</pallas_src>

<mosaic_0001>
#map = affine_map<(d0, d1) -> (0)>
module attributes {stable_mosaic.version = 14 : i64} {
  func.func @_sc_segment_sum(%arg0: i32, %arg1: i32, %arg2: memref<3200000xi32, #tpu.memory_space<hbm>>, %arg3: memref<3200000xf32, #tpu.memory_space<hbm>>, %arg4: memref<2000000xf32, #tpu.memory_space<hbm>>, %arg5: memref<1000448xf32, #tpu.memory_space<vmem_shared>>, %arg6: memref<8192xi32, #tpu.memory_space<vmem>>, %arg7: memref<8192xf32, #tpu.memory_space<vmem>>, %arg8: memref<8192xi32, #tpu.memory_space<vmem>>, %arg9: memref<8192xf32, #tpu.memory_space<vmem>>, %arg10: memref<8192xi32, #tpu.memory_space<vmem>>, %arg11: memref<8192xf32, #tpu.memory_space<vmem>>, %arg12: memref<1024xi32, #tpu.memory_space<vmem>>, %arg13: memref<1024xf32, #tpu.memory_space<vmem>>, %arg14: memref<2048xi32, #tpu.memory_space<vmem>>, %arg15: memref<2048xf32, #tpu.memory_space<vmem>>, %arg16: memref<8192xf32, #tpu.memory_space<vmem>>, %arg17: memref<10x!tpu.dma_semaphore, #tpu.memory_space<semaphore_mem>>) attributes {dimension_semantics = [#tpu.dimension_semantics<core_parallel>, #tpu.dimension_semantics<subcore_parallel>], iteration_bounds = array<i64: 2, 16>, scalar_prefetch = 0 : i64, scratch_operands = 13 : i64, tpu.core_type = #tpu.core_type<sc_vector_subcore>, window_params = [{transform_indices = #map}, {transform_indices = #map}, {transform_indices = #map}]} {
    %mul3A = arith.constant 2 : i32
    %mul3A_0 = arith.muli %arg1, %mul3A : i32
    %add3A = arith.addi %mul3A_0, %arg0 : i32
    %mul3A_1 = arith.constant 97 : i32
    %mul3A_2 = arith.muli %add3A, %mul3A_1 : i32
    %min3A = arith.constant 21 : i32
    %min3A_3 = arith.minsi %add3A, %min3A : i32
    %add3A_4 = arith.addi %mul3A_2, %min3A_3 : i32
    %mul3A_5 = arith.constant 8 : i32
    %mul3A_6 = arith.muli %add3A_4, %mul3A_5 : i32
    %mul3A_7 = arith.constant 128 : i32
    %mul3A_8 = arith.muli %mul3A_6, %mul3A_7 : i32
    %mul3A_9 = arith.constant 62528 : i32
    %mul3A_10 = arith.muli %arg1, %mul3A_9 : i32
    %scan3A = arith.constant 0 : i32
    %scan3A_11 = arith.constant 0 : i32
    %scan3A_12 = arith.constant 64 : i32
    %scan3A_13 = arith.addi %scan3A_11, %scan3A_12 : i32
    %scan3A_14 = arith.constant 1 : i32
    scf.for %scan3A_576 = %scan3A_11 to %scan3A_13 step %scan3A_14  : i32 {
      %broadcast_in_dim3A = arith.constant 0.000000e+00 : f32
      %broadcast_in_dim3A_577 = vector.broadcast %broadcast_in_dim3A : f32 to vector<16xf32>
      %mul3A_578 = arith.constant 128 : i32
      %mul3A_579 = arith.muli %scan3A_576, %mul3A_578 : i32
      %add3A_580 = arith.constant 0 : i32
      %add3A_581 = arith.addi %mul3A_579, %add3A_580 : i32
      %swap3A = arith.index_cast %add3A_581 : i32 to index
      %swap3A_582 = tpu.vector_load %arg16[%swap3A] {strides = array<i32>} : memref<8192xf32, #tpu.memory_space<vmem>>, vector<16xf32>,
      %swap3A_583 = vector.shape_cast %swap3A_582 : vector<16xf32> to vector<16xf32>
      %swap3A_584 = vector.shape_cast %broadcast_in_dim3A_577 : vector<16xf32> to vector<16xf32>
      tpu.vector_store %arg16[%swap3A], %swap3A_584 {strides = array<i32>} : memref<8192xf32, #tpu.memory_space<vmem>>, vector<16xf32>,
      %broadcast_in_dim3A_585 = arith.constant 0.000000e+00 : f32
      %broadcast_in_dim3A_586 = vector.broadcast %broadcast_in_dim3A_585 : f32 to vector<16xf32>
      %mul3A_587 = arith.constant 128 : i32
      %mul3A_588 = arith.muli %scan3A_576, %mul3A_587 : i32
      %add3A_589 = arith.constant 16 : i32
      %add3A_590 = arith.addi %mul3A_588, %add3A_589 : i32
      %swap3A_591 = arith.index_cast %add3A_590 : i32 to index
      %swap3A_592 = tpu.vector_load %arg16[%swap3A_591] {strides = array<i32>} : memref<8192xf32, #tpu.memory_space<vmem>>, vector<16xf32>,
      %swap3A_593 = vector.shape_cast %swap3A_592 : vector<16xf32> to vector<16xf32>
      %swap3A_594 = vector.shape_cast %broadcast_in_dim3A_586 : vector<16xf32> to vector<16xf32>
      tpu.vector_store %arg16[%swap3A_591], %swap3A_594 {strides = array<i32>} : memref<8192xf32, #tpu.memory_space<vmem>>, vector<16xf32>,
      %broadcast_in_dim3A_595 = arith.constant 0.000000e+00 : f32
      %broadcast_in_dim3A_596 = vector.broadcast %broadcast_in_dim3A_595 : f32 to vector<16xf32>
      %mul3A_597 = arith.constant 128 : i32
      %mul3A_598 = arith.muli %scan3A_576, %mul3A_597 : i32
      %add3A_599 = arith.constant 32 : i32
      %add3A_600 = arith.addi %mul3A_598, %add3A_599 : i32
      %swap3A_601 = arith.index_cast %add3A_600 : i32 to index
      %swap3A_602 = tpu.vector_load %arg16[%swap3A_601] {strides = array<i32>} : memref<8192xf32, #tpu.memory_space<vmem>>, vector<16xf32>,
      %swap3A_603 = vector.shape_cast %swap3A_602 : vector<16xf32> to vector<16xf32>
      %swap3A_604 = vector.shape_cast %broadcast_in_dim3A_596 : vector<16xf32> to vector<16xf32>
      tpu.vector_store %arg16[%swap3A_601], %swap3A_604 {strides = array<i32>} : memref<8192xf32, #tpu.memory_space<vmem>>, vector<16xf32>,
      %broadcast_in_dim3A_605 = arith.constant 0.000000e+00 : f32
      %broadcast_in_dim3A_606 = vector.broadcast %broadcast_in_dim3A_605 : f32 to vector<16xf32>
      %mul3A_607 = arith.constant 128 : i32
      %mul3A_608 = arith.muli %scan3A_576, %mul3A_607 : i32
      %add3A_609 = arith.constant 48 : i32
      %add3A_610 = arith.addi %mul3A_608, %add3A_609 : i32
      %swap3A_611 = arith.index_cast %add3A_610 : i32 to index
      %swap3A_612 = tpu.vector_load %arg16[%swap3A_611] {strides = array<i32>} : memref<8192xf32, #tpu.memory_space<vmem>>, vector<16xf32>,
      %swap3A_613 = vector.shape_cast %swap3A_612 : vector<16xf32> to vector<16xf32>
      %swap3A_614 = vector.shape_cast %broadcast_in_dim3A_606 : vector<16xf32> to vector<16xf32>
      tpu.vector_store %arg16[%swap3A_611], %swap3A_614 {strides = array<i32>} : memref<8192xf32, #tpu.memory_space<vmem>>, vector<16xf32>,
      %broadcast_in_dim3A_615 = arith.constant 0.000000e+00 : f32
      %broadcast_in_dim3A_616 = vector.broadcast %broadcast_in_dim3A_615 : f32 to vector<16xf32>
      %mul3A_617 = arith.constant 128 : i32
      %mul3A_618 = arith.muli %scan3A_576, %mul3A_617 : i32
      %add3A_619 = arith.constant 64 : i32
      %add3A_620 = arith.addi %mul3A_618, %add3A_619 : i32
      %swap3A_621 = arith.index_cast %add3A_620 : i32 to index
      %swap3A_622 = tpu.vector_load %arg16[%swap3A_621] {strides = array<i32>} : memref<8192xf32, #tpu.memory_space<vmem>>, vector<16xf32>,
      %swap3A_623 = vector.shape_cast %swap3A_622 : vector<16xf32> to vector<16xf32>
      %swap3A_624 = vector.shape_cast %broadcast_in_dim3A_616 : vector<16xf32> to vector<16xf32>
      tpu.vector_store %arg16[%swap3A_621], %swap3A_624 {strides = array<i32>} : memref<8192xf32, #tpu.memory_space<vmem>>, vector<16xf32>,
      %broadcast_in_dim3A_625 = arith.constant 0.000000e+00 : f32
      %broadcast_in_dim3A_626 = vector.broadcast %broadcast_in_dim3A_625 : f32 to vector<16xf32>
      %mul3A_627 = arith.constant 128 : i32
      %mul3A_628 = arith.muli %scan3A_576, %mul3A_627 : i32
      %add3A_629 = arith.constant 80 : i32
      %add3A_630 = arith.addi %mul3A_628, %add3A_629 : i32
      %swap3A_631 = arith.index_cast %add3A_630 : i32 to index
      %swap3A_632 = tpu.vector_load %arg16[%swap3A_631] {strides = array<i32>} : memref<8192xf32, #tpu.memory_space<vmem>>, vector<16xf32>,
      %swap3A_633 = vector.shape_cast %swap3A_632 : vector<16xf32> to vector<16xf32>
      %swap3A_634 = vector.shape_cast %broadcast_in_dim3A_626 : vector<16xf32> to vector<16xf32>
      tpu.vector_store %arg16[%swap3A_631], %swap3A_634 {strides = array<i32>} : memref<8192xf32, #tpu.memory_space<vmem>>, vector<16xf32>,
      %broadcast_in_dim3A_635 = arith.constant 0.000000e+00 : f32
      %broadcast_in_dim3A_636 = vector.broadcast %broadcast_in_dim3A_635 : f32 to vector<16xf32>
      %mul3A_637 = arith.constant 128 : i32
      %mul3A_638 = arith.muli %scan3A_576, %mul3A_637 : i32
      %add3A_639 = arith.constant 96 : i32
      %add3A_640 = arith.addi %mul3A_638, %add3A_639 : i32
      %swap3A_641 = arith.index_cast %add3A_640 : i32 to index
      %swap3A_642 = tpu.vector_load %arg16[%swap3A_641] {strides = array<i32>} : memref<8192xf32, #tpu.memory_space<vmem>>, vector<16xf32>,
      %swap3A_643 = vector.shape_cast %swap3A_642 : vector<16xf32> to vector<16xf32>
      %swap3A_644 = vector.shape_cast %broadcast_in_dim3A_636 : vector<16xf32> to vector<16xf32>
      tpu.vector_store %arg16[%swap3A_641], %swap3A_644 {strides = array<i32>} : memref<8192xf32, #tpu.memory_space<vmem>>, vector<16xf32>,
      %broadcast_in_dim3A_645 = arith.constant 0.000000e+00 : f32
      %broadcast_in_dim3A_646 = vector.broadcast %broadcast_in_dim3A_645 : f32 to vector<16xf32>
      %mul3A_647 = arith.constant 128 : i32
      %mul3A_648 = arith.muli %scan3A_576, %mul3A_647 : i32
      %add3A_649 = arith.constant 112 : i32
      %add3A_650 = arith.addi %mul3A_648, %add3A_649 : i32
      %swap3A_651 = arith.index_cast %add3A_650 : i32 to index
      %swap3A_652 = tpu.vector_load %arg16[%swap3A_651] {strides = array<i32>} : memref<8192xf32, #tpu.memory_space<vmem>>, vector<16xf32>,
      %swap3A_653 = vector.shape_cast %swap3A_652 : vector<16xf32> to vector<16xf32>
      %swap3A_654 = vector.shape_cast %broadcast_in_dim3A_646 : vector<16xf32> to vector<16xf32>
      tpu.vector_store %arg16[%swap3A_651], %swap3A_654 {strides = array<i32>} : memref<8192xf32, #tpu.memory_space<vmem>>, vector<16xf32>,
    }
    %scan3A_15 = arith.constant 64 : i32
    %add3A_16 = arith.constant 0 : i32
    %add3A_17 = arith.addi %mul3A_10, %add3A_16 : i32
    %dma_start3A = arith.constant 6 : i32
    %dma_start3A_18 = arith.constant 0 : i32
    %dma_start3A_19 = tpu.memref_slice %arg16[%dma_start3A_18] : memref<8192xf32, #tpu.memory_space<vmem>> -> memref<8192xf32, #tpu.memory_space<vmem>>
    %dma_start3A_20 = tpu.memref_slice %arg5[%add3A_17] : memref<1000448xf32, #tpu.memory_space<vmem_shared>> -> memref<8192xf32, #tpu.memory_space<vmem_shared>>
    %dma_start3A_21 = tpu.memref_slice %arg17[%dma_start3A] : memref<10x!tpu.dma_semaphore, #tpu.memory_space<semaphore_mem>> -> memref<1x!tpu.dma_semaphore, #tpu.memory_space<semaphore_mem>>
    %dma_start3A_22 = tpu.memref_squeeze %dma_start3A_21 : memref<1x!tpu.dma_semaphore, #tpu.memory_space<semaphore_mem>> -> memref<!tpu.dma_semaphore, #tpu.memory_space<semaphore_mem>>
    %dma_start3A_23 = tpu.memref_slice %arg5[%add3A_17] : memref<1000448xf32, #tpu.memory_space<vmem_shared>> -> memref<8192xf32, #tpu.memory_space<vmem_shared>>
    %dma_start3A_24 = arith.constant 0 : i32
    %dma_start3A_25 = tpu.memref_slice %arg16[%dma_start3A_24] : memref<8192xf32, #tpu.memory_space<vmem>> -> memref<8192xf32, #tpu.memory_space<vmem>>
    tpu.enqueue_dma source(%dma_start3A_25 : memref<8192xf32, #tpu.memory_space<vmem>>) target(%dma_start3A_23 : memref<8192xf32, #tpu.memory_space<vmem_shared>>) target_semaphore(%dma_start3A_22 : memref<!tpu.dma_semaphore, #tpu.memory_space<semaphore_mem>>)
    %add3A_26 = arith.constant 8192 : i32
    %add3A_27 = arith.addi %mul3A_10, %add3A_26 : i32
    %dma_start3A_28 = arith.constant 6 : i32
    %dma_start3A_29 = arith.constant 0 : i32
    %dma_start3A_30 = tpu.memref_slice %arg16[%dma_start3A_29] : memref<8192xf32, #tpu.memory_space<vmem>> -> memref<8192xf32, #tpu.memory_space<vmem>>
    %dma_start3A_31 = tpu.memref_slice %arg5[%add3A_27] : memref<1000448xf32, #tpu.memory_space<vmem_shared>> -> memref<8192xf32, #tpu.memory_space<vmem_shared>>
    %dma_start3A_32 = tpu.memref_slice %arg17[%dma_start3A_28] : memref<10x!tpu.dma_semaphore, #tpu.memory_space<semaphore_mem>> -> memref<1x!tpu.dma_semaphore, #tpu.memory_space<semaphore_mem>>
    %dma_start3A_33 = tpu.memref_squeeze %dma_start3A_32 : memref<1x!tpu.dma_semaphore, #tpu.memory_space<semaphore_mem>> -> memref<!tpu.dma_semaphore, #tpu.memory_space<semaphore_mem>>
    %dma_start3A_34 = tpu.memref_slice %arg5[%add3A_27] : memref<1000448xf32, #tpu.memory_space<vmem_shared>> -> memref<8192xf32, #tpu.memory_space<vmem_shared>>
    %dma_start3A_35 = arith.constant 0 : i32
    %dma_start3A_36 = tpu.memref_slice %arg16[%dma_start3A_35] : memref<8192xf32, #tpu.memory_space<vmem>> -> memref<8192xf32, #tpu.memory_space<vmem>>
    tpu.enqueue_dma source(%dma_start3A_36 : memref<8192xf32, #tpu.memory_space<vmem>>) target(%dma_start3A_34 : memref<8192xf32, #tpu.memory_space<vmem_shared>>) target_semaphore(%dma_start3A_33 : memref<!tpu.dma_semaphore, #tpu.memory_space<semaphore_mem>>)
    %add3A_37 = arith.constant 16384 : i32
    %add3A_38 = arith.addi %mul3A_10, %add3A_37 : i32
    %dma_start3A_39 = arith.constant 6 : i32
    %dma_start3A_40 = arith.constant 0 : i32
    %dma_start3A_41 = tpu.memref_slice %arg16[%dma_start3A_40] : memref<8192xf32, #tpu.memory_space<vmem>> -> memref<8192xf32, #tpu.memory_space<vmem>>
    %dma_start3A_42 = tpu.memref_slice %arg5[%add3A_38] : memref<1000448xf32, #tpu.memory_space<vmem_shared>> -> memref<8192xf32, #tpu.memory_space<vmem_shared>>
    %dma_start3A_43 = tpu.memref_slice %arg17[%dma_start3A_39] : memref<10x!tpu.dma_semaphore, #tpu.memory_space<semaphore_mem>> -> memref<1x!tpu.dma_semaphore, #tpu.memory_space<semaphore_mem>>
    %dma_start3A_44 = tpu.memref_squeeze %dma_start3A_43 : memref<1x!tpu.dma_semaphore, #tpu.memory_space<semaphore_mem>> -> memref<!tpu.dma_semaphore, #tpu.memory_space<semaphore_mem>>
    %dma_start3A_45 = tpu.memref_slice %arg5[%add3A_38] : memref<1000448xf32, #tpu.memory_space<vmem_shared>> -> memref<8192xf32, #tpu.memory_space<vmem_shared>>
    %dma_start3A_46 = arith.constant 0 : i32
    %dma_start3A_47 = tpu.memref_slice %arg16[%dma_start3A_46] : memref<8192xf32, #tpu.memory_space<vmem>> -> memref<8192xf32, #tpu.memory_space<vmem>>
    tpu.enqueue_dma source(%dma_start3A_47 : memref<8192xf32, #tpu.memory_space<vmem>>) target(%dma_start3A_45 : memref<8192xf32, #tpu.memory_space<vmem_shared>>) target_semaphore(%dma_start3A_44 : memref<!tpu.dma_semaphore, #tpu.memory_space<semaphore_mem>>)
    %add3A_48 = arith.constant 24576 : i32
    %add3A_49 = arith.addi %mul3A_10, %add3A_48 : i32
    %dma_start3A_50 = arith.constant 6 : i32
    %dma_start3A_51 = arith.constant 0 : i32
    %dma_start3A_52 = tpu.memref_slice %arg16[%dma_start3A_51] : memref<8192xf32, #tpu.memory_space<vmem>> -> memref<8192xf32, #tpu.memory_space<vmem>>
    %dma_start3A_53 = tpu.memref_slice %arg5[%add3A_49] : memref<1000448xf32, #tpu.memory_space<vmem_shared>> -> memref<8192xf32, #tpu.memory_space<vmem_shared>>
    %dma_start3A_54 = tpu.memref_slice %arg17[%dma_start3A_50] : memref<10x!tpu.dma_semaphore, #tpu.memory_space<semaphore_mem>> -> memref<1x!tpu.dma_semaphore, #tpu.memory_space<semaphore_mem>>
    %dma_start3A_55 = tpu.memref_squeeze %dma_start3A_54 : memref<1x!tpu.dma_semaphore, #tpu.memory_space<semaphore_mem>> -> memref<!tpu.dma_semaphore, #tpu.memory_space<semaphore_mem>>
    %dma_start3A_56 = tpu.memref_slice %arg5[%add3A_49] : memref<1000448xf32, #tpu.memory_space<vmem_shared>> -> memref<8192xf32, #tpu.memory_space<vmem_shared>>
    %dma_start3A_57 = arith.constant 0 : i32
    %dma_start3A_58 = tpu.memref_slice %arg16[%dma_start3A_57] : memref<8192xf32, #tpu.memory_space<vmem>> -> memref<8192xf32, #tpu.memory_space<vmem>>
    tpu.enqueue_dma source(%dma_start3A_58 : memref<8192xf32, #tpu.memory_space<vmem>>) target(%dma_start3A_56 : memref<8192xf32, #tpu.memory_space<vmem_shared>>) target_semaphore(%dma_start3A_55 : memref<!tpu.dma_semaphore, #tpu.memory_space<semaphore_mem>>)
    %add3A_59 = arith.constant 32768 : i32
    %add3A_60 = arith.addi %mul3A_10, %add3A_59 : i32
    %dma_start3A_61 = arith.constant 6 : i32
    %dma_start3A_62 = arith.constant 0 : i32
    %dma_start3A_63 = tpu.memref_slice %arg16[%dma_start3A_62] : memref<8192xf32, #tpu.memory_space<vmem>> -> memref<8192xf32, #tpu.memory_space<vmem>>
    %dma_start3A_64 = tpu.memref_slice %arg5[%add3A_60] : memref<1000448xf32, #tpu.memory_space<vmem_shared>> -> memref<8192xf32, #tpu.memory_space<vmem_shared>>
    %dma_start3A_65 = tpu.memref_slice %arg17[%dma_start3A_61] : memref<10x!tpu.dma_semaphore, #tpu.memory_space<semaphore_mem>> -> memref<1x!tpu.dma_semaphore, #tpu.memory_space<semaphore_mem>>
    %dma_start3A_66 = tpu.memref_squeeze %dma_start3A_65 : memref<1x!tpu.dma_semaphore, #tpu.memory_space<semaphore_mem>> -> memref<!tpu.dma_semaphore, #tpu.memory_space<semaphore_mem>>
    %dma_start3A_67 = tpu.memref_slice %arg5[%add3A_60] : memref<1000448xf32, #tpu.memory_space<vmem_shared>> -> memref<8192xf32, #tpu.memory_space<vmem_shared>>
    %dma_start3A_68 = arith.constant 0 : i32
    %dma_start3A_69 = tpu.memref_slice %arg16[%dma_start3A_68] : memref<8192xf32, #tpu.memory_space<vmem>> -> memref<8192xf32, #tpu.memory_space<vmem>>
    tpu.enqueue_dma source(%dma_start3A_69 : memref<8192xf32, #tpu.memory_space<vmem>>) target(%dma_start3A_67 : memref<8192xf32, #tpu.memory_space<vmem_shared>>) target_semaphore(%dma_start3A_66 : memref<!tpu.dma_semaphore, #tpu.memory_space<semaphore_mem>>)
    %add3A_70 = arith.constant 40960 : i32
    %add3A_71 = arith.addi %mul3A_10, %add3A_70 : i32
    %dma_start3A_72 = arith.constant 6 : i32
    %dma_start3A_73 = arith.constant 0 : i32
    %dma_start3A_74 = tpu.memref_slice %arg16[%dma_start3A_73] : memref<8192xf32, #tpu.memory_space<vmem>> -> memref<8192xf32, #tpu.memory_space<vmem>>
    %dma_start3A_75 = tpu.memref_slice %arg5[%add3A_71] : memref<1000448xf32, #tpu.memory_space<vmem_shared>> -> memref<8192xf32, #tpu.memory_space<vmem_shared>>
    %dma_start3A_76 = tpu.memref_slice %arg17[%dma_start3A_72] : memref<10x!tpu.dma_semaphore, #tpu.memory_space<semaphore_mem>> -> memref<1x!tpu.dma_semaphore, #tpu.memory_space<semaphore_mem>>
    %dma_start3A_77 = tpu.memref_squeeze %dma_start3A_76 : memref<1x!tpu.dma_semaphore, #tpu.memory_space<semaphore_mem>> -> memref<!tpu.dma_semaphore, #tpu.memory_space<semaphore_mem>>
    %dma_start3A_78 = tpu.memref_slice %arg5[%add3A_71] : memref<1000448xf32, #tpu.memory_space<vmem_shared>> -> memref<8192xf32, #tpu.memory_space<vmem_shared>>
    %dma_start3A_79 = arith.constant 0 : i32
    %dma_start3A_80 = tpu.memref_slice %arg16[%dma_start3A_79] : memref<8192xf32, #tpu.memory_space<vmem>> -> memref<8192xf32, #tpu.memory_space<vmem>>
    tpu.enqueue_dma source(%dma_start3A_80 : memref<8192xf32, #tpu.memory_space<vmem>>) target(%dma_start3A_78 : memref<8192xf32, #tpu.memory_space<vmem_shared>>) target_semaphore(%dma_start3A_77 : memref<!tpu.dma_semaphore, #tpu.memory_space<semaphore_mem>>)
    %add3A_81 = arith.constant 49152 : i32
    %add3A_82 = arith.addi %mul3A_10, %add3A_81 : i32
    %dma_start3A_83 = arith.constant 6 : i32
    %dma_start3A_84 = arith.constant 0 : i32
    %dma_start3A_85 = tpu.memref_slice %arg16[%dma_start3A_84] : memref<8192xf32, #tpu.memory_space<vmem>> -> memref<8192xf32, #tpu.memory_space<vmem>>
    %dma_start3A_86 = tpu.memref_slice %arg5[%add3A_82] : memref<1000448xf32, #tpu.memory_space<vmem_shared>> -> memref<8192xf32, #tpu.memory_space<vmem_shared>>
    %dma_start3A_87 = tpu.memref_slice %arg17[%dma_start3A_83] : memref<10x!tpu.dma_semaphore, #tpu.memory_space<semaphore_mem>> -> memref<1x!tpu.dma_semaphore, #tpu.memory_space<semaphore_mem>>
    %dma_start3A_88 = tpu.memref_squeeze %dma_start3A_87 : memref<1x!tpu.dma_semaphore, #tpu.memory_space<semaphore_mem>> -> memref<!tpu.dma_semaphore, #tpu.memory_space<semaphore_mem>>
    %dma_start3A_89 = tpu.memref_slice %arg5[%add3A_82] : memref<1000448xf32, #tpu.memory_space<vmem_shared>> -> memref<8192xf32, #tpu.memory_space<vmem_shared>>
    %dma_start3A_90 = arith.constant 0 : i32
    %dma_start3A_91 = tpu.memref_slice %arg16[%dma_start3A_90] : memref<8192xf32, #tpu.memory_space<vmem>> -> memref<8192xf32, #tpu.memory_space<vmem>>
    tpu.enqueue_dma source(%dma_start3A_91 : memref<8192xf32, #tpu.memory_space<vmem>>) target(%dma_start3A_89 : memref<8192xf32, #tpu.memory_space<vmem_shared>>) target_semaphore(%dma_start3A_88 : memref<!tpu.dma_semaphore, #tpu.memory_space<semaphore_mem>>)
    %add3A_92 = arith.constant 57344 : i32
    %add3A_93 = arith.addi %mul3A_10, %add3A_92 : i32
    %dma_start3A_94 = arith.constant 6 : i32
    %dma_start3A_95 = arith.constant 0 : i32
    %dma_start3A_96 = tpu.memref_slice %arg16[%dma_start3A_95] : memref<8192xf32, #tpu.memory_space<vmem>> -> memref<5184xf32, #tpu.memory_space<vmem>>
    %dma_start3A_97 = tpu.memref_slice %arg5[%add3A_93] : memref<1000448xf32, #tpu.memory_space<vmem_shared>> -> memref<5184xf32, #tpu.memory_space<vmem_shared>>
    %dma_start3A_98 = tpu.memref_slice %arg17[%dma_start3A_94] : memref<10x!tpu.dma_semaphore, #tpu.memory_space<semaphore_mem>> -> memref<1x!tpu.dma_semaphore, #tpu.memory_space<semaphore_mem>>
    %dma_start3A_99 = tpu.memref_squeeze %dma_start3A_98 : memref<1x!tpu.dma_semaphore, #tpu.memory_space<semaphore_mem>> -> memref<!tpu.dma_semaphore, #tpu.memory_space<semaphore_mem>>
    %dma_start3A_100 = tpu.memref_slice %arg5[%add3A_93] : memref<1000448xf32, #tpu.memory_space<vmem_shared>> -> memref<5184xf32, #tpu.memory_space<vmem_shared>>
    %dma_start3A_101 = arith.constant 0 : i32
    %dma_start3A_102 = tpu.memref_slice %arg16[%dma_start3A_101] : memref<8192xf32, #tpu.memory_space<vmem>> -> memref<5184xf32, #tpu.memory_space<vmem>>
    tpu.enqueue_dma source(%dma_start3A_102 : memref<5184xf32, #tpu.memory_space<vmem>>) target(%dma_start3A_100 : memref<5184xf32, #tpu.memory_space<vmem_shared>>) target_semaphore(%dma_start3A_99 : memref<!tpu.dma_semaphore, #tpu.memory_space<semaphore_mem>>)
    %add3A_103 = arith.constant 0 : i32
    %add3A_104 = arith.addi %mul3A_8, %add3A_103 : i32
    %dma_start3A_105 = arith.constant 0 : i32
    %dma_start3A_106 = tpu.memref_slice %arg2[%add3A_104] : memref<3200000xi32, #tpu.memory_space<hbm>> -> memref<8192xi32, #tpu.memory_space<hbm>>
    %dma_start3A_107 = tpu.memref_slice %arg17[%dma_start3A_105] : memref<10x!tpu.dma_semaphore, #tpu.memory_space<semaphore_mem>> -> memref<1x!tpu.dma_semaphore, #tpu.memory_space<semaphore_mem>>
    %dma_start3A_108 = tpu.memref_squeeze %dma_start3A_107 : memref<1x!tpu.dma_semaphore, #tpu.memory_space<semaphore_mem>> -> memref<!tpu.dma_semaphore, #tpu.memory_space<semaphore_mem>>
    %dma_start3A_109 = tpu.memref_slice %arg2[%add3A_104] : memref<3200000xi32, #tpu.memory_space<hbm>> -> memref<8192xi32, #tpu.memory_space<hbm>>
    tpu.enqueue_dma source(%dma_start3A_109 : memref<8192xi32, #tpu.memory_space<hbm>>) target(%arg6 : memref<8192xi32, #tpu.memory_space<vmem>>) target_semaphore(%dma_start3A_108 : memref<!tpu.dma_semaphore, #tpu.memory_space<semaphore_mem>>)
    %dma_start3A_110 = arith.constant 3 : i32
    %dma_start3A_111 = tpu.memref_slice %arg3[%add3A_104] : memref<3200000xf32, #tpu.memory_space<hbm>> -> memref<8192xf32, #tpu.memory_space<hbm>>
    %dma_start3A_112 = tpu.memref_slice %arg17[%dma_start3A_110] : memref<10x!tpu.dma_semaphore, #tpu.memory_space<semaphore_mem>> -> memref<1x!tpu.dma_semaphore, #tpu.memory_space<semaphore_mem>>
    %dma_start3A_113 = tpu.memref_squeeze %dma_start3A_112 : memref<1x!tpu.dma_semaphore, #tpu.memory_space<semaphore_mem>> -> memref<!tpu.dma_semaphore, #tpu.memory_space<semaphore_mem>>
    %dma_start3A_114 = tpu.memref_slice %arg3[%add3A_104] : memref<3200000xf32, #tpu.memory_space<hbm>> -> memref<8192xf32, #tpu.memory_space<hbm>>
    tpu.enqueue_dma source(%dma_start3A_114 : memref<8192xf32, #tpu.memory_space<hbm>>) target(%arg7 : memref<8192xf32, #tpu.memory_space<vmem>>) target_semaphore(%dma_start3A_113 : memref<!tpu.dma_semaphore, #tpu.memory_space<semaphore_mem>>)
    %add3A_115 = arith.constant 8192 : i32
    %add3A_116 = arith.addi %mul3A_8, %add3A_115 : i32
    %dma_start3A_117 = arith.constant 1 : i32
    %dma_start3A_118 = tpu.memref_slice %arg2[%add3A_116] : memref<3200000xi32, #tpu.memory_space<hbm>> -> memref<8192xi32, #tpu.memory_space<hbm>>
    %dma_start3A_119 = tpu.memref_slice %arg17[%dma_start3A_117] : memref<10x!tpu.dma_semaphore, #tpu.memory_space<semaphore_mem>> -> memref<1x!tpu.dma_semaphore, #tpu.memory_space<semaphore_mem>>
    %dma_start3A_120 = tpu.memref_squeeze %dma_start3A_119 : memref<1x!tpu.dma_semaphore, #tpu.memory_space<semaphore_mem>> -> memref<!tpu.dma_semaphore, #tpu.memory_space<semaphore_mem>>
    %dma_start3A_121 = tpu.memref_slice %arg2[%add3A_116] : memref<3200000xi32, #tpu.memory_space<hbm>> -> memref<8192xi32, #tpu.memory_space<hbm>>
    tpu.enqueue_dma source(%dma_start3A_121 : memref<8192xi32, #tpu.memory_space<hbm>>) target(%arg8 : memref<8192xi32, #tpu.memory_space<vmem>>) target_semaphore(%dma_start3A_120 : memref<!tpu.dma_semaphore, #tpu.memory_space<semaphore_mem>>)
    %dma_start3A_122 = arith.constant 4 : i32
    %dma_start3A_123 = tpu.memref_slice %arg3[%add3A_116] : memref<3200000xf32, #tpu.memory_space<hbm>> -> memref<8192xf32, #tpu.memory_space<hbm>>
    %dma_start3A_124 = tpu.memref_slice %arg17[%dma_start3A_122] : memref<10x!tpu.dma_semaphore, #tpu.memory_space<semaphore_mem>> -> memref<1x!tpu.dma_semaphore, #tpu.memory_space<semaphore_mem>>
    %dma_start3A_125 = tpu.memref_squeeze %dma_start3A_124 : memref<1x!tpu.dma_semaphore, #tpu.memory_space<semaphore_mem>> -> memref<!tpu.dma_semaphore, #tpu.memory_space<semaphore_mem>>
    %dma_start3A_126 = tpu.memref_slice %arg3[%add3A_116] : memref<3200000xf32, #tpu.memory_space<hbm>> -> memref<8192xf32, #tpu.memory_space<hbm>>
    tpu.enqueue_dma source(%dma_start3A_126 : memref<8192xf32, #tpu.memory_space<hbm>>) target(%arg9 : memref<8192xf32, #tpu.memory_space<vmem>>) target_semaphore(%dma_start3A_125 : memref<!tpu.dma_semaphore, #tpu.memory_space<semaphore_mem>>)
    %add3A_127 = arith.constant 16384 : i32
    %add3A_128 = arith.addi %mul3A_8, %add3A_127 : i32
    %dma_start3A_129 = arith.constant 2 : i32
    %dma_start3A_130 = tpu.memref_slice %arg2[%add3A_128] : memref<3200000xi32, #tpu.memory_space<hbm>> -> memref<8192xi32, #tpu.memory_space<hbm>>
    %dma_start3A_131 = tpu.memref_slice %arg17[%dma_start3A_129] : memref<10x!tpu.dma_semaphore, #tpu.memory_space<semaphore_mem>> -> memref<1x!tpu.dma_semaphore, #tpu.memory_space<semaphore_mem>>
    %dma_start3A_132 = tpu.memref_squeeze %dma_start3A_131 : memref<1x!tpu.dma_semaphore, #tpu.memory_space<semaphore_mem>> -> memref<!tpu.dma_semaphore, #tpu.memory_space<semaphore_mem>>
    %dma_start3A_133 = tpu.memref_slice %arg2[%add3A_128] : memref<3200000xi32, #tpu.memory_space<hbm>> -> memref<8192xi32, #tpu.memory_space<hbm>>
    tpu.enqueue_dma source(%dma_start3A_133 : memref<8192xi32, #tpu.memory_space<hbm>>) target(%arg10 : memref<8192xi32, #tpu.memory_space<vmem>>) target_semaphore(%dma_start3A_132 : memref<!tpu.dma_semaphore, #tpu.memory_space<semaphore_mem>>)
    %dma_start3A_134 = arith.constant 5 : i32
    %dma_start3A_135 = tpu.memref_slice %arg3[%add3A_128] : memref<3200000xf32, #tpu.memory_space<hbm>> -> memref<8192xf32, #tpu.memory_space<hbm>>
    %dma_start3A_136 = tpu.memref_slice %arg17[%dma_start3A_134] : memref<10x!tpu.dma_semaphore, #tpu.memory_space<semaphore_mem>> -> memref<1x!tpu.dma_semaphore, #tpu.memory_space<semaphore_mem>>
    %dma_start3A_137 = tpu.memref_squeeze %dma_start3A_136 : memref<1x!tpu.dma_semaphore, #tpu.memory_space<semaphore_mem>> -> memref<!tpu.dma_semaphore, #tpu.memory_space<semaphore_mem>>
    %dma_start3A_138 = tpu.memref_slice %arg3[%add3A_128] : memref<3200000xf32, #tpu.memory_space<hbm>> -> memref<8192xf32, #tpu.memory_space<hbm>>
    tpu.enqueue_dma source(%dma_start3A_138 : memref<8192xf32, #tpu.memory_space<hbm>>) target(%arg11 : memref<8192xf32, #tpu.memory_space<vmem>>) target_semaphore(%dma_start3A_137 : memref<!tpu.dma_semaphore, #tpu.memory_space<semaphore_mem>>)
    %dma_wait3A = arith.constant 6 : i32
    %dma_wait3A_139 = arith.constant 0 : i32
    %dma_wait3A_140 = tpu.memref_slice %arg16[%dma_wait3A_139] : memref<8192xf32, #tpu.memory_space<vmem>> -> memref<8192xf32, #tpu.memory_space<vmem>>
    %dma_wait3A_141 = tpu.memref_slice %arg5[%add3A_17] : memref<1000448xf32, #tpu.memory_space<vmem_shared>> -> memref<8192xf32, #tpu.memory_space<vmem_shared>>
    %dma_wait3A_142 = tpu.memref_slice %arg17[%dma_wait3A] : memref<10x!tpu.dma_semaphore, #tpu.memory_space<semaphore_mem>> -> memref<1x!tpu.dma_semaphore, #tpu.memory_space<semaphore_mem>>
    %dma_wait3A_143 = tpu.memref_squeeze %dma_wait3A_142 : memref<1x!tpu.dma_semaphore, #tpu.memory_space<semaphore_mem>> -> memref<!tpu.dma_semaphore, #tpu.memory_space<semaphore_mem>>
    %dma_wait3A_144 = tpu.memref_slice %arg5[%add3A_17] : memref<1000448xf32, #tpu.memory_space<vmem_shared>> -> memref<8192xf32, #tpu.memory_space<vmem_shared>>
    %dma_wait3A_145 = arith.constant 0 : i32
    %dma_wait3A_146 = tpu.memref_slice %arg16[%dma_wait3A_145] : memref<8192xf32, #tpu.memory_space<vmem>> -> memref<8192xf32, #tpu.memory_space<vmem>>
    tpu.wait_dma2 semaphore(%dma_wait3A_143 : memref<!tpu.dma_semaphore, #tpu.memory_space<semaphore_mem>>) src(%dma_wait3A_146 : memref<8192xf32, #tpu.memory_space<vmem>>) dst(%dma_wait3A_144 : memref<8192xf32, #tpu.memory_space<vmem_shared>>)
    %dma_wait3A_147 = arith.constant 6 : i32
    %dma_wait3A_148 = arith.constant 0 : i32
    %dma_wait3A_149 = tpu.memref_slice %arg16[%dma_wait3A_148] : memref<8192xf32, #tpu.memory_space<vmem>> -> memref<8192xf32, #tpu.memory_space<vmem>>
    %dma_wait3A_150 = tpu.memref_slice %arg5[%add3A_27] : memref<1000448xf32, #tpu.memory_space<vmem_shared>> -> memref<8192xf32, #tpu.memory_space<vmem_shared>>
    %dma_wait3A_151 = tpu.memref_slice %arg17[%dma_wait3A_147] : memref<10x!tpu.dma_semaphore, #tpu.memory_space<semaphore_mem>> -> memref<1x!tpu.dma_semaphore, #tpu.memory_space<semaphore_mem>>
    %dma_wait3A_152 = tpu.memref_squeeze %dma_wait3A_151 : memref<1x!tpu.dma_semaphore, #tpu.memory_space<semaphore_mem>> -> memref<!tpu.dma_semaphore, #tpu.memory_space<semaphore_mem>>
    %dma_wait3A_153 = tpu.memref_slice %arg5[%add3A_27] : memref<1000448xf32, #tpu.memory_space<vmem_shared>> -> memref<8192xf32, #tpu.memory_space<vmem_shared>>
    %dma_wait3A_154 = arith.constant 0 : i32
    %dma_wait3A_155 = tpu.memref_slice %arg16[%dma_wait3A_154] : memref<8192xf32, #tpu.memory_space<vmem>> -> memref<8192xf32, #tpu.memory_space<vmem>>
    tpu.wait_dma2 semaphore(%dma_wait3A_152 : memref<!tpu.dma_semaphore, #tpu.memory_space<semaphore_mem>>) src(%dma_wait3A_155 : memref<8192xf32, #tpu.memory_space<vmem>>) dst(%dma_wait3A_153 : memref<8192xf32, #tpu.memory_space<vmem_shared>>)
    %dma_wait3A_156 = arith.constant 6 : i32
    %dma_wait3A_157 = arith.constant 0 : i32
    %dma_wait3A_158 = tpu.memref_slice %arg16[%dma_wait3A_157] : memref<8192xf32, #tpu.memory_space<vmem>> -> memref<8192xf32, #tpu.memory_space<vmem>>
    %dma_wait3A_159 = tpu.memref_slice %arg5[%add3A_38] : memref<1000448xf32, #tpu.memory_space<vmem_shared>> -> memref<8192xf32, #tpu.memory_space<vmem_shared>>
    %dma_wait3A_160 = tpu.memref_slice %arg17[%dma_wait3A_156] : memref<10x!tpu.dma_semaphore, #tpu.memory_space<semaphore_mem>> -> memref<1x!tpu.dma_semaphore, #tpu.memory_space<semaphore_mem>>
    %dma_wait3A_161 = tpu.memref_squeeze %dma_wait3A_160 : memref<1x!tpu.dma_semaphore, #tpu.memory_space<semaphore_mem>> -> memref<!tpu.dma_semaphore, #tpu.memory_space<semaphore_mem>>
    %dma_wait3A_162 = tpu.memref_slice %arg5[%add3A_38] : memref<1000448xf32, #tpu.memory_space<vmem_shared>> -> memref<8192xf32, #tpu.memory_space<vmem_shared>>
    %dma_wait3A_163 = arith.constant 0 : i32
    %dma_wait3A_164 = tpu.memref_slice %arg16[%dma_wait3A_163] : memref<8192xf32, #tpu.memory_space<vmem>> -> memref<8192xf32, #tpu.memory_space<vmem>>
    tpu.wait_dma2 semaphore(%dma_wait3A_161 : memref<!tpu.dma_semaphore, #tpu.memory_space<semaphore_mem>>) src(%dma_wait3A_164 : memref<8192xf32, #tpu.memory_space<vmem>>) dst(%dma_wait3A_162 : memref<8192xf32, #tpu.memory_space<vmem_shared>>)
    %dma_wait3A_165 = arith.constant 6 : i32
    %dma_wait3A_166 = arith.constant 0 : i32
    %dma_wait3A_167 = tpu.memref_slice %arg16[%dma_wait3A_166] : memref<8192xf32, #tpu.memory_space<vmem>> -> memref<8192xf32, #tpu.memory_space<vmem>>
    %dma_wait3A_168 = tpu.memref_slice %arg5[%add3A_49] : memref<1000448xf32, #tpu.memory_space<vmem_shared>> -> memref<8192xf32, #tpu.memory_space<vmem_shared>>
    %dma_wait3A_169 = tpu.memref_slice %arg17[%dma_wait3A_165] : memref<10x!tpu.dma_semaphore, #tpu.memory_space<semaphore_mem>> -> memref<1x!tpu.dma_semaphore, #tpu.memory_space<semaphore_mem>>
    %dma_wait3A_170 = tpu.memref_squeeze %dma_wait3A_169 : memref<1x!tpu.dma_semaphore, #tpu.memory_space<semaphore_mem>> -> memref<!tpu.dma_semaphore, #tpu.memory_space<semaphore_mem>>
    %dma_wait3A_171 = tpu.memref_slice %arg5[%add3A_49] : memref<1000448xf32, #tpu.memory_space<vmem_shared>> -> memref<8192xf32, #tpu.memory_space<vmem_shared>>
    %dma_wait3A_172 = arith.constant 0 : i32
    %dma_wait3A_173 = tpu.memref_slice %arg16[%dma_wait3A_172] : memref<8192xf32, #tpu.memory_space<vmem>> -> memref<8192xf32, #tpu.memory_space<vmem>>
    tpu.wait_dma2 semaphore(%dma_wait3A_170 : memref<!tpu.dma_semaphore, #tpu.memory_space<semaphore_mem>>) src(%dma_wait3A_173 : memref<8192xf32, #tpu.memory_space<vmem>>) dst(%dma_wait3A_171 : memref<8192xf32, #tpu.memory_space<vmem_shared>>)
    %dma_wait3A_174 = arith.constant 6 : i32
    %dma_wait3A_175 = arith.constant 0 : i32
    %dma_wait3A_176 = tpu.memref_slice %arg16[%dma_wait3A_175] : memref<8192xf32, #tpu.memory_space<vmem>> -> memref<8192xf32, #tpu.memory_space<vmem>>
    %dma_wait3A_177 = tpu.memref_slice %arg5[%add3A_60] : memref<1000448xf32, #tpu.memory_space<vmem_shared>> -> memref<8192xf32, #tpu.memory_space<vmem_shared>>
    %dma_wait3A_178 = tpu.memref_slice %arg17[%dma_wait3A_174] : memref<10x!tpu.dma_semaphore, #tpu.memory_space<semaphore_mem>> -> memref<1x!tpu.dma_semaphore, #tpu.memory_space<semaphore_mem>>
    %dma_wait3A_179 = tpu.memref_squeeze %dma_wait3A_178 : memref<1x!tpu.dma_semaphore, #tpu.memory_space<semaphore_mem>> -> memref<!tpu.dma_semaphore, #tpu.memory_space<semaphore_mem>>
    %dma_wait3A_180 = tpu.memref_slice %arg5[%add3A_60] : memref<1000448xf32, #tpu.memory_space<vmem_shared>> -> memref<8192xf32, #tpu.memory_space<vmem_shared>>
    %dma_wait3A_181 = arith.constant 0 : i32
    %dma_wait3A_182 = tpu.memref_slice %arg16[%dma_wait3A_181] : memref<8192xf32, #tpu.memory_space<vmem>> -> memref<8192xf32, #tpu.memory_space<vmem>>
    tpu.wait_dma2 semaphore(%dma_wait3A_179 : memref<!tpu.dma_semaphore, #tpu.memory_space<semaphore_mem>>) src(%dma_wait3A_182 : memref<8192xf32, #tpu.memory_space<vmem>>) dst(%dma_wait3A_180 : memref<8192xf32, #tpu.memory_space<vmem_shared>>)
    %dma_wait3A_183 = arith.constant 6 : i32
    %dma_wait3A_184 = arith.constant 0 : i32
    %dma_wait3A_185 = tpu.memref_slice %arg16[%dma_wait3A_184] : memref<8192xf32, #tpu.memory_space<vmem>> -> memref<8192xf32, #tpu.memory_space<vmem>>
    %dma_wait3A_186 = tpu.memref_slice %arg5[%add3A_71] : memref<1000448xf32, #tpu.memory_space<vmem_shared>> -> memref<8192xf32, #tpu.memory_space<vmem_shared>>
    %dma_wait3A_187 = tpu.memref_slice %arg17[%dma_wait3A_183] : memref<10x!tpu.dma_semaphore, #tpu.memory_space<semaphore_mem>> -> memref<1x!tpu.dma_semaphore, #tpu.memory_space<semaphore_mem>>
    %dma_wait3A_188 = tpu.memref_squeeze %dma_wait3A_187 : memref<1x!tpu.dma_semaphore, #tpu.memory_space<semaphore_mem>> -> memref<!tpu.dma_semaphore, #tpu.memory_space<semaphore_mem>>
    %dma_wait3A_189 = tpu.memref_slice %arg5[%add3A_71] : memref<1000448xf32, #tpu.memory_space<vmem_shared>> -> memref<8192xf32, #tpu.memory_space<vmem_shared>>
    %dma_wait3A_190 = arith.constant 0 : i32
    %dma_wait3A_191 = tpu.memref_slice %arg16[%dma_wait3A_190] : memref<8192xf32, #tpu.memory_space<vmem>> -> memref<8192xf32, #tpu.memory_space<vmem>>
    tpu.wait_dma2 semaphore(%dma_wait3A_188 : memref<!tpu.dma_semaphore, #tpu.memory_space<semaphore_mem>>) src(%dma_wait3A_191 : memref<8192xf32, #tpu.memory_space<vmem>>) dst(%dma_wait3A_189 : memref<8192xf32, #tpu.memory_space<vmem_shared>>)
    %dma_wait3A_192 = arith.constant 6 : i32
    %dma_wait3A_193 = arith.constant 0 : i32
    %dma_wait3A_194 = tpu.memref_slice %arg16[%dma_wait3A_193] : memref<8192xf32, #tpu.memory_space<vmem>> -> memref<8192xf32, #tpu.memory_space<vmem>>
    %dma_wait3A_195 = tpu.memref_slice %arg5[%add3A_82] : memref<1000448xf32, #tpu.memory_space<vmem_shared>> -> memref<8192xf32, #tpu.memory_space<vmem_shared>>
    %dma_wait3A_196 = tpu.memref_slice %arg17[%dma_wait3A_192] : memref<10x!tpu.dma_semaphore, #tpu.memory_space<semaphore_mem>> -> memref<1x!tpu.dma_semaphore, #tpu.memory_space<semaphore_mem>>
    %dma_wait3A_197 = tpu.memref_squeeze %dma_wait3A_196 : memref<1x!tpu.dma_semaphore, #tpu.memory_space<semaphore_mem>> -> memref<!tpu.dma_semaphore, #tpu.memory_space<semaphore_mem>>
    %dma_wait3A_198 = tpu.memref_slice %arg5[%add3A_82] : memref<1000448xf32, #tpu.memory_space<vmem_shared>> -> memref<8192xf32, #tpu.memory_space<vmem_shared>>
    %dma_wait3A_199 = arith.constant 0 : i32
    %dma_wait3A_200 = tpu.memref_slice %arg16[%dma_wait3A_199] : memref<8192xf32, #tpu.memory_space<vmem>> -> memref<8192xf32, #tpu.memory_space<vmem>>
    tpu.wait_dma2 semaphore(%dma_wait3A_197 : memref<!tpu.dma_semaphore, #tpu.memory_space<semaphore_mem>>) src(%dma_wait3A_200 : memref<8192xf32, #tpu.memory_space<vmem>>) dst(%dma_wait3A_198 : memref<8192xf32, #tpu.memory_space<vmem_shared>>)
    %dma_wait3A_201 = arith.constant 6 : i32
    %dma_wait3A_202 = arith.constant 0 : i32
    %dma_wait3A_203 = tpu.memref_slice %arg16[%dma_wait3A_202] : memref<8192xf32, #tpu.memory_space<vmem>> -> memref<5184xf32, #tpu.memory_space<vmem>>
    %dma_wait3A_204 = tpu.memref_slice %arg5[%add3A_93] : memref<1000448xf32, #tpu.memory_space<vmem_shared>> -> memref<5184xf32, #tpu.memory_space<vmem_shared>>
    %dma_wait3A_205 = tpu.memref_slice %arg17[%dma_wait3A_201] : memref<10x!tpu.dma_semaphore, #tpu.memory_space<semaphore_mem>> -> memref<1x!tpu.dma_semaphore, #tpu.memory_space<semaphore_mem>>
    %dma_wait3A_206 = tpu.memref_squeeze %dma_wait3A_205 : memref<1x!tpu.dma_semaphore, #tpu.memory_space<semaphore_mem>> -> memref<!tpu.dma_semaphore, #tpu.memory_space<semaphore_mem>>
    %dma_wait3A_207 = tpu.memref_slice %arg5[%add3A_93] : memref<1000448xf32, #tpu.memory_space<vmem_shared>> -> memref<5184xf32, #tpu.memory_space<vmem_shared>>
    %dma_wait3A_208 = arith.constant 0 : i32
    %dma_wait3A_209 = tpu.memref_slice %arg16[%dma_wait3A_208] : memref<8192xf32, #tpu.memory_space<vmem>> -> memref<5184xf32, #tpu.memory_space<vmem>>
    tpu.wait_dma2 semaphore(%dma_wait3A_206 : memref<!tpu.dma_semaphore, #tpu.memory_space<semaphore_mem>>) src(%dma_wait3A_209 : memref<5184xf32, #tpu.memory_space<vmem>>) dst(%dma_wait3A_207 : memref<5184xf32, #tpu.memory_space<vmem_shared>>)
    %barrier3A = arith.constant 0 : index
    tpu.barrier barrier_id(%barrier3A)
    %dma_wait3A_210 = arith.constant 0 : i32
    %dma_wait3A_211 = tpu.memref_slice %arg2[%add3A_104] : memref<3200000xi32, #tpu.memory_space<hbm>> -> memref<8192xi32, #tpu.memory_space<hbm>>
    %dma_wait3A_212 = tpu.memref_slice %arg17[%dma_wait3A_210] : memref<10x!tpu.dma_semaphore, #tpu.memory_space<semaphore_mem>> -> memref<1x!tpu.dma_semaphore, #tpu.memory_space<semaphore_mem>>
    %dma_wait3A_213 = tpu.memref_squeeze %dma_wait3A_212 : memref<1x!tpu.dma_semaphore, #tpu.memory_space<semaphore_mem>> -> memref<!tpu.dma_semaphore, #tpu.memory_space<semaphore_mem>>
    %dma_wait3A_214 = tpu.memref_slice %arg2[%add3A_104] : memref<3200000xi32, #tpu.memory_space<hbm>> -> memref<8192xi32, #tpu.memory_space<hbm>>
    tpu.wait_dma2 semaphore(%dma_wait3A_213 : memref<!tpu.dma_semaphore, #tpu.memory_space<semaphore_mem>>) src(%dma_wait3A_214 : memref<8192xi32, #tpu.memory_space<hbm>>) dst(%arg6 : memref<8192xi32, #tpu.memory_space<vmem>>)
    %dma_wait3A_215 = arith.constant 3 : i32
    %dma_wait3A_216 = tpu.memref_slice %arg3[%add3A_104] : memref<3200000xf32, #tpu.memory_space<hbm>> -> memref<8192xf32, #tpu.memory_space<hbm>>
    %dma_wait3A_217 = tpu.memref_slice %arg17[%dma_wait3A_215] : memref<10x!tpu.dma_semaphore, #tpu.memory_space<semaphore_mem>> -> memref<1x!tpu.dma_semaphore, #tpu.memory_space<semaphore_mem>>
    %dma_wait3A_218 = tpu.memref_squeeze %dma_wait3A_217 : memref<1x!tpu.dma_semaphore, #tpu.memory_space<semaphore_mem>> -> memref<!tpu.dma_semaphore, #tpu.memory_space<semaphore_mem>>
    %dma_wait3A_219 = tpu.memref_slice %arg3[%add3A_104] : memref<3200000xf32, #tpu.memory_space<hbm>> -> memref<8192xf32, #tpu.memory_space<hbm>>
    tpu.wait_dma2 semaphore(%dma_wait3A_218 : memref<!tpu.dma_semaphore, #tpu.memory_space<semaphore_mem>>) src(%dma_wait3A_219 : memref<8192xf32, #tpu.memory_space<hbm>>) dst(%arg7 : memref<8192xf32, #tpu.memory_space<vmem>>)
    %dma_start3A_220 = arith.constant 7 : i32
    %dma_start3A_221 = arith.constant 0 : i32
    %dma_start3A_222 = tpu.memref_slice %arg5[%dma_start3A_221] : memref<1000448xf32, #tpu.memory_space<vmem_shared>> -> memref<1000448xf32, #tpu.memory_space<vmem_shared>>
    %dma_start3A_223 = tpu.memref_slice %arg17[%dma_start3A_220] : memref<10x!tpu.dma_semaphore, #tpu.memory_space<semaphore_mem>> -> memref<1x!tpu.dma_semaphore, #tpu.memory_space<semaphore_mem>>
    %dma_start3A_224 = tpu.memref_squeeze %dma_start3A_223 : memref<1x!tpu.dma_semaphore, #tpu.memory_space<semaphore_mem>> -> memref<!tpu.dma_semaphore, #tpu.memory_space<semaphore_mem>>
    tpu.enqueue_indirect_dma source(%arg7 : memref<8192xf32, #tpu.memory_space<vmem>>) target(%dma_start3A_222 : memref<1000448xf32, #tpu.memory_space<vmem_shared>>) offsets(%arg6 : memref<8192xi32, #tpu.memory_space<vmem>>) semaphore(%dma_start3A_224 : memref<!tpu.dma_semaphore, #tpu.memory_space<semaphore_mem>>) {add = true}
    %dma_wait3A_225 = arith.constant 1 : i32
    %dma_wait3A_226 = tpu.memref_slice %arg2[%add3A_116] : memref<3200000xi32, #tpu.memory_space<hbm>> -> memref<8192xi32, #tpu.memory_space<hbm>>
    %dma_wait3A_227 = tpu.memref_slice %arg17[%dma_wait3A_225] : memref<10x!tpu.dma_semaphore, #tpu.memory_space<semaphore_mem>> -> memref<1x!tpu.dma_semaphore, #tpu.memory_space<semaphore_mem>>
    %dma_wait3A_228 = tpu.memref_squeeze %dma_wait3A_227 : memref<1x!tpu.dma_semaphore, #tpu.memory_space<semaphore_mem>> -> memref<!tpu.dma_semaphore, #tpu.memory_space<semaphore_mem>>
    %dma_wait3A_229 = tpu.memref_slice %arg2[%add3A_116] : memref<3200000xi32, #tpu.memory_space<hbm>> -> memref<8192xi32, #tpu.memory_space<hbm>>
    tpu.wait_dma2 semaphore(%dma_wait3A_228 : memref<!tpu.dma_semaphore, #tpu.memory_space<semaphore_mem>>) src(%dma_wait3A_229 : memref<8192xi32, #tpu.memory_space<hbm>>) dst(%arg8 : memref<8192xi32, #tpu.memory_space<vmem>>)
    %dma_wait3A_230 = arith.constant 4 : i32
    %dma_wait3A_231 = tpu.memref_slice %arg3[%add3A_116] : memref<3200000xf32, #tpu.memory_space<hbm>> -> memref<8192xf32, #tpu.memory_space<hbm>>
    %dma_wait3A_232 = tpu.memref_slice %arg17[%dma_wait3A_230] : memref<10x!tpu.dma_semaphore, #tpu.memory_space<semaphore_mem>> -> memref<1x!tpu.dma_semaphore, #tpu.memory_space<semaphore_mem>>
    %dma_wait3A_233 = tpu.memref_squeeze %dma_wait3A_232 : memref<1x!tpu.dma_semaphore, #tpu.memory_space<semaphore_mem>> -> memref<!tpu.dma_semaphore, #tpu.memory_space<semaphore_mem>>
    %dma_wait3A_234 = tpu.memref_slice %arg3[%add3A_116] : memref<3200000xf32, #tpu.memory_space<hbm>> -> memref<8192xf32, #tpu.memory_space<hbm>>
    tpu.wait_dma2 semaphore(%dma_wait3A_233 : memref<!tpu.dma_semaphore, #tpu.memory_space<semaphore_mem>>) src(%dma_wait3A_234 : memref<8192xf32, #tpu.memory_space<hbm>>) dst(%arg9 : memref<8192xf32, #tpu.memory_space<vmem>>)
    %dma_start3A_235 = arith.constant 8 : i32
    %dma_start3A_236 = arith.constant 0 : i32
    %dma_start3A_237 = tpu.memref_slice %arg5[%dma_start3A_236] : memref<1000448xf32, #tpu.memory_space<vmem_shared>> -> memref<1000448xf32, #tpu.memory_space<vmem_shared>>
    %dma_start3A_238 = tpu.memref_slice %arg17[%dma_start3A_235] : memref<10x!tpu.dma_semaphore, #tpu.memory_space<semaphore_mem>> -> memref<1x!tpu.dma_semaphore, #tpu.memory_space<semaphore_mem>>
    %dma_start3A_239 = tpu.memref_squeeze %dma_start3A_238 : memref<1x!tpu.dma_semaphore, #tpu.memory_space<semaphore_mem>> -> memref<!tpu.dma_semaphore, #tpu.memory_space<semaphore_mem>>
    tpu.enqueue_indirect_dma source(%arg9 : memref<8192xf32, #tpu.memory_space<vmem>>) target(%dma_start3A_237 : memref<1000448xf32, #tpu.memory_space<vmem_shared>>) offsets(%arg8 : memref<8192xi32, #tpu.memory_space<vmem>>) semaphore(%dma_start3A_239 : memref<!tpu.dma_semaphore, #tpu.memory_space<semaphore_mem>>) {add = true}
    %dma_wait3A_240 = arith.constant 2 : i32
    %dma_wait3A_241 = tpu.memref_slice %arg2[%add3A_128] : memref<3200000xi32, #tpu.memory_space<hbm>> -> memref<8192xi32, #tpu.memory_space<hbm>>
    %dma_wait3A_242 = tpu.memref_slice %arg17[%dma_wait3A_240] : memref<10x!tpu.dma_semaphore, #tpu.memory_space<semaphore_mem>> -> memref<1x!tpu.dma_semaphore, #tpu.memory_space<semaphore_mem>>
    %dma_wait3A_243 = tpu.memref_squeeze %dma_wait3A_242 : memref<1x!tpu.dma_semaphore, #tpu.memory_space<semaphore_mem>> -> memref<!tpu.dma_semaphore, #tpu.memory_space<semaphore_mem>>
    %dma_wait3A_244 = tpu.memref_slice %arg2[%add3A_128] : memref<3200000xi32, #tpu.memory_space<hbm>> -> memref<8192xi32, #tpu.memory_space<hbm>>
    tpu.wait_dma2 semaphore(%dma_wait3A_243 : memref<!tpu.dma_semaphore, #tpu.memory_space<semaphore_mem>>) src(%dma_wait3A_244 : memref<8192xi32, #tpu.memory_space<hbm>>) dst(%arg10 : memref<8192xi32, #tpu.memory_space<vmem>>)
    %dma_wait3A_245 = arith.constant 5 : i32
    %dma_wait3A_246 = tpu.memref_slice %arg3[%add3A_128] : memref<3200000xf32, #tpu.memory_space<hbm>> -> memref<8192xf32, #tpu.memory_space<hbm>>
    %dma_wait3A_247 = tpu.memref_slice %arg17[%dma_wait3A_245] : memref<10x!tpu.dma_semaphore, #tpu.memory_space<semaphore_mem>> -> memref<1x!tpu.dma_semaphore, #tpu.memory_space<semaphore_mem>>
    %dma_wait3A_248 = tpu.memref_squeeze %dma_wait3A_247 : memref<1x!tpu.dma_semaphore, #tpu.memory_space<semaphore_mem>> -> memref<!tpu.dma_semaphore, #tpu.memory_space<semaphore_mem>>
    %dma_wait3A_249 = tpu.memref_slice %arg3[%add3A_128] : memref<3200000xf32, #tpu.memory_space<hbm>> -> memref<8192xf32, #tpu.memory_space<hbm>>
    tpu.wait_dma2 semaphore(%dma_wait3A_248 : memref<!tpu.dma_semaphore, #tpu.memory_space<semaphore_mem>>) src(%dma_wait3A_249 : memref<8192xf32, #tpu.memory_space<hbm>>) dst(%arg11 : memref<8192xf32, #tpu.memory_space<vmem>>)
    %dma_start3A_250 = arith.constant 9 : i32
    %dma_start3A_251 = arith.constant 0 : i32
    %dma_start3A_252 = tpu.memref_slice %arg5[%dma_start3A_251] : memref<1000448xf32, #tpu.memory_space<vmem_shared>> -> memref<1000448xf32, #tpu.memory_space<vmem_shared>>
    %dma_start3A_253 = tpu.memref_slice %arg17[%dma_start3A_250] : memref<10x!tpu.dma_semaphore, #tpu.memory_space<semaphore_mem>> -> memref<1x!tpu.dma_semaphore, #tpu.memory_space<semaphore_mem>>
    %dma_start3A_254 = tpu.memref_squeeze %dma_start3A_253 : memref<1x!tpu.dma_semaphore, #tpu.memory_space<semaphore_mem>> -> memref<!tpu.dma_semaphore, #tpu.memory_space<semaphore_mem>>
    tpu.enqueue_indirect_dma source(%arg11 : memref<8192xf32, #tpu.memory_space<vmem>>) target(%dma_start3A_252 : memref<1000448xf32, #tpu.memory_space<vmem_shared>>) offsets(%arg10 : memref<8192xi32, #tpu.memory_space<vmem>>) semaphore(%dma_start3A_254 : memref<!tpu.dma_semaphore, #tpu.memory_space<semaphore_mem>>) {add = true}
    %dma_wait3A_255 = arith.constant 7 : i32
    %dma_wait3A_256 = arith.constant 0 : i32
    %dma_wait3A_257 = tpu.memref_slice %arg5[%dma_wait3A_256] : memref<1000448xf32, #tpu.memory_space<vmem_shared>> -> memref<1000448xf32, #tpu.memory_space<vmem_shared>>
    %dma_wait3A_258 = tpu.memref_slice %arg17[%dma_wait3A_255] : memref<10x!tpu.dma_semaphore, #tpu.memory_space<semaphore_mem>> -> memref<1x!tpu.dma_semaphore, #tpu.memory_space<semaphore_mem>>
    %dma_wait3A_259 = tpu.memref_squeeze %dma_wait3A_258 : memref<1x!tpu.dma_semaphore, #tpu.memory_space<semaphore_mem>> -> memref<!tpu.dma_semaphore, #tpu.memory_space<semaphore_mem>>
    tpu.wait_indirect_dma semaphore(%dma_wait3A_259 : memref<!tpu.dma_semaphore, #tpu.memory_space<semaphore_mem>>) src(%arg7 : memref<8192xf32, #tpu.memory_space<vmem>>) dst(%dma_wait3A_257 : memref<1000448xf32, #tpu.memory_space<vmem_shared>>)
    %add3A_260 = arith.constant 24576 : i32
    %add3A_261 = arith.addi %mul3A_8, %add3A_260 : i32
    %dma_start3A_262 = arith.constant 0 : i32
    %dma_start3A_263 = tpu.memref_slice %arg2[%add3A_261] : memref<3200000xi32, #tpu.memory_space<hbm>> -> memref<8192xi32, #tpu.memory_space<hbm>>
    %dma_start3A_264 = tpu.memref_slice %arg17[%dma_start3A_262] : memref<10x!tpu.dma_semaphore, #tpu.memory_space<semaphore_mem>> -> memref<1x!tpu.dma_semaphore, #tpu.memory_space<semaphore_mem>>
    %dma_start3A_265 = tpu.memref_squeeze %dma_start3A_264 : memref<1x!tpu.dma_semaphore, #tpu.memory_space<semaphore_mem>> -> memref<!tpu.dma_semaphore, #tpu.memory_space<semaphore_mem>>
    %dma_start3A_266 = tpu.memref_slice %arg2[%add3A_261] : memref<3200000xi32, #tpu.memory_space<hbm>> -> memref<8192xi32, #tpu.memory_space<hbm>>
    tpu.enqueue_dma source(%dma_start3A_266 : memref<8192xi32, #tpu.memory_space<hbm>>) target(%arg6 : memref<8192xi32, #tpu.memory_space<vmem>>) target_semaphore(%dma_start3A_265 : memref<!tpu.dma_semaphore, #tpu.memory_space<semaphore_mem>>)
    %dma_start3A_267 = arith.constant 3 : i32
    %dma_start3A_268 = tpu.memref_slice %arg3[%add3A_261] : memref<3200000xf32, #tpu.memory_space<hbm>> -> memref<8192xf32, #tpu.memory_space<hbm>>
    %dma_start3A_269 = tpu.memref_slice %arg17[%dma_start3A_267] : memref<10x!tpu.dma_semaphore, #tpu.memory_space<semaphore_mem>> -> memref<1x!tpu.dma_semaphore, #tpu.memory_space<semaphore_mem>>
    %dma_start3A_270 = tpu.memref_squeeze %dma_start3A_269 : memref<1x!tpu.dma_semaphore, #tpu.memory_space<semaphore_mem>> -> memref<!tpu.dma_semaphore, #tpu.memory_space<semaphore_mem>>
    %dma_start3A_271 = tpu.memref_slice %arg3[%add3A_261] : memref<3200000xf32, #tpu.memory_space<hbm>> -> memref<8192xf32, #tpu.memory_space<hbm>>
    tpu.enqueue_dma source(%dma_start3A_271 : memref<8192xf32, #tpu.memory_space<hbm>>) target(%arg7 : memref<8192xf32, #tpu.memory_space<vmem>>) target_semaphore(%dma_start3A_270 : memref<!tpu.dma_semaphore, #tpu.memory_space<semaphore_mem>>)
    %dma_wait3A_272 = arith.constant 0 : i32
    %dma_wait3A_273 = tpu.memref_slice %arg2[%add3A_261] : memref<3200000xi32, #tpu.memory_space<hbm>> -> memref<8192xi32, #tpu.memory_space<hbm>>
    %dma_wait3A_274 = tpu.memref_slice %arg17[%dma_wait3A_272] : memref<10x!tpu.dma_semaphore, #tpu.memory_space<semaphore_mem>> -> memref<1x!tpu.dma_semaphore, #tpu.memory_space<semaphore_mem>>
    %dma_wait3A_275 = tpu.memref_squeeze %dma_wait3A_274 : memref<1x!tpu.dma_semaphore, #tpu.memory_space<semaphore_mem>> -> memref<!tpu.dma_semaphore, #tpu.memory_space<semaphore_mem>>
    %dma_wait3A_276 = tpu.memref_slice %arg2[%add3A_261] : memref<3200000xi32, #tpu.memory_space<hbm>> -> memref<8192xi32, #tpu.memory_space<hbm>>
    tpu.wait_dma2 semaphore(%dma_wait3A_275 : memref<!tpu.dma_semaphore, #tpu.memory_space<semaphore_mem>>) src(%dma_wait3A_276 : memref<8192xi32, #tpu.memory_space<hbm>>) dst(%arg6 : memref<8192xi32, #tpu.memory_space<vmem>>)
    %dma_wait3A_277 = arith.constant 3 : i32
    %dma_wait3A_278 = tpu.memref_slice %arg3[%add3A_261] : memref<3200000xf32, #tpu.memory_space<hbm>> -> memref<8192xf32, #tpu.memory_space<hbm>>
    %dma_wait3A_279 = tpu.memref_slice %arg17[%dma_wait3A_277] : memref<10x!tpu.dma_semaphore, #tpu.memory_space<semaphore_mem>> -> memref<1x!tpu.dma_semaphore, #tpu.memory_space<semaphore_mem>>
    %dma_wait3A_280 = tpu.memref_squeeze %dma_wait3A_279 : memref<1x!tpu.dma_semaphore, #tpu.memory_space<semaphore_mem>> -> memref<!tpu.dma_semaphore, #tpu.memory_space<semaphore_mem>>
    %dma_wait3A_281 = tpu.memref_slice %arg3[%add3A_261] : memref<3200000xf32, #tpu.memory_space<hbm>> -> memref<8192xf32, #tpu.memory_space<hbm>>
    tpu.wait_dma2 semaphore(%dma_wait3A_280 : memref<!tpu.dma_semaphore, #tpu.memory_space<semaphore_mem>>) src(%dma_wait3A_281 : memref<8192xf32, #tpu.memory_space<hbm>>) dst(%arg7 : memref<8192xf32, #tpu.memory_space<vmem>>)
    %dma_start3A_282 = arith.constant 7 : i32
    %dma_start3A_283 = arith.constant 0 : i32
    %dma_start3A_284 = tpu.memref_slice %arg5[%dma_start3A_283] : memref<1000448xf32, #tpu.memory_space<vmem_shared>> -> memref<1000448xf32, #tpu.memory_space<vmem_shared>>
    %dma_start3A_285 = tpu.memref_slice %arg17[%dma_start3A_282] : memref<10x!tpu.dma_semaphore, #tpu.memory_space<semaphore_mem>> -> memref<1x!tpu.dma_semaphore, #tpu.memory_space<semaphore_mem>>
    %dma_start3A_286 = tpu.memref_squeeze %dma_start3A_285 : memref<1x!tpu.dma_semaphore, #tpu.memory_space<semaphore_mem>> -> memref<!tpu.dma_semaphore, #tpu.memory_space<semaphore_mem>>
    tpu.enqueue_indirect_dma source(%arg7 : memref<8192xf32, #tpu.memory_space<vmem>>) target(%dma_start3A_284 : memref<1000448xf32, #tpu.memory_space<vmem_shared>>) offsets(%arg6 : memref<8192xi32, #tpu.memory_space<vmem>>) semaphore(%dma_start3A_286 : memref<!tpu.dma_semaphore, #tpu.memory_space<semaphore_mem>>) {add = true}
    %dma_wait3A_287 = arith.constant 8 : i32
    %dma_wait3A_288 = arith.constant 0 : i32
    %dma_wait3A_289 = tpu.memref_slice %arg5[%dma_wait3A_288] : memref<1000448xf32, #tpu.memory_space<vmem_shared>> -> memref<1000448xf32, #tpu.memory_space<vmem_shared>>
    %dma_wait3A_290 = tpu.memref_slice %arg17[%dma_wait3A_287] : memref<10x!tpu.dma_semaphore, #tpu.memory_space<semaphore_mem>> -> memref<1x!tpu.dma_semaphore, #tpu.memory_space<semaphore_mem>>
    %dma_wait3A_291 = tpu.memref_squeeze %dma_wait3A_290 : memref<1x!tpu.dma_semaphore, #tpu.memory_space<semaphore_mem>> -> memref<!tpu.dma_semaphore, #tpu.memory_space<semaphore_mem>>
    tpu.wait_indirect_dma semaphore(%dma_wait3A_291 : memref<!tpu.dma_semaphore, #tpu.memory_space<semaphore_mem>>) src(%arg9 : memref<8192xf32, #tpu.memory_space<vmem>>) dst(%dma_wait3A_289 : memref<1000448xf32, #tpu.memory_space<vmem_shared>>)
    %add3A_292 = arith.constant 32768 : i32
    %add3A_293 = arith.addi %mul3A_8, %add3A_292 : i32
    %dma_start3A_294 = arith.constant 1 : i32
    %dma_start3A_295 = tpu.memref_slice %arg2[%add3A_293] : memref<3200000xi32, #tpu.memory_space<hbm>> -> memref<8192xi32, #tpu.memory_space<hbm>>
    %dma_start3A_296 = tpu.memref_slice %arg17[%dma_start3A_294] : memref<10x!tpu.dma_semaphore, #tpu.memory_space<semaphore_mem>> -> memref<1x!tpu.dma_semaphore, #tpu.memory_space<semaphore_mem>>
    %dma_start3A_297 = tpu.memref_squeeze %dma_start3A_296 : memref<1x!tpu.dma_semaphore, #tpu.memory_space<semaphore_mem>> -> memref<!tpu.dma_semaphore, #tpu.memory_space<semaphore_mem>>
    %dma_start3A_298 = tpu.memref_slice %arg2[%add3A_293] : memref<3200000xi32, #tpu.memory_space<hbm>> -> memref<8192xi32, #tpu.memory_space<hbm>>
    tpu.enqueue_dma source(%dma_start3A_298 : memref<8192xi32, #tpu.memory_space<hbm>>) target(%arg8 : memref<8192xi32, #tpu.memory_space<vmem>>) target_semaphore(%dma_start3A_297 : memref<!tpu.dma_semaphore, #tpu.memory_space<semaphore_mem>>)
    %dma_start3A_299 = arith.constant 4 : i32
    %dma_start3A_300 = tpu.memref_slice %arg3[%add3A_293] : memref<3200000xf32, #tpu.memory_space<hbm>> -> memref<8192xf32, #tpu.memory_space<hbm>>
    %dma_start3A_301 = tpu.memref_slice %arg17[%dma_start3A_299] : memref<10x!tpu.dma_semaphore, #tpu.memory_space<semaphore_mem>> -> memref<1x!tpu.dma_semaphore, #tpu.memory_space<semaphore_mem>>
    %dma_start3A_302 = tpu.memref_squeeze %dma_start3A_301 : memref<1x!tpu.dma_semaphore, #tpu.memory_space<semaphore_mem>> -> memref<!tpu.dma_semaphore, #tpu.memory_space<semaphore_mem>>
    %dma_start3A_303 = tpu.memref_slice %arg3[%add3A_293] : memref<3200000xf32, #tpu.memory_space<hbm>> -> memref<8192xf32, #tpu.memory_space<hbm>>
    tpu.enqueue_dma source(%dma_start3A_303 : memref<8192xf32, #tpu.memory_space<hbm>>) target(%arg9 : memref<8192xf32, #tpu.memory_space<vmem>>) target_semaphore(%dma_start3A_302 : memref<!tpu.dma_semaphore, #tpu.memory_space<semaphore_mem>>)
    %dma_wait3A_304 = arith.constant 1 : i32
    %dma_wait3A_305 = tpu.memref_slice %arg2[%add3A_293] : memref<3200000xi32, #tpu.memory_space<hbm>> -> memref<8192xi32, #tpu.memory_space<hbm>>
    %dma_wait3A_306 = tpu.memref_slice %arg17[%dma_wait3A_304] : memref<10x!tpu.dma_semaphore, #tpu.memory_space<semaphore_mem>> -> memref<1x!tpu.dma_semaphore, #tpu.memory_space<semaphore_mem>>
    %dma_wait3A_307 = tpu.memref_squeeze %dma_wait3A_306 : memref<1x!tpu.dma_semaphore, #tpu.memory_space<semaphore_mem>> -> memref<!tpu.dma_semaphore, #tpu.memory_space<semaphore_mem>>
    %dma_wait3A_308 = tpu.memref_slice %arg2[%add3A_293] : memref<3200000xi32, #tpu.memory_space<hbm>> -> memref<8192xi32, #tpu.memory_space<hbm>>
    tpu.wait_dma2 semaphore(%dma_wait3A_307 : memref<!tpu.dma_semaphore, #tpu.memory_space<semaphore_mem>>) src(%dma_wait3A_308 : memref<8192xi32, #tpu.memory_space<hbm>>) dst(%arg8 : memref<8192xi32, #tpu.memory_space<vmem>>)
    %dma_wait3A_309 = arith.constant 4 : i32
    %dma_wait3A_310 = tpu.memref_slice %arg3[%add3A_293] : memref<3200000xf32, #tpu.memory_space<hbm>> -> memref<8192xf32, #tpu.memory_space<hbm>>
    %dma_wait3A_311 = tpu.memref_slice %arg17[%dma_wait3A_309] : memref<10x!tpu.dma_semaphore, #tpu.memory_space<semaphore_mem>> -> memref<1x!tpu.dma_semaphore, #tpu.memory_space<semaphore_mem>>
    %dma_wait3A_312 = tpu.memref_squeeze %dma_wait3A_311 : memref<1x!tpu.dma_semaphore, #tpu.memory_space<semaphore_mem>> -> memref<!tpu.dma_semaphore, #tpu.memory_space<semaphore_mem>>
    %dma_wait3A_313 = tpu.memref_slice %arg3[%add3A_293] : memref<3200000xf32, #tpu.memory_space<hbm>> -> memref<8192xf32, #tpu.memory_space<hbm>>
    tpu.wait_dma2 semaphore(%dma_wait3A_312 : memref<!tpu.dma_semaphore, #tpu.memory_space<semaphore_mem>>) src(%dma_wait3A_313 : memref<8192xf32, #tpu.memory_space<hbm>>) dst(%arg9 : memref<8192xf32, #tpu.memory_space<vmem>>)
    %dma_start3A_314 = arith.constant 8 : i32
    %dma_start3A_315 = arith.constant 0 : i32
    %dma_start3A_316 = tpu.memref_slice %arg5[%dma_start3A_315] : memref<1000448xf32, #tpu.memory_space<vmem_shared>> -> memref<1000448xf32, #tpu.memory_space<vmem_shared>>
    %dma_start3A_317 = tpu.memref_slice %arg17[%dma_start3A_314] : memref<10x!tpu.dma_semaphore, #tpu.memory_space<semaphore_mem>> -> memref<1x!tpu.dma_semaphore, #tpu.memory_space<semaphore_mem>>
    %dma_start3A_318 = tpu.memref_squeeze %dma_start3A_317 : memref<1x!tpu.dma_semaphore, #tpu.memory_space<semaphore_mem>> -> memref<!tpu.dma_semaphore, #tpu.memory_space<semaphore_mem>>
    tpu.enqueue_indirect_dma source(%arg9 : memref<8192xf32, #tpu.memory_space<vmem>>) target(%dma_start3A_316 : memref<1000448xf32, #tpu.memory_space<vmem_shared>>) offsets(%arg8 : memref<8192xi32, #tpu.memory_space<vmem>>) semaphore(%dma_start3A_318 : memref<!tpu.dma_semaphore, #tpu.memory_space<semaphore_mem>>) {add = true}
    %dma_wait3A_319 = arith.constant 9 : i32
    %dma_wait3A_320 = arith.constant 0 : i32
    %dma_wait3A_321 = tpu.memref_slice %arg5[%dma_wait3A_320] : memref<1000448xf32, #tpu.memory_space<vmem_shared>> -> memref<1000448xf32, #tpu.memory_space<vmem_shared>>
    %dma_wait3A_322 = tpu.memref_slice %arg17[%dma_wait3A_319] : memref<10x!tpu.dma_semaphore, #tpu.memory_space<semaphore_mem>> -> memref<1x!tpu.dma_semaphore, #tpu.memory_space<semaphore_mem>>
    %dma_wait3A_323 = tpu.memref_squeeze %dma_wait3A_322 : memref<1x!tpu.dma_semaphore, #tpu.memory_space<semaphore_mem>> -> memref<!tpu.dma_semaphore, #tpu.memory_space<semaphore_mem>>
    tpu.wait_indirect_dma semaphore(%dma_wait3A_323 : memref<!tpu.dma_semaphore, #tpu.memory_space<semaphore_mem>>) src(%arg11 : memref<8192xf32, #tpu.memory_space<vmem>>) dst(%dma_wait3A_321 : memref<1000448xf32, #tpu.memory_space<vmem_shared>>)
    %add3A_324 = arith.constant 40960 : i32
    %add3A_325 = arith.addi %mul3A_8, %add3A_324 : i32
    %dma_start3A_326 = arith.constant 2 : i32
    %dma_start3A_327 = tpu.memref_slice %arg2[%add3A_325] : memref<3200000xi32, #tpu.memory_space<hbm>> -> memref<8192xi32, #tpu.memory_space<hbm>>
    %dma_start3A_328 = tpu.memref_slice %arg17[%dma_start3A_326] : memref<10x!tpu.dma_semaphore, #tpu.memory_space<semaphore_mem>> -> memref<1x!tpu.dma_semaphore, #tpu.memory_space<semaphore_mem>>
    %dma_start3A_329 = tpu.memref_squeeze %dma_start3A_328 : memref<1x!tpu.dma_semaphore, #tpu.memory_space<semaphore_mem>> -> memref<!tpu.dma_semaphore, #tpu.memory_space<semaphore_mem>>
    %dma_start3A_330 = tpu.memref_slice %arg2[%add3A_325] : memref<3200000xi32, #tpu.memory_space<hbm>> -> memref<8192xi32, #tpu.memory_space<hbm>>
    tpu.enqueue_dma source(%dma_start3A_330 : memref<8192xi32, #tpu.memory_space<hbm>>) target(%arg10 : memref<8192xi32, #tpu.memory_space<vmem>>) target_semaphore(%dma_start3A_329 : memref<!tpu.dma_semaphore, #tpu.memory_space<semaphore_mem>>)
    %dma_start3A_331 = arith.constant 5 : i32
    %dma_start3A_332 = tpu.memref_slice %arg3[%add3A_325] : memref<3200000xf32, #tpu.memory_space<hbm>> -> memref<8192xf32, #tpu.memory_space<hbm>>
    %dma_start3A_333 = tpu.memref_slice %arg17[%dma_start3A_331] : memref<10x!tpu.dma_semaphore, #tpu.memory_space<semaphore_mem>> -> memref<1x!tpu.dma_semaphore, #tpu.memory_space<semaphore_mem>>
    %dma_start3A_334 = tpu.memref_squeeze %dma_start3A_333 : memref<1x!tpu.dma_semaphore, #tpu.memory_space<semaphore_mem>> -> memref<!tpu.dma_semaphore, #tpu.memory_space<semaphore_mem>>
    %dma_start3A_335 = tpu.memref_slice %arg3[%add3A_325] : memref<3200000xf32, #tpu.memory_space<hbm>> -> memref<8192xf32, #tpu.memory_space<hbm>>
    tpu.enqueue_dma source(%dma_start3A_335 : memref<8192xf32, #tpu.memory_space<hbm>>) target(%arg11 : memref<8192xf32, #tpu.memory_space<vmem>>) target_semaphore(%dma_start3A_334 : memref<!tpu.dma_semaphore, #tpu.memory_space<semaphore_mem>>)
    %dma_wait3A_336 = arith.constant 2 : i32
    %dma_wait3A_337 = tpu.memref_slice %arg2[%add3A_325] : memref<3200000xi32, #tpu.memory_space<hbm>> -> memref<8192xi32, #tpu.memory_space<hbm>>
    %dma_wait3A_338 = tpu.memref_slice %arg17[%dma_wait3A_336] : memref<10x!tpu.dma_semaphore, #tpu.memory_space<semaphore_mem>> -> memref<1x!tpu.dma_semaphore, #tpu.memory_space<semaphore_mem>>
    %dma_wait3A_339 = tpu.memref_squeeze %dma_wait3A_338 : memref<1x!tpu.dma_semaphore, #tpu.memory_space<semaphore_mem>> -> memref<!tpu.dma_semaphore, #tpu.memory_space<semaphore_mem>>
    %dma_wait3A_340 = tpu.memref_slice %arg2[%add3A_325] : memref<3200000xi32, #tpu.memory_space<hbm>> -> memref<8192xi32, #tpu.memory_space<hbm>>
    tpu.wait_dma2 semaphore(%dma_wait3A_339 : memref<!tpu.dma_semaphore, #tpu.memory_space<semaphore_mem>>) src(%dma_wait3A_340 : memref<8192xi32, #tpu.memory_space<hbm>>) dst(%arg10 : memref<8192xi32, #tpu.memory_space<vmem>>)
    %dma_wait3A_341 = arith.constant 5 : i32
    %dma_wait3A_342 = tpu.memref_slice %arg3[%add3A_325] : memref<3200000xf32, #tpu.memory_space<hbm>> -> memref<8192xf32, #tpu.memory_space<hbm>>
    %dma_wait3A_343 = tpu.memref_slice %arg17[%dma_wait3A_341] : memref<10x!tpu.dma_semaphore, #tpu.memory_space<semaphore_mem>> -> memref<1x!tpu.dma_semaphore, #tpu.memory_space<semaphore_mem>>
    %dma_wait3A_344 = tpu.memref_squeeze %dma_wait3A_343 : memref<1x!tpu.dma_semaphore, #tpu.memory_space<semaphore_mem>> -> memref<!tpu.dma_semaphore, #tpu.memory_space<semaphore_mem>>
    %dma_wait3A_345 = tpu.memref_slice %arg3[%add3A_325] : memref<3200000xf32, #tpu.memory_space<hbm>> -> memref<8192xf32, #tpu.memory_space<hbm>>
    tpu.wait_dma2 semaphore(%dma_wait3A_344 : memref<!tpu.dma_semaphore, #tpu.memory_space<semaphore_mem>>) src(%dma_wait3A_345 : memref<8192xf32, #tpu.memory_space<hbm>>) dst(%arg11 : memref<8192xf32, #tpu.memory_space<vmem>>)
    %dma_start3A_346 = arith.constant 9 : i32
    %dma_start3A_347 = arith.constant 0 : i32
    %dma_start3A_348 = tpu.memref_slice %arg5[%dma_start3A_347] : memref<1000448xf32, #tpu.memory_space<vmem_shared>> -> memref<1000448xf32, #tpu.memory_space<vmem_shared>>
    %dma_start3A_349 = tpu.memref_slice %arg17[%dma_start3A_346] : memref<10x!tpu.dma_semaphore, #tpu.memory_space<semaphore_mem>> -> memref<1x!tpu.dma_semaphore, #tpu.memory_space<semaphore_mem>>
    %dma_start3A_350 = tpu.memref_squeeze %dma_start3A_349 : memref<1x!tpu.dma_semaphore, #tpu.memory_space<semaphore_mem>> -> memref<!tpu.dma_semaphore, #tpu.memory_space<semaphore_mem>>
    tpu.enqueue_indirect_dma source(%arg11 : memref<8192xf32, #tpu.memory_space<vmem>>) target(%dma_start3A_348 : memref<1000448xf32, #tpu.memory_space<vmem_shared>>) offsets(%arg10 : memref<8192xi32, #tpu.memory_space<vmem>>) semaphore(%dma_start3A_350 : memref<!tpu.dma_semaphore, #tpu.memory_space<semaphore_mem>>) {add = true}
    %dma_wait3A_351 = arith.constant 7 : i32
    %dma_wait3A_352 = arith.constant 0 : i32
    %dma_wait3A_353 = tpu.memref_slice %arg5[%dma_wait3A_352] : memref<1000448xf32, #tpu.memory_space<vmem_shared>> -> memref<1000448xf32, #tpu.memory_space<vmem_shared>>
    %dma_wait3A_354 = tpu.memref_slice %arg17[%dma_wait3A_351] : memref<10x!tpu.dma_semaphore, #tpu.memory_space<semaphore_mem>> -> memref<1x!tpu.dma_semaphore, #tpu.memory_space<semaphore_mem>>
    %dma_wait3A_355 = tpu.memref_squeeze %dma_wait3A_354 : memref<1x!tpu.dma_semaphore, #tpu.memory_space<semaphore_mem>> -> memref<!tpu.dma_semaphore, #tpu.memory_space<semaphore_mem>>
    tpu.wait_indirect_dma semaphore(%dma_wait3A_355 : memref<!tpu.dma_semaphore, #tpu.memory_space<semaphore_mem>>) src(%arg7 : memref<8192xf32, #tpu.memory_space<vmem>>) dst(%dma_wait3A_353 : memref<1000448xf32, #tpu.memory_space<vmem_shared>>)
    %add3A_356 = arith.constant 49152 : i32
    %add3A_357 = arith.addi %mul3A_8, %add3A_356 : i32
    %dma_start3A_358 = arith.constant 0 : i32
    %dma_start3A_359 = tpu.memref_slice %arg2[%add3A_357] : memref<3200000xi32, #tpu.memory_space<hbm>> -> memref<8192xi32, #tpu.memory_space<hbm>>
    %dma_start3A_360 = tpu.memref_slice %arg17[%dma_start3A_358] : memref<10x!tpu.dma_semaphore, #tpu.memory_space<semaphore_mem>> -> memref<1x!tpu.dma_semaphore, #tpu.memory_space<semaphore_mem>>
    %dma_start3A_361 = tpu.memref_squeeze %dma_start3A_360 : memref<1x!tpu.dma_semaphore, #tpu.memory_space<semaphore_mem>> -> memref<!tpu.dma_semaphore, #tpu.memory_space<semaphore_mem>>
    %dma_start3A_362 = tpu.memref_slice %arg2[%add3A_357] : memref<3200000xi32, #tpu.memory_space<hbm>> -> memref<8192xi32, #tpu.memory_space<hbm>>
    tpu.enqueue_dma source(%dma_start3A_362 : memref<8192xi32, #tpu.memory_space<hbm>>) target(%arg6 : memref<8192xi32, #tpu.memory_space<vmem>>) target_semaphore(%dma_start3A_361 : memref<!tpu.dma_semaphore, #tpu.memory_space<semaphore_mem>>)
    %dma_start3A_363 = arith.constant 3 : i32
    %dma_start3A_364 = tpu.memref_slice %arg3[%add3A_357] : memref<3200000xf32, #tpu.memory_space<hbm>> -> memref<8192xf32, #tpu.memory_space<hbm>>
    %dma_start3A_365 = tpu.memref_slice %arg17[%dma_start3A_363] : memref<10x!tpu.dma_semaphore, #tpu.memory_space<semaphore_mem>> -> memref<1x!tpu.dma_semaphore, #tpu.memory_space<semaphore_mem>>
    %dma_start3A_366 = tpu.memref_squeeze %dma_start3A_365 : memref<1x!tpu.dma_semaphore, #tpu.memory_space<semaphore_mem>> -> memref<!tpu.dma_semaphore, #tpu.memory_space<semaphore_mem>>
    %dma_start3A_367 = tpu.memref_slice %arg3[%add3A_357] : memref<3200000xf32, #tpu.memory_space<hbm>> -> memref<8192xf32, #tpu.memory_space<hbm>>
    tpu.enqueue_dma source(%dma_start3A_367 : memref<8192xf32, #tpu.memory_space<hbm>>) target(%arg7 : memref<8192xf32, #tpu.memory_space<vmem>>) target_semaphore(%dma_start3A_366 : memref<!tpu.dma_semaphore, #tpu.memory_space<semaphore_mem>>)
    %dma_wait3A_368 = arith.constant 0 : i32
    %dma_wait3A_369 = tpu.memref_slice %arg2[%add3A_357] : memref<3200000xi32, #tpu.memory_space<hbm>> -> memref<8192xi32, #tpu.memory_space<hbm>>
    %dma_wait3A_370 = tpu.memref_slice %arg17[%dma_wait3A_368] : memref<10x!tpu.dma_semaphore, #tpu.memory_space<semaphore_mem>> -> memref<1x!tpu.dma_semaphore, #tpu.memory_space<semaphore_mem>>
    %dma_wait3A_371 = tpu.memref_squeeze %dma_wait3A_370 : memref<1x!tpu.dma_semaphore, #tpu.memory_space<semaphore_mem>> -> memref<!tpu.dma_semaphore, #tpu.memory_space<semaphore_mem>>
    %dma_wait3A_372 = tpu.memref_slice %arg2[%add3A_357] : memref<3200000xi32, #tpu.memory_space<hbm>> -> memref<8192xi32, #tpu.memory_space<hbm>>
    tpu.wait_dma2 semaphore(%dma_wait3A_371 : memref<!tpu.dma_semaphore, #tpu.memory_space<semaphore_mem>>) src(%dma_wait3A_372 : memref<8192xi32, #tpu.memory_space<hbm>>) dst(%arg6 : memref<8192xi32, #tpu.memory_space<vmem>>)
    %dma_wait3A_373 = arith.constant 3 : i32
    %dma_wait3A_374 = tpu.memref_slice %arg3[%add3A_357] : memref<3200000xf32, #tpu.memory_space<hbm>> -> memref<8192xf32, #tpu.memory_space<hbm>>
    %dma_wait3A_375 = tpu.memref_slice %arg17[%dma_wait3A_373] : memref<10x!tpu.dma_semaphore, #tpu.memory_space<semaphore_mem>> -> memref<1x!tpu.dma_semaphore, #tpu.memory_space<semaphore_mem>>
    %dma_wait3A_376 = tpu.memref_squeeze %dma_wait3A_375 : memref<1x!tpu.dma_semaphore, #tpu.memory_space<semaphore_mem>> -> memref<!tpu.dma_semaphore, #tpu.memory_space<semaphore_mem>>
    %dma_wait3A_377 = tpu.memref_slice %arg3[%add3A_357] : memref<3200000xf32, #tpu.memory_space<hbm>> -> memref<8192xf32, #tpu.memory_space<hbm>>
    tpu.wait_dma2 semaphore(%dma_wait3A_376 : memref<!tpu.dma_semaphore, #tpu.memory_space<semaphore_mem>>) src(%dma_wait3A_377 : memref<8192xf32, #tpu.memory_space<hbm>>) dst(%arg7 : memref<8192xf32, #tpu.memory_space<vmem>>)
    %dma_start3A_378 = arith.constant 7 : i32
    %dma_start3A_379 = arith.constant 0 : i32
    %dma_start3A_380 = tpu.memref_slice %arg5[%dma_start3A_379] : memref<1000448xf32, #tpu.memory_space<vmem_shared>> -> memref<1000448xf32, #tpu.memory_space<vmem_shared>>
    %dma_start3A_381 = tpu.memref_slice %arg17[%dma_start3A_378] : memref<10x!tpu.dma_semaphore, #tpu.memory_space<semaphore_mem>> -> memref<1x!tpu.dma_semaphore, #tpu.memory_space<semaphore_mem>>
    %dma_start3A_382 = tpu.memref_squeeze %dma_start3A_381 : memref<1x!tpu.dma_semaphore, #tpu.memory_space<semaphore_mem>> -> memref<!tpu.dma_semaphore, #tpu.memory_space<semaphore_mem>>
    tpu.enqueue_indirect_dma source(%arg7 : memref<8192xf32, #tpu.memory_space<vmem>>) target(%dma_start3A_380 : memref<1000448xf32, #tpu.memory_space<vmem_shared>>) offsets(%arg6 : memref<8192xi32, #tpu.memory_space<vmem>>) semaphore(%dma_start3A_382 : memref<!tpu.dma_semaphore, #tpu.memory_space<semaphore_mem>>) {add = true}
    %dma_wait3A_383 = arith.constant 8 : i32
    %dma_wait3A_384 = arith.constant 0 : i32
    %dma_wait3A_385 = tpu.memref_slice %arg5[%dma_wait3A_384] : memref<1000448xf32, #tpu.memory_space<vmem_shared>> -> memref<1000448xf32, #tpu.memory_space<vmem_shared>>
    %dma_wait3A_386 = tpu.memref_slice %arg17[%dma_wait3A_383] : memref<10x!tpu.dma_semaphore, #tpu.memory_space<semaphore_mem>> -> memref<1x!tpu.dma_semaphore, #tpu.memory_space<semaphore_mem>>
    %dma_wait3A_387 = tpu.memref_squeeze %dma_wait3A_386 : memref<1x!tpu.dma_semaphore, #tpu.memory_space<semaphore_mem>> -> memref<!tpu.dma_semaphore, #tpu.memory_space<semaphore_mem>>
    tpu.wait_indirect_dma semaphore(%dma_wait3A_387 : memref<!tpu.dma_semaphore, #tpu.memory_space<semaphore_mem>>) src(%arg9 : memref<8192xf32, #tpu.memory_space<vmem>>) dst(%dma_wait3A_385 : memref<1000448xf32, #tpu.memory_space<vmem_shared>>)
    %add3A_388 = arith.constant 57344 : i32
    %add3A_389 = arith.addi %mul3A_8, %add3A_388 : i32
    %dma_start3A_390 = arith.constant 1 : i32
    %dma_start3A_391 = tpu.memref_slice %arg2[%add3A_389] : memref<3200000xi32, #tpu.memory_space<hbm>> -> memref<8192xi32, #tpu.memory_space<hbm>>
    %dma_start3A_392 = tpu.memref_slice %arg17[%dma_start3A_390] : memref<10x!tpu.dma_semaphore, #tpu.memory_space<semaphore_mem>> -> memref<1x!tpu.dma_semaphore, #tpu.memory_space<semaphore_mem>>
    %dma_start3A_393 = tpu.memref_squeeze %dma_start3A_392 : memref<1x!tpu.dma_semaphore, #tpu.memory_space<semaphore_mem>> -> memref<!tpu.dma_semaphore, #tpu.memory_space<semaphore_mem>>
    %dma_start3A_394 = tpu.memref_slice %arg2[%add3A_389] : memref<3200000xi32, #tpu.memory_space<hbm>> -> memref<8192xi32, #tpu.memory_space<hbm>>
    tpu.enqueue_dma source(%dma_start3A_394 : memref<8192xi32, #tpu.memory_space<hbm>>) target(%arg8 : memref<8192xi32, #tpu.memory_space<vmem>>) target_semaphore(%dma_start3A_393 : memref<!tpu.dma_semaphore, #tpu.memory_space<semaphore_mem>>)
    %dma_start3A_395 = arith.constant 4 : i32
    %dma_start3A_396 = tpu.memref_slice %arg3[%add3A_389] : memref<3200000xf32, #tpu.memory_space<hbm>> -> memref<8192xf32, #tpu.memory_space<hbm>>
    %dma_start3A_397 = tpu.memref_slice %arg17[%dma_start3A_395] : memref<10x!tpu.dma_semaphore, #tpu.memory_space<semaphore_mem>> -> memref<1x!tpu.dma_semaphore, #tpu.memory_space<semaphore_mem>>
    %dma_start3A_398 = tpu.memref_squeeze %dma_start3A_397 : memref<1x!tpu.dma_semaphore, #tpu.memory_space<semaphore_mem>> -> memref<!tpu.dma_semaphore, #tpu.memory_space<semaphore_mem>>
    %dma_start3A_399 = tpu.memref_slice %arg3[%add3A_389] : memref<3200000xf32, #tpu.memory_space<hbm>> -> memref<8192xf32, #tpu.memory_space<hbm>>
    tpu.enqueue_dma source(%dma_start3A_399 : memref<8192xf32, #tpu.memory_space<hbm>>) target(%arg9 : memref<8192xf32, #tpu.memory_space<vmem>>) target_semaphore(%dma_start3A_398 : memref<!tpu.dma_semaphore, #tpu.memory_space<semaphore_mem>>)
    %dma_wait3A_400 = arith.constant 1 : i32
    %dma_wait3A_401 = tpu.memref_slice %arg2[%add3A_389] : memref<3200000xi32, #tpu.memory_space<hbm>> -> memref<8192xi32, #tpu.memory_space<hbm>>
    %dma_wait3A_402 = tpu.memref_slice %arg17[%dma_wait3A_400] : memref<10x!tpu.dma_semaphore, #tpu.memory_space<semaphore_mem>> -> memref<1x!tpu.dma_semaphore, #tpu.memory_space<semaphore_mem>>
    %dma_wait3A_403 = tpu.memref_squeeze %dma_wait3A_402 : memref<1x!tpu.dma_semaphore, #tpu.memory_space<semaphore_mem>> -> memref<!tpu.dma_semaphore, #tpu.memory_space<semaphore_mem>>
    %dma_wait3A_404 = tpu.memref_slice %arg2[%add3A_389] : memref<3200000xi32, #tpu.memory_space<hbm>> -> memref<8192xi32, #tpu.memory_space<hbm>>
    tpu.wait_dma2 semaphore(%dma_wait3A_403 : memref<!tpu.dma_semaphore, #tpu.memory_space<semaphore_mem>>) src(%dma_wait3A_404 : memref<8192xi32, #tpu.memory_space<hbm>>) dst(%arg8 : memref<8192xi32, #tpu.memory_space<vmem>>)
    %dma_wait3A_405 = arith.constant 4 : i32
    %dma_wait3A_406 = tpu.memref_slice %arg3[%add3A_389] : memref<3200000xf32, #tpu.memory_space<hbm>> -> memref<8192xf32, #tpu.memory_space<hbm>>
    %dma_wait3A_407 = tpu.memref_slice %arg17[%dma_wait3A_405] : memref<10x!tpu.dma_semaphore, #tpu.memory_space<semaphore_mem>> -> memref<1x!tpu.dma_semaphore, #tpu.memory_space<semaphore_mem>>
    %dma_wait3A_408 = tpu.memref_squeeze %dma_wait3A_407 : memref<1x!tpu.dma_semaphore, #tpu.memory_space<semaphore_mem>> -> memref<!tpu.dma_semaphore, #tpu.memory_space<semaphore_mem>>
    %dma_wait3A_409 = tpu.memref_slice %arg3[%add3A_389] : memref<3200000xf32, #tpu.memory_space<hbm>> -> memref<8192xf32, #tpu.memory_space<hbm>>
    tpu.wait_dma2 semaphore(%dma_wait3A_408 : memref<!tpu.dma_semaphore, #tpu.memory_space<semaphore_mem>>) src(%dma_wait3A_409 : memref<8192xf32, #tpu.memory_space<hbm>>) dst(%arg9 : memref<8192xf32, #tpu.memory_space<vmem>>)
    %dma_start3A_410 = arith.constant 8 : i32
    %dma_start3A_411 = arith.constant 0 : i32
    %dma_start3A_412 = tpu.memref_slice %arg5[%dma_start3A_411] : memref<1000448xf32, #tpu.memory_space<vmem_shared>> -> memref<1000448xf32, #tpu.memory_space<vmem_shared>>
    %dma_start3A_413 = tpu.memref_slice %arg17[%dma_start3A_410] : memref<10x!tpu.dma_semaphore, #tpu.memory_space<semaphore_mem>> -> memref<1x!tpu.dma_semaphore, #tpu.memory_space<semaphore_mem>>
    %dma_start3A_414 = tpu.memref_squeeze %dma_start3A_413 : memref<1x!tpu.dma_semaphore, #tpu.memory_space<semaphore_mem>> -> memref<!tpu.dma_semaphore, #tpu.memory_space<semaphore_mem>>
    tpu.enqueue_indirect_dma source(%arg9 : memref<8192xf32, #tpu.memory_space<vmem>>) target(%dma_start3A_412 : memref<1000448xf32, #tpu.memory_space<vmem_shared>>) offsets(%arg8 : memref<8192xi32, #tpu.memory_space<vmem>>) semaphore(%dma_start3A_414 : memref<!tpu.dma_semaphore, #tpu.memory_space<semaphore_mem>>) {add = true}
    %dma_wait3A_415 = arith.constant 9 : i32
    %dma_wait3A_416 = arith.constant 0 : i32
    %dma_wait3A_417 = tpu.memref_slice %arg5[%dma_wait3A_416] : memref<1000448xf32, #tpu.memory_space<vmem_shared>> -> memref<1000448xf32, #tpu.memory_space<vmem_shared>>
    %dma_wait3A_418 = tpu.memref_slice %arg17[%dma_wait3A_415] : memref<10x!tpu.dma_semaphore, #tpu.memory_space<semaphore_mem>> -> memref<1x!tpu.dma_semaphore, #tpu.memory_space<semaphore_mem>>
    %dma_wait3A_419 = tpu.memref_squeeze %dma_wait3A_418 : memref<1x!tpu.dma_semaphore, #tpu.memory_space<semaphore_mem>> -> memref<!tpu.dma_semaphore, #tpu.memory_space<semaphore_mem>>
    tpu.wait_indirect_dma semaphore(%dma_wait3A_419 : memref<!tpu.dma_semaphore, #tpu.memory_space<semaphore_mem>>) src(%arg11 : memref<8192xf32, #tpu.memory_space<vmem>>) dst(%dma_wait3A_417 : memref<1000448xf32, #tpu.memory_space<vmem_shared>>)
    %add3A_420 = arith.constant 65536 : i32
    %add3A_421 = arith.addi %mul3A_8, %add3A_420 : i32
    %dma_start3A_422 = arith.constant 2 : i32
    %dma_start3A_423 = tpu.memref_slice %arg2[%add3A_421] : memref<3200000xi32, #tpu.memory_space<hbm>> -> memref<8192xi32, #tpu.memory_space<hbm>>
    %dma_start3A_424 = tpu.memref_slice %arg17[%dma_start3A_422] : memref<10x!tpu.dma_semaphore, #tpu.memory_space<semaphore_mem>> -> memref<1x!tpu.dma_semaphore, #tpu.memory_space<semaphore_mem>>
    %dma_start3A_425 = tpu.memref_squeeze %dma_start3A_424 : memref<1x!tpu.dma_semaphore, #tpu.memory_space<semaphore_mem>> -> memref<!tpu.dma_semaphore, #tpu.memory_space<semaphore_mem>>
    %dma_start3A_426 = tpu.memref_slice %arg2[%add3A_421] : memref<3200000xi32, #tpu.memory_space<hbm>> -> memref<8192xi32, #tpu.memory_space<hbm>>
    tpu.enqueue_dma source(%dma_start3A_426 : memref<8192xi32, #tpu.memory_space<hbm>>) target(%arg10 : memref<8192xi32, #tpu.memory_space<vmem>>) target_semaphore(%dma_start3A_425 : memref<!tpu.dma_semaphore, #tpu.memory_space<semaphore_mem>>)
    %dma_start3A_427 = arith.constant 5 : i32
    %dma_start3A_428 = tpu.memref_slice %arg3[%add3A_421] : memref<3200000xf32, #tpu.memory_space<hbm>> -> memref<8192xf32, #tpu.memory_space<hbm>>
    %dma_start3A_429 = tpu.memref_slice %arg17[%dma_start3A_427] : memref<10x!tpu.dma_semaphore, #tpu.memory_space<semaphore_mem>> -> memref<1x!tpu.dma_semaphore, #tpu.memory_space<semaphore_mem>>
    %dma_start3A_430 = tpu.memref_squeeze %dma_start3A_429 : memref<1x!tpu.dma_semaphore, #tpu.memory_space<semaphore_mem>> -> memref<!tpu.dma_semaphore, #tpu.memory_space<semaphore_mem>>
    %dma_start3A_431 = tpu.memref_slice %arg3[%add3A_421] : memref<3200000xf32, #tpu.memory_space<hbm>> -> memref<8192xf32, #tpu.memory_space<hbm>>
    tpu.enqueue_dma source(%dma_start3A_431 : memref<8192xf32, #tpu.memory_space<hbm>>) target(%arg11 : memref<8192xf32, #tpu.memory_space<vmem>>) target_semaphore(%dma_start3A_430 : memref<!tpu.dma_semaphore, #tpu.memory_space<semaphore_mem>>)
    %dma_wait3A_432 = arith.constant 2 : i32
    %dma_wait3A_433 = tpu.memref_slice %arg2[%add3A_421] : memref<3200000xi32, #tpu.memory_space<hbm>> -> memref<8192xi32, #tpu.memory_space<hbm>>
    %dma_wait3A_434 = tpu.memref_slice %arg17[%dma_wait3A_432] : memref<10x!tpu.dma_semaphore, #tpu.memory_space<semaphore_mem>> -> memref<1x!tpu.dma_semaphore, #tpu.memory_space<semaphore_mem>>
    %dma_wait3A_435 = tpu.memref_squeeze %dma_wait3A_434 : memref<1x!tpu.dma_semaphore, #tpu.memory_space<semaphore_mem>> -> memref<!tpu.dma_semaphore, #tpu.memory_space<semaphore_mem>>
    %dma_wait3A_436 = tpu.memref_slice %arg2[%add3A_421] : memref<3200000xi32, #tpu.memory_space<hbm>> -> memref<8192xi32, #tpu.memory_space<hbm>>
    tpu.wait_dma2 semaphore(%dma_wait3A_435 : memref<!tpu.dma_semaphore, #tpu.memory_space<semaphore_mem>>) src(%dma_wait3A_436 : memref<8192xi32, #tpu.memory_space<hbm>>) dst(%arg10 : memref<8192xi32, #tpu.memory_space<vmem>>)
    %dma_wait3A_437 = arith.constant 5 : i32
    %dma_wait3A_438 = tpu.memref_slice %arg3[%add3A_421] : memref<3200000xf32, #tpu.memory_space<hbm>> -> memref<8192xf32, #tpu.memory_space<hbm>>
    %dma_wait3A_439 = tpu.memref_slice %arg17[%dma_wait3A_437] : memref<10x!tpu.dma_semaphore, #tpu.memory_space<semaphore_mem>> -> memref<1x!tpu.dma_semaphore, #tpu.memory_space<semaphore_mem>>
    %dma_wait3A_440 = tpu.memref_squeeze %dma_wait3A_439 : memref<1x!tpu.dma_semaphore, #tpu.memory_space<semaphore_mem>> -> memref<!tpu.dma_semaphore, #tpu.memory_space<semaphore_mem>>
    %dma_wait3A_441 = tpu.memref_slice %arg3[%add3A_421] : memref<3200000xf32, #tpu.memory_space<hbm>> -> memref<8192xf32, #tpu.memory_space<hbm>>
    tpu.wait_dma2 semaphore(%dma_wait3A_440 : memref<!tpu.dma_semaphore, #tpu.memory_space<semaphore_mem>>) src(%dma_wait3A_441 : memref<8192xf32, #tpu.memory_space<hbm>>) dst(%arg11 : memref<8192xf32, #tpu.memory_space<vmem>>)
    %dma_start3A_442 = arith.constant 9 : i32
    %dma_start3A_443 = arith.constant 0 : i32
    %dma_start3A_444 = tpu.memref_slice %arg5[%dma_start3A_443] : memref<1000448xf32, #tpu.memory_space<vmem_shared>> -> memref<1000448xf32, #tpu.memory_space<vmem_shared>>
    %dma_start3A_445 = tpu.memref_slice %arg17[%dma_start3A_442] : memref<10x!tpu.dma_semaphore, #tpu.memory_space<semaphore_mem>> -> memref<1x!tpu.dma_semaphore, #tpu.memory_space<semaphore_mem>>
    %dma_start3A_446 = tpu.memref_squeeze %dma_start3A_445 : memref<1x!tpu.dma_semaphore, #tpu.memory_space<semaphore_mem>> -> memref<!tpu.dma_semaphore, #tpu.memory_space<semaphore_mem>>
    tpu.enqueue_indirect_dma source(%arg11 : memref<8192xf32, #tpu.memory_space<vmem>>) target(%dma_start3A_444 : memref<1000448xf32, #tpu.memory_space<vmem_shared>>) offsets(%arg10 : memref<8192xi32, #tpu.memory_space<vmem>>) semaphore(%dma_start3A_446 : memref<!tpu.dma_semaphore, #tpu.memory_space<semaphore_mem>>) {add = true}
    %dma_wait3A_447 = arith.constant 7 : i32
    %dma_wait3A_448 = arith.constant 0 : i32
    %dma_wait3A_449 = tpu.memref_slice %arg5[%dma_wait3A_448] : memref<1000448xf32, #tpu.memory_space<vmem_shared>> -> memref<1000448xf32, #tpu.memory_space<vmem_shared>>
    %dma_wait3A_450 = tpu.memref_slice %arg17[%dma_wait3A_447] : memref<10x!tpu.dma_semaphore, #tpu.memory_space<semaphore_mem>> -> memref<1x!tpu.dma_semaphore, #tpu.memory_space<semaphore_mem>>
    %dma_wait3A_451 = tpu.memref_squeeze %dma_wait3A_450 : memref<1x!tpu.dma_semaphore, #tpu.memory_space<semaphore_mem>> -> memref<!tpu.dma_semaphore, #tpu.memory_space<semaphore_mem>>
    tpu.wait_indirect_dma semaphore(%dma_wait3A_451 : memref<!tpu.dma_semaphore, #tpu.memory_space<semaphore_mem>>) src(%arg7 : memref<8192xf32, #tpu.memory_space<vmem>>) dst(%dma_wait3A_449 : memref<1000448xf32, #tpu.memory_space<vmem_shared>>)
    %add3A_452 = arith.constant 73728 : i32
    %add3A_453 = arith.addi %mul3A_8, %add3A_452 : i32
    %dma_start3A_454 = arith.constant 0 : i32
    %dma_start3A_455 = tpu.memref_slice %arg2[%add3A_453] : memref<3200000xi32, #tpu.memory_space<hbm>> -> memref<8192xi32, #tpu.memory_space<hbm>>
    %dma_start3A_456 = tpu.memref_slice %arg17[%dma_start3A_454] : memref<10x!tpu.dma_semaphore, #tpu.memory_space<semaphore_mem>> -> memref<1x!tpu.dma_semaphore, #tpu.memory_space<semaphore_mem>>
    %dma_start3A_457 = tpu.memref_squeeze %dma_start3A_456 : memref<1x!tpu.dma_semaphore, #tpu.memory_space<semaphore_mem>> -> memref<!tpu.dma_semaphore, #tpu.memory_space<semaphore_mem>>
    %dma_start3A_458 = tpu.memref_slice %arg2[%add3A_453] : memref<3200000xi32, #tpu.memory_space<hbm>> -> memref<8192xi32, #tpu.memory_space<hbm>>
    tpu.enqueue_dma source(%dma_start3A_458 : memref<8192xi32, #tpu.memory_space<hbm>>) target(%arg6 : memref<8192xi32, #tpu.memory_space<vmem>>) target_semaphore(%dma_start3A_457 : memref<!tpu.dma_semaphore, #tpu.memory_space<semaphore_mem>>)
    %dma_start3A_459 = arith.constant 3 : i32
    %dma_start3A_460 = tpu.memref_slice %arg3[%add3A_453] : memref<3200000xf32, #tpu.memory_space<hbm>> -> memref<8192xf32, #tpu.memory_space<hbm>>
    %dma_start3A_461 = tpu.memref_slice %arg17[%dma_start3A_459] : memref<10x!tpu.dma_semaphore, #tpu.memory_space<semaphore_mem>> -> memref<1x!tpu.dma_semaphore, #tpu.memory_space<semaphore_mem>>
    %dma_start3A_462 = tpu.memref_squeeze %dma_start3A_461 : memref<1x!tpu.dma_semaphore, #tpu.memory_space<semaphore_mem>> -> memref<!tpu.dma_semaphore, #tpu.memory_space<semaphore_mem>>
    %dma_start3A_463 = tpu.memref_slice %arg3[%add3A_453] : memref<3200000xf32, #tpu.memory_space<hbm>> -> memref<8192xf32, #tpu.memory_space<hbm>>
    tpu.enqueue_dma source(%dma_start3A_463 : memref<8192xf32, #tpu.memory_space<hbm>>) target(%arg7 : memref<8192xf32, #tpu.memory_space<vmem>>) target_semaphore(%dma_start3A_462 : memref<!tpu.dma_semaphore, #tpu.memory_space<semaphore_mem>>)
    %dma_wait3A_464 = arith.constant 0 : i32
    %dma_wait3A_465 = tpu.memref_slice %arg2[%add3A_453] : memref<3200000xi32, #tpu.memory_space<hbm>> -> memref<8192xi32, #tpu.memory_space<hbm>>
    %dma_wait3A_466 = tpu.memref_slice %arg17[%dma_wait3A_464] : memref<10x!tpu.dma_semaphore, #tpu.memory_space<semaphore_mem>> -> memref<1x!tpu.dma_semaphore, #tpu.memory_space<semaphore_mem>>
    %dma_wait3A_467 = tpu.memref_squeeze %dma_wait3A_466 : memref<1x!tpu.dma_semaphore, #tpu.memory_space<semaphore_mem>> -> memref<!tpu.dma_semaphore, #tpu.memory_space<semaphore_mem>>
    %dma_wait3A_468 = tpu.memref_slice %arg2[%add3A_453] : memref<3200000xi32, #tpu.memory_space<hbm>> -> memref<8192xi32, #tpu.memory_space<hbm>>
    tpu.wait_dma2 semaphore(%dma_wait3A_467 : memref<!tpu.dma_semaphore, #tpu.memory_space<semaphore_mem>>) src(%dma_wait3A_468 : memref<8192xi32, #tpu.memory_space<hbm>>) dst(%arg6 : memref<8192xi32, #tpu.memory_space<vmem>>)
    %dma_wait3A_469 = arith.constant 3 : i32
    %dma_wait3A_470 = tpu.memref_slice %arg3[%add3A_453] : memref<3200000xf32, #tpu.memory_space<hbm>> -> memref<8192xf32, #tpu.memory_space<hbm>>
    %dma_wait3A_471 = tpu.memref_slice %arg17[%dma_wait3A_469] : memref<10x!tpu.dma_semaphore, #tpu.memory_space<semaphore_mem>> -> memref<1x!tpu.dma_semaphore, #tpu.memory_space<semaphore_mem>>
    %dma_wait3A_472 = tpu.memref_squeeze %dma_wait3A_471 : memref<1x!tpu.dma_semaphore, #tpu.memory_space<semaphore_mem>> -> memref<!tpu.dma_semaphore, #tpu.memory_space<semaphore_mem>>
    %dma_wait3A_473 = tpu.memref_slice %arg3[%add3A_453] : memref<3200000xf32, #tpu.memory_space<hbm>> -> memref<8192xf32, #tpu.memory_space<hbm>>
    tpu.wait_dma2 semaphore(%dma_wait3A_472 : memref<!tpu.dma_semaphore, #tpu.memory_space<semaphore_mem>>) src(%dma_wait3A_473 : memref<8192xf32, #tpu.memory_space<hbm>>) dst(%arg7 : memref<8192xf32, #tpu.memory_space<vmem>>)
    %dma_start3A_474 = arith.constant 7 : i32
    %dma_start3A_475 = arith.constant 0 : i32
    %dma_start3A_476 = tpu.memref_slice %arg5[%dma_start3A_475] : memref<1000448xf32, #tpu.memory_space<vmem_shared>> -> memref<1000448xf32, #tpu.memory_space<vmem_shared>>
    %dma_start3A_477 = tpu.memref_slice %arg17[%dma_start3A_474] : memref<10x!tpu.dma_semaphore, #tpu.memory_space<semaphore_mem>> -> memref<1x!tpu.dma_semaphore, #tpu.memory_space<semaphore_mem>>
    %dma_start3A_478 = tpu.memref_squeeze %dma_start3A_477 : memref<1x!tpu.dma_semaphore, #tpu.memory_space<semaphore_mem>> -> memref<!tpu.dma_semaphore, #tpu.memory_space<semaphore_mem>>
    tpu.enqueue_indirect_dma source(%arg7 : memref<8192xf32, #tpu.memory_space<vmem>>) target(%dma_start3A_476 : memref<1000448xf32, #tpu.memory_space<vmem_shared>>) offsets(%arg6 : memref<8192xi32, #tpu.memory_space<vmem>>) semaphore(%dma_start3A_478 : memref<!tpu.dma_semaphore, #tpu.memory_space<semaphore_mem>>) {add = true}
    %dma_wait3A_479 = arith.constant 8 : i32
    %dma_wait3A_480 = arith.constant 0 : i32
    %dma_wait3A_481 = tpu.memref_slice %arg5[%dma_wait3A_480] : memref<1000448xf32, #tpu.memory_space<vmem_shared>> -> memref<1000448xf32, #tpu.memory_space<vmem_shared>>
    %dma_wait3A_482 = tpu.memref_slice %arg17[%dma_wait3A_479] : memref<10x!tpu.dma_semaphore, #tpu.memory_space<semaphore_mem>> -> memref<1x!tpu.dma_semaphore, #tpu.memory_space<semaphore_mem>>
    %dma_wait3A_483 = tpu.memref_squeeze %dma_wait3A_482 : memref<1x!tpu.dma_semaphore, #tpu.memory_space<semaphore_mem>> -> memref<!tpu.dma_semaphore, #tpu.memory_space<semaphore_mem>>
    tpu.wait_indirect_dma semaphore(%dma_wait3A_483 : memref<!tpu.dma_semaphore, #tpu.memory_space<semaphore_mem>>) src(%arg9 : memref<8192xf32, #tpu.memory_space<vmem>>) dst(%dma_wait3A_481 : memref<1000448xf32, #tpu.memory_space<vmem_shared>>)
    %add3A_484 = arith.constant 81920 : i32
    %add3A_485 = arith.addi %mul3A_8, %add3A_484 : i32
    %dma_start3A_486 = arith.constant 1 : i32
    %dma_start3A_487 = tpu.memref_slice %arg2[%add3A_485] : memref<3200000xi32, #tpu.memory_space<hbm>> -> memref<8192xi32, #tpu.memory_space<hbm>>
    %dma_start3A_488 = tpu.memref_slice %arg17[%dma_start3A_486] : memref<10x!tpu.dma_semaphore, #tpu.memory_space<semaphore_mem>> -> memref<1x!tpu.dma_semaphore, #tpu.memory_space<semaphore_mem>>
    %dma_start3A_489 = tpu.memref_squeeze %dma_start3A_488 : memref<1x!tpu.dma_semaphore, #tpu.memory_space<semaphore_mem>> -> memref<!tpu.dma_semaphore, #tpu.memory_space<semaphore_mem>>
    %dma_start3A_490 = tpu.memref_slice %arg2[%add3A_485] : memref<3200000xi32, #tpu.memory_space<hbm>> -> memref<8192xi32, #tpu.memory_space<hbm>>
    tpu.enqueue_dma source(%dma_start3A_490 : memref<8192xi32, #tpu.memory_space<hbm>>) target(%arg8 : memref<8192xi32, #tpu.memory_space<vmem>>) target_semaphore(%dma_start3A_489 : memref<!tpu.dma_semaphore, #tpu.memory_space<semaphore_mem>>)
    %dma_start3A_491 = arith.constant 4 : i32
    %dma_start3A_492 = tpu.memref_slice %arg3[%add3A_485] : memref<3200000xf32, #tpu.memory_space<hbm>> -> memref<8192xf32, #tpu.memory_space<hbm>>
    %dma_start3A_493 = tpu.memref_slice %arg17[%dma_start3A_491] : memref<10x!tpu.dma_semaphore, #tpu.memory_space<semaphore_mem>> -> memref<1x!tpu.dma_semaphore, #tpu.memory_space<semaphore_mem>>
    %dma_start3A_494 = tpu.memref_squeeze %dma_start3A_493 : memref<1x!tpu.dma_semaphore, #tpu.memory_space<semaphore_mem>> -> memref<!tpu.dma_semaphore, #tpu.memory_space<semaphore_mem>>
    %dma_start3A_495 = tpu.memref_slice %arg3[%add3A_485] : memref<3200000xf32, #tpu.memory_space<hbm>> -> memref<8192xf32, #tpu.memory_space<hbm>>
    tpu.enqueue_dma source(%dma_start3A_495 : memref<8192xf32, #tpu.memory_space<hbm>>) target(%arg9 : memref<8192xf32, #tpu.memory_space<vmem>>) target_semaphore(%dma_start3A_494 : memref<!tpu.dma_semaphore, #tpu.memory_space<semaphore_mem>>)
    %dma_wait3A_496 = arith.constant 1 : i32
    %dma_wait3A_497 = tpu.memref_slice %arg2[%add3A_485] : memref<3200000xi32, #tpu.memory_space<hbm>> -> memref<8192xi32, #tpu.memory_space<hbm>>
    %dma_wait3A_498 = tpu.memref_slice %arg17[%dma_wait3A_496] : memref<10x!tpu.dma_semaphore, #tpu.memory_space<semaphore_mem>> -> memref<1x!tpu.dma_semaphore, #tpu.memory_space<semaphore_mem>>
    %dma_wait3A_499 = tpu.memref_squeeze %dma_wait3A_498 : memref<1x!tpu.dma_semaphore, #tpu.memory_space<semaphore_mem>> -> memref<!tpu.dma_semaphore, #tpu.memory_space<semaphore_mem>>
    %dma_wait3A_500 = tpu.memref_slice %arg2[%add3A_485] : memref<3200000xi32, #tpu.memory_space<hbm>> -> memref<8192xi32, #tpu.memory_space<hbm>>
    tpu.wait_dma2 semaphore(%dma_wait3A_499 : memref<!tpu.dma_semaphore, #tpu.memory_space<semaphore_mem>>) src(%dma_wait3A_500 : memref<8192xi32, #tpu.memory_space<hbm>>) dst(%arg8 : memref<8192xi32, #tpu.memory_space<vmem>>)
    %dma_wait3A_501 = arith.constant 4 : i32
    %dma_wait3A_502 = tpu.memref_slice %arg3[%add3A_485] : memref<3200000xf32, #tpu.memory_space<hbm>> -> memref<8192xf32, #tpu.memory_space<hbm>>
    %dma_wait3A_503 = tpu.memref_slice %arg17[%dma_wait3A_501] : memref<10x!tpu.dma_semaphore, #tpu.memory_space<semaphore_mem>> -> memref<1x!tpu.dma_semaphore, #tpu.memory_space<semaphore_mem>>
    %dma_wait3A_504 = tpu.memref_squeeze %dma_wait3A_503 : memref<1x!tpu.dma_semaphore, #tpu.memory_space<semaphore_mem>> -> memref<!tpu.dma_semaphore, #tpu.memory_space<semaphore_mem>>
    %dma_wait3A_505 = tpu.memref_slice %arg3[%add3A_485] : memref<3200000xf32, #tpu.memory_space<hbm>> -> memref<8192xf32, #tpu.memory_space<hbm>>
    tpu.wait_dma2 semaphore(%dma_wait3A_504 : memref<!tpu.dma_semaphore, #tpu.memory_space<semaphore_mem>>) src(%dma_wait3A_505 : memref<8192xf32, #tpu.memory_space<hbm>>) dst(%arg9 : memref<8192xf32, #tpu.memory_space<vmem>>)
    %dma_start3A_506 = arith.constant 8 : i32
    %dma_start3A_507 = arith.constant 0 : i32
    %dma_start3A_508 = tpu.memref_slice %arg5[%dma_start3A_507] : memref<1000448xf32, #tpu.memory_space<vmem_shared>> -> memref<1000448xf32, #tpu.memory_space<vmem_shared>>
    %dma_start3A_509 = tpu.memref_slice %arg17[%dma_start3A_506] : memref<10x!tpu.dma_semaphore, #tpu.memory_space<semaphore_mem>> -> memref<1x!tpu.dma_semaphore, #tpu.memory_space<semaphore_mem>>
    %dma_start3A_510 = tpu.memref_squeeze %dma_start3A_509 : memref<1x!tpu.dma_semaphore, #tpu.memory_space<semaphore_mem>> -> memref<!tpu.dma_semaphore, #tpu.memory_space<semaphore_mem>>
    tpu.enqueue_indirect_dma source(%arg9 : memref<8192xf32, #tpu.memory_space<vmem>>) target(%dma_start3A_508 : memref<1000448xf32, #tpu.memory_space<vmem_shared>>) offsets(%arg8 : memref<8192xi32, #tpu.memory_space<vmem>>) semaphore(%dma_start3A_510 : memref<!tpu.dma_semaphore, #tpu.memory_space<semaphore_mem>>) {add = true}
    %dma_wait3A_511 = arith.constant 9 : i32
    %dma_wait3A_512 = arith.constant 0 : i32
    %dma_wait3A_513 = tpu.memref_slice %arg5[%dma_wait3A_512] : memref<1000448xf32, #tpu.memory_space<vmem_shared>> -> memref<1000448xf32, #tpu.memory_space<vmem_shared>>
    %dma_wait3A_514 = tpu.memref_slice %arg17[%dma_wait3A_511] : memref<10x!tpu.dma_semaphore, #tpu.memory_space<semaphore_mem>> -> memref<1x!tpu.dma_semaphore, #tpu.memory_space<semaphore_mem>>
    %dma_wait3A_515 = tpu.memref_squeeze %dma_wait3A_514 : memref<1x!tpu.dma_semaphore, #tpu.memory_space<semaphore_mem>> -> memref<!tpu.dma_semaphore, #tpu.memory_space<semaphore_mem>>
    tpu.wait_indirect_dma semaphore(%dma_wait3A_515 : memref<!tpu.dma_semaphore, #tpu.memory_space<semaphore_mem>>) src(%arg11 : memref<8192xf32, #tpu.memory_space<vmem>>) dst(%dma_wait3A_513 : memref<1000448xf32, #tpu.memory_space<vmem_shared>>)
    %add3A_516 = arith.constant 90112 : i32
    %add3A_517 = arith.addi %mul3A_8, %add3A_516 : i32
    %dma_start3A_518 = arith.constant 2 : i32
    %dma_start3A_519 = tpu.memref_slice %arg2[%add3A_517] : memref<3200000xi32, #tpu.memory_space<hbm>> -> memref<8192xi32, #tpu.memory_space<hbm>>
    %dma_start3A_520 = tpu.memref_slice %arg17[%dma_start3A_518] : memref<10x!tpu.dma_semaphore, #tpu.memory_space<semaphore_mem>> -> memref<1x!tpu.dma_semaphore, #tpu.memory_space<semaphore_mem>>
    %dma_start3A_521 = tpu.memref_squeeze %dma_start3A_520 : memref<1x!tpu.dma_semaphore, #tpu.memory_space<semaphore_mem>> -> memref<!tpu.dma_semaphore, #tpu.memory_space<semaphore_mem>>
    %dma_start3A_522 = tpu.memref_slice %arg2[%add3A_517] : memref<3200000xi32, #tpu.memory_space<hbm>> -> memref<8192xi32, #tpu.memory_space<hbm>>
    tpu.enqueue_dma source(%dma_start3A_522 : memref<8192xi32, #tpu.memory_space<hbm>>) target(%arg10 : memref<8192xi32, #tpu.memory_space<vmem>>) target_semaphore(%dma_start3A_521 : memref<!tpu.dma_semaphore, #tpu.memory_space<semaphore_mem>>)
    %dma_start3A_523 = arith.constant 5 : i32
    %dma_start3A_524 = tpu.memref_slice %arg3[%add3A_517] : memref<3200000xf32, #tpu.memory_space<hbm>> -> memref<8192xf32, #tpu.memory_space<hbm>>
    %dma_start3A_525 = tpu.memref_slice %arg17[%dma_start3A_523] : memref<10x!tpu.dma_semaphore, #tpu.memory_space<semaphore_mem>> -> memref<1x!tpu.dma_semaphore, #tpu.memory_space<semaphore_mem>>
    %dma_start3A_526 = tpu.memref_squeeze %dma_start3A_525 : memref<1x!tpu.dma_semaphore, #tpu.memory_space<semaphore_mem>> -> memref<!tpu.dma_semaphore, #tpu.memory_space<semaphore_mem>>
    %dma_start3A_527 = tpu.memref_slice %arg3[%add3A_517] : memref<3200000xf32, #tpu.memory_space<hbm>> -> memref<8192xf32, #tpu.memory_space<hbm>>
    tpu.enqueue_dma source(%dma_start3A_527 : memref<8192xf32, #tpu.memory_space<hbm>>) target(%arg11 : memref<8192xf32, #tpu.memory_space<vmem>>) target_semaphore(%dma_start3A_526 : memref<!tpu.dma_semaphore, #tpu.memory_space<semaphore_mem>>)
    %dma_wait3A_528 = arith.constant 2 : i32
    %dma_wait3A_529 = tpu.memref_slice %arg2[%add3A_517] : memref<3200000xi32, #tpu.memory_space<hbm>> -> memref<8192xi32, #tpu.memory_space<hbm>>
    %dma_wait3A_530 = tpu.memref_slice %arg17[%dma_wait3A_528] : memref<10x!tpu.dma_semaphore, #tpu.memory_space<semaphore_mem>> -> memref<1x!tpu.dma_semaphore, #tpu.memory_space<semaphore_mem>>
    %dma_wait3A_531 = tpu.memref_squeeze %dma_wait3A_530 : memref<1x!tpu.dma_semaphore, #tpu.memory_space<semaphore_mem>> -> memref<!tpu.dma_semaphore, #tpu.memory_space<semaphore_mem>>
    %dma_wait3A_532 = tpu.memref_slice %arg2[%add3A_517] : memref<3200000xi32, #tpu.memory_space<hbm>> -> memref<8192xi32, #tpu.memory_space<hbm>>
    tpu.wait_dma2 semaphore(%dma_wait3A_531 : memref<!tpu.dma_semaphore, #tpu.memory_space<semaphore_mem>>) src(%dma_wait3A_532 : memref<8192xi32, #tpu.memory_space<hbm>>) dst(%arg10 : memref<8192xi32, #tpu.memory_space<vmem>>)
    %dma_wait3A_533 = arith.constant 5 : i32
    %dma_wait3A_534 = tpu.memref_slice %arg3[%add3A_517] : memref<3200000xf32, #tpu.memory_space<hbm>> -> memref<8192xf32, #tpu.memory_space<hbm>>
    %dma_wait3A_535 = tpu.memref_slice %arg17[%dma_wait3A_533] : memref<10x!tpu.dma_semaphore, #tpu.memory_space<semaphore_mem>> -> memref<1x!tpu.dma_semaphore, #tpu.memory_space<semaphore_mem>>
    %dma_wait3A_536 = tpu.memref_squeeze %dma_wait3A_535 : memref<1x!tpu.dma_semaphore, #tpu.memory_space<semaphore_mem>> -> memref<!tpu.dma_semaphore, #tpu.memory_space<semaphore_mem>>
    %dma_wait3A_537 = tpu.memref_slice %arg3[%add3A_517] : memref<3200000xf32, #tpu.memory_space<hbm>> -> memref<8192xf32, #tpu.memory_space<hbm>>
    tpu.wait_dma2 semaphore(%dma_wait3A_536 : memref<!tpu.dma_semaphore, #tpu.memory_space<semaphore_mem>>) src(%dma_wait3A_537 : memref<8192xf32, #tpu.memory_space<hbm>>) dst(%arg11 : memref<8192xf32, #tpu.memory_space<vmem>>)
    %dma_start3A_538 = arith.constant 9 : i32
    %dma_start3A_539 = arith.constant 0 : i32
    %dma_start3A_540 = tpu.memref_slice %arg5[%dma_start3A_539] : memref<1000448xf32, #tpu.memory_space<vmem_shared>> -> memref<1000448xf32, #tpu.memory_space<vmem_shared>>
    %dma_start3A_541 = tpu.memref_slice %arg17[%dma_start3A_538] : memref<10x!tpu.dma_semaphore, #tpu.memory_space<semaphore_mem>> -> memref<1x!tpu.dma_semaphore, #tpu.memory_space<semaphore_mem>>
    %dma_start3A_542 = tpu.memref_squeeze %dma_start3A_541 : memref<1x!tpu.dma_semaphore, #tpu.memory_space<semaphore_mem>> -> memref<!tpu.dma_semaphore, #tpu.memory_space<semaphore_mem>>
    tpu.enqueue_indirect_dma source(%arg11 : memref<8192xf32, #tpu.memory_space<vmem>>) target(%dma_start3A_540 : memref<1000448xf32, #tpu.memory_space<vmem_shared>>) offsets(%arg10 : memref<8192xi32, #tpu.memory_space<vmem>>) semaphore(%dma_start3A_542 : memref<!tpu.dma_semaphore, #tpu.memory_space<semaphore_mem>>) {add = true}
    %dma_wait3A_543 = arith.constant 7 : i32
    %dma_wait3A_544 = arith.constant 0 : i32
    %dma_wait3A_545 = tpu.memref_slice %arg5[%dma_wait3A_544] : memref<1000448xf32, #tpu.memory_space<vmem_shared>> -> memref<1000448xf32, #tpu.memory_space<vmem_shared>>
    %dma_wait3A_546 = tpu.memref_slice %arg17[%dma_wait3A_543] : memref<10x!tpu.dma_semaphore, #tpu.memory_space<semaphore_mem>> -> memref<1x!tpu.dma_semaphore, #tpu.memory_space<semaphore_mem>>
    %dma_wait3A_547 = tpu.memref_squeeze %dma_wait3A_546 : memref<1x!tpu.dma_semaphore, #tpu.memory_space<semaphore_mem>> -> memref<!tpu.dma_semaphore, #tpu.memory_space<semaphore_mem>>
    tpu.wait_indirect_dma semaphore(%dma_wait3A_547 : memref<!tpu.dma_semaphore, #tpu.memory_space<semaphore_mem>>) src(%arg7 : memref<8192xf32, #tpu.memory_space<vmem>>) dst(%dma_wait3A_545 : memref<1000448xf32, #tpu.memory_space<vmem_shared>>)
    %dma_wait3A_548 = arith.constant 8 : i32
    %dma_wait3A_549 = arith.constant 0 : i32
    %dma_wait3A_550 = tpu.memref_slice %arg5[%dma_wait3A_549] : memref<1000448xf32, #tpu.memory_space<vmem_shared>> -> memref<1000448xf32, #tpu.memory_space<vmem_shared>>
    %dma_wait3A_551 = tpu.memref_slice %arg17[%dma_wait3A_548] : memref<10x!tpu.dma_semaphore, #tpu.memory_space<semaphore_mem>> -> memref<1x!tpu.dma_semaphore, #tpu.memory_space<semaphore_mem>>
    %dma_wait3A_552 = tpu.memref_squeeze %dma_wait3A_551 : memref<1x!tpu.dma_semaphore, #tpu.memory_space<semaphore_mem>> -> memref<!tpu.dma_semaphore, #tpu.memory_space<semaphore_mem>>
    tpu.wait_indirect_dma semaphore(%dma_wait3A_552 : memref<!tpu.dma_semaphore, #tpu.memory_space<semaphore_mem>>) src(%arg9 : memref<8192xf32, #tpu.memory_space<vmem>>) dst(%dma_wait3A_550 : memref<1000448xf32, #tpu.memory_space<vmem_shared>>)
    %dma_wait3A_553 = arith.constant 9 : i32
    %dma_wait3A_554 = arith.constant 0 : i32
    %dma_wait3A_555 = tpu.memref_slice %arg5[%dma_wait3A_554] : memref<1000448xf32, #tpu.memory_space<vmem_shared>> -> memref<1000448xf32, #tpu.memory_space<vmem_shared>>
    %dma_wait3A_556 = tpu.memref_slice %arg17[%dma_wait3A_553] : memref<10x!tpu.dma_semaphore, #tpu.memory_space<semaphore_mem>> -> memref<1x!tpu.dma_semaphore, #tpu.memory_space<semaphore_mem>>
    %dma_wait3A_557 = tpu.memref_squeeze %dma_wait3A_556 : memref<1x!tpu.dma_semaphore, #tpu.memory_space<semaphore_mem>> -> memref<!tpu.dma_semaphore, #tpu.memory_space<semaphore_mem>>
    tpu.wait_indirect_dma semaphore(%dma_wait3A_557 : memref<!tpu.dma_semaphore, #tpu.memory_space<semaphore_mem>>) src(%arg11 : memref<8192xf32, #tpu.memory_space<vmem>>) dst(%dma_wait3A_555 : memref<1000448xf32, #tpu.memory_space<vmem_shared>>)
    %add3A_558 = arith.constant 98304 : i32
    %add3A_559 = arith.addi %mul3A_8, %add3A_558 : i32
    %lt3A = arith.constant 21 : i32
    %lt3A_560 = arith.cmpi slt, %add3A, %lt3A : i32
    %convert_element_type3A = arith.extui %lt3A_560 : i1 to i32
    %cond3A = arith.constant 0 : i32
    %cond3A_561 = arith.cmpi ne, %convert_element_type3A, %cond3A : i32
    scf.if %cond3A_561 {
      "tpu.region"() ({
        %run_scoped3A = tpu.sem_alloc : memref<!tpu.dma_semaphore, #tpu.memory_space<semaphore_mem>>
        %dma_start3A_576 = tpu.memref_slice %arg2[%add3A_559] : memref<3200000xi32, #tpu.memory_space<hbm>> -> memref<2048xi32, #tpu.memory_space<hbm>>
        %dma_start3A_577 = tpu.memref_slice %arg2[%add3A_559] : memref<3200000xi32, #tpu.memory_space<hbm>> -> memref<2048xi32, #tpu.memory_space<hbm>>
        tpu.enqueue_dma source(%dma_start3A_577 : memref<2048xi32, #tpu.memory_space<hbm>>) target(%arg14 : memref<2048xi32, #tpu.memory_space<vmem>>) target_semaphore(%run_scoped3A : memref<!tpu.dma_semaphore, #tpu.memory_space<semaphore_mem>>)
        %dma_wait3A_578 = tpu.memref_slice %arg2[%add3A_559] : memref<3200000xi32, #tpu.memory_space<hbm>> -> memref<2048xi32, #tpu.memory_space<hbm>>
        %dma_wait3A_579 = tpu.memref_slice %arg2[%add3A_559] : memref<3200000xi32, #tpu.memory_space<hbm>> -> memref<2048xi32, #tpu.memory_space<hbm>>
        tpu.wait_dma2 semaphore(%run_scoped3A : memref<!tpu.dma_semaphore, #tpu.memory_space<semaphore_mem>>) src(%dma_wait3A_579 : memref<2048xi32, #tpu.memory_space<hbm>>) dst(%arg14 : memref<2048xi32, #tpu.memory_space<vmem>>)
        tpu.yield
      }) : () -> ()
      "tpu.region"() ({
        %run_scoped3A = tpu.sem_alloc : memref<!tpu.dma_semaphore, #tpu.memory_space<semaphore_mem>>
        %dma_start3A_576 = tpu.memref_slice %arg3[%add3A_559] : memref<3200000xf32, #tpu.memory_space<hbm>> -> memref<2048xf32, #tpu.memory_space<hbm>>
        %dma_start3A_577 = tpu.memref_slice %arg3[%add3A_559] : memref<3200000xf32, #tpu.memory_space<hbm>> -> memref<2048xf32, #tpu.memory_space<hbm>>
        tpu.enqueue_dma source(%dma_start3A_577 : memref<2048xf32, #tpu.memory_space<hbm>>) target(%arg15 : memref<2048xf32, #tpu.memory_space<vmem>>) target_semaphore(%run_scoped3A : memref<!tpu.dma_semaphore, #tpu.memory_space<semaphore_mem>>)
        %dma_wait3A_578 = tpu.memref_slice %arg3[%add3A_559] : memref<3200000xf32, #tpu.memory_space<hbm>> -> memref<2048xf32, #tpu.memory_space<hbm>>
        %dma_wait3A_579 = tpu.memref_slice %arg3[%add3A_559] : memref<3200000xf32, #tpu.memory_space<hbm>> -> memref<2048xf32, #tpu.memory_space<hbm>>
        tpu.wait_dma2 semaphore(%run_scoped3A : memref<!tpu.dma_semaphore, #tpu.memory_space<semaphore_mem>>) src(%dma_wait3A_579 : memref<2048xf32, #tpu.memory_space<hbm>>) dst(%arg15 : memref<2048xf32, #tpu.memory_space<vmem>>)
        tpu.yield
      }) : () -> ()
      "tpu.region"() ({
        %run_scoped3A = tpu.sem_alloc : memref<!tpu.dma_semaphore, #tpu.memory_space<semaphore_mem>>
        %dma_start3A_576 = arith.constant 0 : i32
        %dma_start3A_577 = tpu.memref_slice %arg5[%dma_start3A_576] : memref<1000448xf32, #tpu.memory_space<vmem_shared>> -> memref<1000448xf32, #tpu.memory_space<vmem_shared>>
        tpu.enqueue_indirect_dma source(%arg15 : memref<2048xf32, #tpu.memory_space<vmem>>) target(%dma_start3A_577 : memref<1000448xf32, #tpu.memory_space<vmem_shared>>) offsets(%arg14 : memref<2048xi32, #tpu.memory_space<vmem>>) semaphore(%run_scoped3A : memref<!tpu.dma_semaphore, #tpu.memory_space<semaphore_mem>>) {add = true}
        %dma_wait3A_578 = arith.constant 0 : i32
        %dma_wait3A_579 = tpu.memref_slice %arg5[%dma_wait3A_578] : memref<1000448xf32, #tpu.memory_space<vmem_shared>> -> memref<1000448xf32, #tpu.memory_space<vmem_shared>>
        tpu.wait_indirect_dma semaphore(%run_scoped3A : memref<!tpu.dma_semaphore, #tpu.memory_space<semaphore_mem>>) src(%arg15 : memref<2048xf32, #tpu.memory_space<vmem>>) dst(%dma_wait3A_579 : memref<1000448xf32, #tpu.memory_space<vmem_shared>>)
        tpu.yield
      }) : () -> ()
    } else {
    }
    %ge3A = arith.constant 21 : i32
    %ge3A_562 = arith.cmpi sge, %add3A, %ge3A : i32
    %convert_element_type3A_563 = arith.extui %ge3A_562 : i1 to i32
    %cond3A_564 = arith.constant 0 : i32
    %cond3A_565 = arith.cmpi ne, %convert_element_type3A_563, %cond3A_564 : i32
    scf.if %cond3A_565 {
      "tpu.region"() ({
        %run_scoped3A = tpu.sem_alloc : memref<!tpu.dma_semaphore, #tpu.memory_space<semaphore_mem>>
        %dma_start3A_576 = tpu.memref_slice %arg2[%add3A_559] : memref<3200000xi32, #tpu.memory_space<hbm>> -> memref<1024xi32, #tpu.memory_space<hbm>>
        %dma_start3A_577 = tpu.memref_slice %arg2[%add3A_559] : memref<3200000xi32, #tpu.memory_space<hbm>> -> memref<1024xi32, #tpu.memory_space<hbm>>
        tpu.enqueue_dma source(%dma_start3A_577 : memref<1024xi32, #tpu.memory_space<hbm>>) target(%arg12 : memref<1024xi32, #tpu.memory_space<vmem>>) target_semaphore(%run_scoped3A : memref<!tpu.dma_semaphore, #tpu.memory_space<semaphore_mem>>)
        %dma_wait3A_578 = tpu.memref_slice %arg2[%add3A_559] : memref<3200000xi32, #tpu.memory_space<hbm>> -> memref<1024xi32, #tpu.memory_space<hbm>>
        %dma_wait3A_579 = tpu.memref_slice %arg2[%add3A_559] : memref<3200000xi32, #tpu.memory_space<hbm>> -> memref<1024xi32, #tpu.memory_space<hbm>>
        tpu.wait_dma2 semaphore(%run_scoped3A : memref<!tpu.dma_semaphore, #tpu.memory_space<semaphore_mem>>) src(%dma_wait3A_579 : memref<1024xi32, #tpu.memory_space<hbm>>) dst(%arg12 : memref<1024xi32, #tpu.memory_space<vmem>>)
        tpu.yield
      }) : () -> ()
      "tpu.region"() ({
        %run_scoped3A = tpu.sem_alloc : memref<!tpu.dma_semaphore, #tpu.memory_space<semaphore_mem>>
        %dma_start3A_576 = tpu.memref_slice %arg3[%add3A_559] : memref<3200000xf32, #tpu.memory_space<hbm>> -> memref<1024xf32, #tpu.memory_space<hbm>>
        %dma_start3A_577 = tpu.memref_slice %arg3[%add3A_559] : memref<3200000xf32, #tpu.memory_space<hbm>> -> memref<1024xf32, #tpu.memory_space<hbm>>
        tpu.enqueue_dma source(%dma_start3A_577 : memref<1024xf32, #tpu.memory_space<hbm>>) target(%arg13 : memref<1024xf32, #tpu.memory_space<vmem>>) target_semaphore(%run_scoped3A : memref<!tpu.dma_semaphore, #tpu.memory_space<semaphore_mem>>)
        %dma_wait3A_578 = tpu.memref_slice %arg3[%add3A_559] : memref<3200000xf32, #tpu.memory_space<hbm>> -> memref<1024xf32, #tpu.memory_space<hbm>>
        %dma_wait3A_579 = tpu.memref_slice %arg3[%add3A_559] : memref<3200000xf32, #tpu.memory_space<hbm>> -> memref<1024xf32, #tpu.memory_space<hbm>>
        tpu.wait_dma2 semaphore(%run_scoped3A : memref<!tpu.dma_semaphore, #tpu.memory_space<semaphore_mem>>) src(%dma_wait3A_579 : memref<1024xf32, #tpu.memory_space<hbm>>) dst(%arg13 : memref<1024xf32, #tpu.memory_space<vmem>>)
        tpu.yield
      }) : () -> ()
      "tpu.region"() ({
        %run_scoped3A = tpu.sem_alloc : memref<!tpu.dma_semaphore, #tpu.memory_space<semaphore_mem>>
        %dma_start3A_576 = arith.constant 0 : i32
        %dma_start3A_577 = tpu.memref_slice %arg5[%dma_start3A_576] : memref<1000448xf32, #tpu.memory_space<vmem_shared>> -> memref<1000448xf32, #tpu.memory_space<vmem_shared>>
        tpu.enqueue_indirect_dma source(%arg13 : memref<1024xf32, #tpu.memory_space<vmem>>) target(%dma_start3A_577 : memref<1000448xf32, #tpu.memory_space<vmem_shared>>) offsets(%arg12 : memref<1024xi32, #tpu.memory_space<vmem>>) semaphore(%run_scoped3A : memref<!tpu.dma_semaphore, #tpu.memory_space<semaphore_mem>>) {add = true}
        %dma_wait3A_578 = arith.constant 0 : i32
        %dma_wait3A_579 = tpu.memref_slice %arg5[%dma_wait3A_578] : memref<1000448xf32, #tpu.memory_space<vmem_shared>> -> memref<1000448xf32, #tpu.memory_space<vmem_shared>>
        tpu.wait_indirect_dma semaphore(%run_scoped3A : memref<!tpu.dma_semaphore, #tpu.memory_space<semaphore_mem>>) src(%arg13 : memref<1024xf32, #tpu.memory_space<vmem>>) dst(%dma_wait3A_579 : memref<1000448xf32, #tpu.memory_space<vmem_shared>>)
        tpu.yield
      }) : () -> ()
    } else {
    }
    %barrier3A_566 = arith.constant 0 : index
    tpu.barrier barrier_id(%barrier3A_566)
    %lt3A_567 = arith.constant 15 : i32
    %lt3A_568 = arith.cmpi slt, %arg1, %lt3A_567 : i32
    %convert_element_type3A_569 = arith.extui %lt3A_568 : i1 to i32
    %cond3A_570 = arith.constant 0 : i32
    %cond3A_571 = arith.cmpi ne, %convert_element_type3A_569, %cond3A_570 : i32
    scf.if %cond3A_571 {
      %add3A_576 = arith.constant 0 : i32
      %add3A_577 = arith.addi %mul3A_10, %add3A_576 : i32
      %dma_start3A_578 = arith.constant 0 : i32
      %dma_start3A_579 = arith.constant 0 : i32
      %dma_start3A_580 = tpu.memref_slice %arg7[%dma_start3A_579] : memref<8192xf32, #tpu.memory_space<vmem>> -> memref<8192xf32, #tpu.memory_space<vmem>>
      %dma_start3A_581 = tpu.memref_slice %arg5[%add3A_577] : memref<1000448xf32, #tpu.memory_space<vmem_shared>> -> memref<8192xf32, #tpu.memory_space<vmem_shared>>
      %dma_start3A_582 = tpu.memref_slice %arg17[%dma_start3A_578] : memref<10x!tpu.dma_semaphore, #tpu.memory_space<semaphore_mem>> -> memref<1x!tpu.dma_semaphore, #tpu.memory_space<semaphore_mem>>
      %dma_start3A_583 = tpu.memref_squeeze %dma_start3A_582 : memref<1x!tpu.dma_semaphore, #tpu.memory_space<semaphore_mem>> -> memref<!tpu.dma_semaphore, #tpu.memory_space<semaphore_mem>>
      %dma_start3A_584 = arith.constant 0 : i32
      %dma_start3A_585 = tpu.memref_slice %arg7[%dma_start3A_584] : memref<8192xf32, #tpu.memory_space<vmem>> -> memref<8192xf32, #tpu.memory_space<vmem>>
      %dma_start3A_586 = tpu.memref_slice %arg5[%add3A_577] : memref<1000448xf32, #tpu.memory_space<vmem_shared>> -> memref<8192xf32, #tpu.memory_space<vmem_shared>>
      tpu.enqueue_dma source(%dma_start3A_586 : memref<8192xf32, #tpu.memory_space<vmem_shared>>) target(%dma_start3A_585 : memref<8192xf32, #tpu.memory_space<vmem>>) target_semaphore(%dma_start3A_583 : memref<!tpu.dma_semaphore, #tpu.memory_space<semaphore_mem>>)
      %add3A_587 = arith.constant 8192 : i32
      %add3A_588 = arith.addi %mul3A_10, %add3A_587 : i32
      %dma_start3A_589 = arith.constant 1 : i32
      %dma_start3A_590 = arith.constant 0 : i32
      %dma_start3A_591 = tpu.memref_slice %arg9[%dma_start3A_590] : memref<8192xf32, #tpu.memory_space<vmem>> -> memref<8192xf32, #tpu.memory_space<vmem>>
      %dma_start3A_592 = tpu.memref_slice %arg5[%add3A_588] : memref<1000448xf32, #tpu.memory_space<vmem_shared>> -> memref<8192xf32, #tpu.memory_space<vmem_shared>>
      %dma_start3A_593 = tpu.memref_slice %arg17[%dma_start3A_589] : memref<10x!tpu.dma_semaphore, #tpu.memory_space<semaphore_mem>> -> memref<1x!tpu.dma_semaphore, #tpu.memory_space<semaphore_mem>>
      %dma_start3A_594 = tpu.memref_squeeze %dma_start3A_593 : memref<1x!tpu.dma_semaphore, #tpu.memory_space<semaphore_mem>> -> memref<!tpu.dma_semaphore, #tpu.memory_space<semaphore_mem>>
      %dma_start3A_595 = arith.constant 0 : i32
      %dma_start3A_596 = tpu.memref_slice %arg9[%dma_start3A_595] : memref<8192xf32, #tpu.memory_space<vmem>> -> memref<8192xf32, #tpu.memory_space<vmem>>
      %dma_start3A_597 = tpu.memref_slice %arg5[%add3A_588] : memref<1000448xf32, #tpu.memory_space<vmem_shared>> -> memref<8192xf32, #tpu.memory_space<vmem_shared>>
      tpu.enqueue_dma source(%dma_start3A_597 : memref<8192xf32, #tpu.memory_space<vmem_shared>>) target(%dma_start3A_596 : memref<8192xf32, #tpu.memory_space<vmem>>) target_semaphore(%dma_start3A_594 : memref<!tpu.dma_semaphore, #tpu.memory_space<semaphore_mem>>)
      %dma_wait3A_598 = arith.constant 0 : i32
      %dma_wait3A_599 = arith.constant 0 : i32
      %dma_wait3A_600 = tpu.memref_slice %arg7[%dma_wait3A_599] : memref<8192xf32, #tpu.memory_space<vmem>> -> memref<8192xf32, #tpu.memory_space<vmem>>
      %dma_wait3A_601 = tpu.memref_slice %arg5[%add3A_577] : memref<1000448xf32, #tpu.memory_space<vmem_shared>> -> memref<8192xf32, #tpu.memory_space<vmem_shared>>
      %dma_wait3A_602 = tpu.memref_slice %arg17[%dma_wait3A_598] : memref<10x!tpu.dma_semaphore, #tpu.memory_space<semaphore_mem>> -> memref<1x!tpu.dma_semaphore, #tpu.memory_space<semaphore_mem>>
      %dma_wait3A_603 = tpu.memref_squeeze %dma_wait3A_602 : memref<1x!tpu.dma_semaphore, #tpu.memory_space<semaphore_mem>> -> memref<!tpu.dma_semaphore, #tpu.memory_space<semaphore_mem>>
      %dma_wait3A_604 = arith.constant 0 : i32
      %dma_wait3A_605 = tpu.memref_slice %arg7[%dma_wait3A_604] : memref<8192xf32, #tpu.memory_space<vmem>> -> memref<8192xf32, #tpu.memory_space<vmem>>
      %dma_wait3A_606 = tpu.memref_slice %arg5[%add3A_577] : memref<1000448xf32, #tpu.memory_space<vmem_shared>> -> memref<8192xf32, #tpu.memory_space<vmem_shared>>
      tpu.wait_dma2 semaphore(%dma_wait3A_603 : memref<!tpu.dma_semaphore, #tpu.memory_space<semaphore_mem>>) src(%dma_wait3A_606 : memref<8192xf32, #tpu.memory_space<vmem_shared>>) dst(%dma_wait3A_605 : memref<8192xf32, #tpu.memory_space<vmem>>)
      %mul3A_607 = arith.constant 1000000 : i32
      %mul3A_608 = arith.muli %arg0, %mul3A_607 : i32
      %add3A_609 = arith.addi %mul3A_608, %mul3A_10 : i32
      %add3A_610 = arith.constant 0 : i32
      %add3A_611 = arith.addi %add3A_609, %add3A_610 : i32
      %dma_start3A_612 = arith.constant 7 : i32
      %dma_start3A_613 = arith.constant 0 : i32
      %dma_start3A_614 = tpu.memref_slice %arg7[%dma_start3A_613] : memref<8192xf32, #tpu.memory_space<vmem>> -> memref<8192xf32, #tpu.memory_space<vmem>>
      %dma_start3A_615 = tpu.memref_slice %arg4[%add3A_611] : memref<2000000xf32, #tpu.memory_space<hbm>> -> memref<8192xf32, #tpu.memory_space<hbm>>
      %dma_start3A_616 = tpu.memref_slice %arg17[%dma_start3A_612] : memref<10x!tpu.dma_semaphore, #tpu.memory_space<semaphore_mem>> -> memref<1x!tpu.dma_semaphore, #tpu.memory_space<semaphore_mem>>
      %dma_start3A_617 = tpu.memref_squeeze %dma_start3A_616 : memref<1x!tpu.dma_semaphore, #tpu.memory_space<semaphore_mem>> -> memref<!tpu.dma_semaphore, #tpu.memory_space<semaphore_mem>>
      %dma_start3A_618 = tpu.memref_slice %arg4[%add3A_611] : memref<2000000xf32, #tpu.memory_space<hbm>> -> memref<8192xf32, #tpu.memory_space<hbm>>
      %dma_start3A_619 = arith.constant 0 : i32
      %dma_start3A_620 = tpu.memref_slice %arg7[%dma_start3A_619] : memref<8192xf32, #tpu.memory_space<vmem>> -> memref<8192xf32, #tpu.memory_space<vmem>>
      tpu.enqueue_dma source(%dma_start3A_620 : memref<8192xf32, #tpu.memory_space<vmem>>) target(%dma_start3A_618 : memref<8192xf32, #tpu.memory_space<hbm>>) target_semaphore(%dma_start3A_617 : memref<!tpu.dma_semaphore, #tpu.memory_space<semaphore_mem>>)
      %dma_wait3A_621 = arith.constant 7 : i32
      %dma_wait3A_622 = arith.constant 0 : i32
      %dma_wait3A_623 = tpu.memref_slice %arg7[%dma_wait3A_622] : memref<8192xf32, #tpu.memory_space<vmem>> -> memref<8192xf32, #tpu.memory_space<vmem>>
      %dma_wait3A_624 = tpu.memref_slice %arg4[%add3A_611] : memref<2000000xf32, #tpu.memory_space<hbm>> -> memref<8192xf32, #tpu.memory_space<hbm>>
      %dma_wait3A_625 = tpu.memref_slice %arg17[%dma_wait3A_621] : memref<10x!tpu.dma_semaphore, #tpu.memory_space<semaphore_mem>> -> memref<1x!tpu.dma_semaphore, #tpu.memory_space<semaphore_mem>>
      %dma_wait3A_626 = tpu.memref_squeeze %dma_wait3A_625 : memref<1x!tpu.dma_semaphore, #tpu.memory_space<semaphore_mem>> -> memref<!tpu.dma_semaphore, #tpu.memory_space<semaphore_mem>>
      %dma_wait3A_627 = tpu.memref_slice %arg4[%add3A_611] : memref<2000000xf32, #tpu.memory_space<hbm>> -> memref<8192xf32, #tpu.memory_space<hbm>>
      %dma_wait3A_628 = arith.constant 0 : i32
      %dma_wait3A_629 = tpu.memref_slice %arg7[%dma_wait3A_628] : memref<8192xf32, #tpu.memory_space<vmem>> -> memref<8192xf32, #tpu.memory_space<vmem>>
      tpu.wait_dma2 semaphore(%dma_wait3A_626 : memref<!tpu.dma_semaphore, #tpu.memory_space<semaphore_mem>>) src(%dma_wait3A_629 : memref<8192xf32, #tpu.memory_space<vmem>>) dst(%dma_wait3A_627 : memref<8192xf32, #tpu.memory_space<hbm>>)
      %add3A_630 = arith.constant 16384 : i32
      %add3A_631 = arith.addi %mul3A_10, %add3A_630 : i32
      %dma_start3A_632 = arith.constant 0 : i32
      %dma_start3A_633 = arith.constant 0 : i32
      %dma_start3A_634 = tpu.memref_slice %arg7[%dma_start3A_633] : memref<8192xf32, #tpu.memory_space<vmem>> -> memref<8192xf32, #tpu.memory_space<vmem>>
      %dma_start3A_635 = tpu.memref_slice %arg5[%add3A_631] : memref<1000448xf32, #tpu.memory_space<vmem_shared>> -> memref<8192xf32, #tpu.memory_space<vmem_shared>>
      %dma_start3A_636 = tpu.memref_slice %arg17[%dma_start3A_632] : memref<10x!tpu.dma_semaphore, #tpu.memory_space<semaphore_mem>> -> memref<1x!tpu.dma_semaphore, #tpu.memory_space<semaphore_mem>>
      %dma_start3A_637 = tpu.memref_squeeze %dma_start3A_636 : memref<1x!tpu.dma_semaphore, #tpu.memory_space<semaphore_mem>> -> memref<!tpu.dma_semaphore, #tpu.memory_space<semaphore_mem>>
      %dma_start3A_638 = arith.constant 0 : i32
      %dma_start3A_639 = tpu.memref_slice %arg7[%dma_start3A_638] : memref<8192xf32, #tpu.memory_space<vmem>> -> memref<8192xf32, #tpu.memory_space<vmem>>
      %dma_start3A_640 = tpu.memref_slice %arg5[%add3A_631] : memref<1000448xf32, #tpu.memory_space<vmem_shared>> -> memref<8192xf32, #tpu.memory_space<vmem_shared>>
      tpu.enqueue_dma source(%dma_start3A_640 : memref<8192xf32, #tpu.memory_space<vmem_shared>>) target(%dma_start3A_639 : memref<8192xf32, #tpu.memory_space<vmem>>) target_semaphore(%dma_start3A_637 : memref<!tpu.dma_semaphore, #tpu.memory_space<semaphore_mem>>)
      %dma_wait3A_641 = arith.constant 1 : i32
      %dma_wait3A_642 = arith.constant 0 : i32
      %dma_wait3A_643 = tpu.memref_slice %arg9[%dma_wait3A_642] : memref<8192xf32, #tpu.memory_space<vmem>> -> memref<8192xf32, #tpu.memory_space<vmem>>
      %dma_wait3A_644 = tpu.memref_slice %arg5[%add3A_588] : memref<1000448xf32, #tpu.memory_space<vmem_shared>> -> memref<8192xf32, #tpu.memory_space<vmem_shared>>
      %dma_wait3A_645 = tpu.memref_slice %arg17[%dma_wait3A_641] : memref<10x!tpu.dma_semaphore, #tpu.memory_space<semaphore_mem>> -> memref<1x!tpu.dma_semaphore, #tpu.memory_space<semaphore_mem>>
      %dma_wait3A_646 = tpu.memref_squeeze %dma_wait3A_645 : memref<1x!tpu.dma_semaphore, #tpu.memory_space<semaphore_mem>> -> memref<!tpu.dma_semaphore, #tpu.memory_space<semaphore_mem>>
      %dma_wait3A_647 = arith.constant 0 : i32
      %dma_wait3A_648 = tpu.memref_slice %arg9[%dma_wait3A_647] : memref<8192xf32, #tpu.memory_space<vmem>> -> memref<8192xf32, #tpu.memory_space<vmem>>
      %dma_wait3A_649 = tpu.memref_slice %arg5[%add3A_588] : memref<1000448xf32, #tpu.memory_space<vmem_shared>> -> memref<8192xf32, #tpu.memory_space<vmem_shared>>
      tpu.wait_dma2 semaphore(%dma_wait3A_646 : memref<!tpu.dma_semaphore, #tpu.memory_space<semaphore_mem>>) src(%dma_wait3A_649 : memref<8192xf32, #tpu.memory_space<vmem_shared>>) dst(%dma_wait3A_648 : memref<8192xf32, #tpu.memory_space<vmem>>)
      %mul3A_650 = arith.constant 1000000 : i32
      %mul3A_651 = arith.muli %arg0, %mul3A_650 : i32
      %add3A_652 = arith.addi %mul3A_651, %mul3A_10 : i32
      %add3A_653 = arith.constant 8192 : i32
      %add3A_654 = arith.addi %add3A_652, %add3A_653 : i32
      %dma_start3A_655 = arith.constant 8 : i32
      %dma_start3A_656 = arith.constant 0 : i32
      %dma_start3A_657 = tpu.memref_slice %arg9[%dma_start3A_656] : memref<8192xf32, #tpu.memory_space<vmem>> -> memref<8192xf32, #tpu.memory_space<vmem>>
      %dma_start3A_658 = tpu.memref_slice %arg4[%add3A_654] : memref<2000000xf32, #tpu.memory_space<hbm>> -> memref<8192xf32, #tpu.memory_space<hbm>>
      %dma_start3A_659 = tpu.memref_slice %arg17[%dma_start3A_655] : memref<10x!tpu.dma_semaphore, #tpu.memory_space<semaphore_mem>> -> memref<1x!tpu.dma_semaphore, #tpu.memory_space<semaphore_mem>>
      %dma_start3A_660 = tpu.memref_squeeze %dma_start3A_659 : memref<1x!tpu.dma_semaphore, #tpu.memory_space<semaphore_mem>> -> memref<!tpu.dma_semaphore, #tpu.memory_space<semaphore_mem>>
      %dma_start3A_661 = tpu.memref_slice %arg4[%add3A_654] : memref<2000000xf32, #tpu.memory_space<hbm>> -> memref<8192xf32, #tpu.memory_space<hbm>>
      %dma_start3A_662 = arith.constant 0 : i32
      %dma_start3A_663 = tpu.memref_slice %arg9[%dma_start3A_662] : memref<8192xf32, #tpu.memory_space<vmem>> -> memref<8192xf32, #tpu.memory_space<vmem>>
      tpu.enqueue_dma source(%dma_start3A_663 : memref<8192xf32, #tpu.memory_space<vmem>>) target(%dma_start3A_661 : memref<8192xf32, #tpu.memory_space<hbm>>) target_semaphore(%dma_start3A_660 : memref<!tpu.dma_semaphore, #tpu.memory_space<semaphore_mem>>)
      %dma_wait3A_664 = arith.constant 8 : i32
      %dma_wait3A_665 = arith.constant 0 : i32
      %dma_wait3A_666 = tpu.memref_slice %arg9[%dma_wait3A_665] : memref<8192xf32, #tpu.memory_space<vmem>> -> memref<8192xf32, #tpu.memory_space<vmem>>
      %dma_wait3A_667 = tpu.memref_slice %arg4[%add3A_654] : memref<2000000xf32, #tpu.memory_space<hbm>> -> memref<8192xf32, #tpu.memory_space<hbm>>
      %dma_wait3A_668 = tpu.memref_slice %arg17[%dma_wait3A_664] : memref<10x!tpu.dma_semaphore, #tpu.memory_space<semaphore_mem>> -> memref<1x!tpu.dma_semaphore, #tpu.memory_space<semaphore_mem>>
      %dma_wait3A_669 = tpu.memref_squeeze %dma_wait3A_668 : memref<1x!tpu.dma_semaphore, #tpu.memory_space<semaphore_mem>> -> memref<!tpu.dma_semaphore, #tpu.memory_space<semaphore_mem>>
      %dma_wait3A_670 = tpu.memref_slice %arg4[%add3A_654] : memref<2000000xf32, #tpu.memory_space<hbm>> -> memref<8192xf32, #tpu.memory_space<hbm>>
      %dma_wait3A_671 = arith.constant 0 : i32
      %dma_wait3A_672 = tpu.memref_slice %arg9[%dma_wait3A_671] : memref<8192xf32, #tpu.memory_space<vmem>> -> memref<8192xf32, #tpu.memory_space<vmem>>
      tpu.wait_dma2 semaphore(%dma_wait3A_669 : memref<!tpu.dma_semaphore, #tpu.memory_space<semaphore_mem>>) src(%dma_wait3A_672 : memref<8192xf32, #tpu.memory_space<vmem>>) dst(%dma_wait3A_670 : memref<8192xf32, #tpu.memory_space<hbm>>)
      %add3A_673 = arith.constant 24576 : i32
      %add3A_674 = arith.addi %mul3A_10, %add3A_673 : i32
      %dma_start3A_675 = arith.constant 1 : i32
      %dma_start3A_676 = arith.constant 0 : i32
      %dma_start3A_677 = tpu.memref_slice %arg9[%dma_start3A_676] : memref<8192xf32, #tpu.memory_space<vmem>> -> memref<8192xf32, #tpu.memory_space<vmem>>
      %dma_start3A_678 = tpu.memref_slice %arg5[%add3A_674] : memref<1000448xf32, #tpu.memory_space<vmem_shared>> -> memref<8192xf32, #tpu.memory_space<vmem_shared>>
      %dma_start3A_679 = tpu.memref_slice %arg17[%dma_start3A_675] : memref<10x!tpu.dma_semaphore, #tpu.memory_space<semaphore_mem>> -> memref<1x!tpu.dma_semaphore, #tpu.memory_space<semaphore_mem>>
      %dma_start3A_680 = tpu.memref_squeeze %dma_start3A_679 : memref<1x!tpu.dma_semaphore, #tpu.memory_space<semaphore_mem>> -> memref<!tpu.dma_semaphore, #tpu.memory_space<semaphore_mem>>
      %dma_start3A_681 = arith.constant 0 : i32
      %dma_start3A_682 = tpu.memref_slice %arg9[%dma_start3A_681] : memref<8192xf32, #tpu.memory_space<vmem>> -> memref<8192xf32, #tpu.memory_space<vmem>>
      %dma_start3A_683 = tpu.memref_slice %arg5[%add3A_674] : memref<1000448xf32, #tpu.memory_space<vmem_shared>> -> memref<8192xf32, #tpu.memory_space<vmem_shared>>
      tpu.enqueue_dma source(%dma_start3A_683 : memref<8192xf32, #tpu.memory_space<vmem_shared>>) target(%dma_start3A_682 : memref<8192xf32, #tpu.memory_space<vmem>>) target_semaphore(%dma_start3A_680 : memref<!tpu.dma_semaphore, #tpu.memory_space<semaphore_mem>>)
      %dma_wait3A_684 = arith.constant 0 : i32
      %dma_wait3A_685 = arith.constant 0 : i32
      %dma_wait3A_686 = tpu.memref_slice %arg7[%dma_wait3A_685] : memref<8192xf32, #tpu.memory_space<vmem>> -> memref<8192xf32, #tpu.memory_space<vmem>>
      %dma_wait3A_687 = tpu.memref_slice %arg5[%add3A_631] : memref<1000448xf32, #tpu.memory_space<vmem_shared>> -> memref<8192xf32, #tpu.memory_space<vmem_shared>>
      %dma_wait3A_688 = tpu.memref_slice %arg17[%dma_wait3A_684] : memref<10x!tpu.dma_semaphore, #tpu.memory_space<semaphore_mem>> -> memref<1x!tpu.dma_semaphore, #tpu.memory_space<semaphore_mem>>
      %dma_wait3A_689 = tpu.memref_squeeze %dma_wait3A_688 : memref<1x!tpu.dma_semaphore, #tpu.memory_space<semaphore_mem>> -> memref<!tpu.dma_semaphore, #tpu.memory_space<semaphore_mem>>
      %dma_wait3A_690 = arith.constant 0 : i32
      %dma_wait3A_691 = tpu.memref_slice %arg7[%dma_wait3A_690] : memref<8192xf32, #tpu.memory_space<vmem>> -> memref<8192xf32, #tpu.memory_space<vmem>>
      %dma_wait3A_692 = tpu.memref_slice %arg5[%add3A_631] : memref<1000448xf32, #tpu.memory_space<vmem_shared>> -> memref<8192xf32, #tpu.memory_space<vmem_shared>>
      tpu.wait_dma2 semaphore(%dma_wait3A_689 : memref<!tpu.dma_semaphore, #tpu.memory_space<semaphore_mem>>) src(%dma_wait3A_692 : memref<8192xf32, #tpu.memory_space<vmem_shared>>) dst(%dma_wait3A_691 : memref<8192xf32, #tpu.memory_space<vmem>>)
      %mul3A_693 = arith.constant 1000000 : i32
      %mul3A_694 = arith.muli %arg0, %mul3A_693 : i32
      %add3A_695 = arith.addi %mul3A_694, %mul3A_10 : i32
      %add3A_696 = arith.constant 16384 : i32
      %add3A_697 = arith.addi %add3A_695, %add3A_696 : i32
      %dma_start3A_698 = arith.constant 7 : i32
      %dma_start3A_699 = arith.constant 0 : i32
      %dma_start3A_700 = tpu.memref_slice %arg7[%dma_start3A_699] : memref<8192xf32, #tpu.memory_space<vmem>> -> memref<8192xf32, #tpu.memory_space<vmem>>
      %dma_start3A_701 = tpu.memref_slice %arg4[%add3A_697] : memref<2000000xf32, #tpu.memory_space<hbm>> -> memref<8192xf32, #tpu.memory_space<hbm>>
      %dma_start3A_702 = tpu.memref_slice %arg17[%dma_start3A_698] : memref<10x!tpu.dma_semaphore, #tpu.memory_space<semaphore_mem>> -> memref<1x!tpu.dma_semaphore, #tpu.memory_space<semaphore_mem>>
      %dma_start3A_703 = tpu.memref_squeeze %dma_start3A_702 : memref<1x!tpu.dma_semaphore, #tpu.memory_space<semaphore_mem>> -> memref<!tpu.dma_semaphore, #tpu.memory_space<semaphore_mem>>
      %dma_start3A_704 = tpu.memref_slice %arg4[%add3A_697] : memref<2000000xf32, #tpu.memory_space<hbm>> -> memref<8192xf32, #tpu.memory_space<hbm>>
      %dma_start3A_705 = arith.constant 0 : i32
      %dma_start3A_706 = tpu.memref_slice %arg7[%dma_start3A_705] : memref<8192xf32, #tpu.memory_space<vmem>> -> memref<8192xf32, #tpu.memory_space<vmem>>
      tpu.enqueue_dma source(%dma_start3A_706 : memref<8192xf32, #tpu.memory_space<vmem>>) target(%dma_start3A_704 : memref<8192xf32, #tpu.memory_space<hbm>>) target_semaphore(%dma_start3A_703 : memref<!tpu.dma_semaphore, #tpu.memory_space<semaphore_mem>>)
      %dma_wait3A_707 = arith.constant 7 : i32
      %dma_wait3A_708 = arith.constant 0 : i32
      %dma_wait3A_709 = tpu.memref_slice %arg7[%dma_wait3A_708] : memref<8192xf32, #tpu.memory_space<vmem>> -> memref<8192xf32, #tpu.memory_space<vmem>>
      %dma_wait3A_710 = tpu.memref_slice %arg4[%add3A_697] : memref<2000000xf32, #tpu.memory_space<hbm>> -> memref<8192xf32, #tpu.memory_space<hbm>>
      %dma_wait3A_711 = tpu.memref_slice %arg17[%dma_wait3A_707] : memref<10x!tpu.dma_semaphore, #tpu.memory_space<semaphore_mem>> -> memref<1x!tpu.dma_semaphore, #tpu.memory_space<semaphore_mem>>
      %dma_wait3A_712 = tpu.memref_squeeze %dma_wait3A_711 : memref<1x!tpu.dma_semaphore, #tpu.memory_space<semaphore_mem>> -> memref<!tpu.dma_semaphore, #tpu.memory_space<semaphore_mem>>
      %dma_wait3A_713 = tpu.memref_slice %arg4[%add3A_697] : memref<2000000xf32, #tpu.memory_space<hbm>> -> memref<8192xf32, #tpu.memory_space<hbm>>
      %dma_wait3A_714 = arith.constant 0 : i32
      %dma_wait3A_715 = tpu.memref_slice %arg7[%dma_wait3A_714] : memref<8192xf32, #tpu.memory_space<vmem>> -> memref<8192xf32, #tpu.memory_space<vmem>>
      tpu.wait_dma2 semaphore(%dma_wait3A_712 : memref<!tpu.dma_semaphore, #tpu.memory_space<semaphore_mem>>) src(%dma_wait3A_715 : memref<8192xf32, #tpu.memory_space<vmem>>) dst(%dma_wait3A_713 : memref<8192xf32, #tpu.memory_space<hbm>>)
      %add3A_716 = arith.constant 32768 : i32
      %add3A_717 = arith.addi %mul3A_10, %add3A_716 : i32
      %dma_start3A_718 = arith.constant 0 : i32
      %dma_start3A_719 = arith.constant 0 : i32
      %dma_start3A_720 = tpu.memref_slice %arg7[%dma_start3A_719] : memref<8192xf32, #tpu.memory_space<vmem>> -> memref<8192xf32, #tpu.memory_space<vmem>>
      %dma_start3A_721 = tpu.memref_slice %arg5[%add3A_717] : memref<1000448xf32, #tpu.memory_space<vmem_shared>> -> memref<8192xf32, #tpu.memory_space<vmem_shared>>
      %dma_start3A_722 = tpu.memref_slice %arg17[%dma_start3A_718] : memref<10x!tpu.dma_semaphore, #tpu.memory_space<semaphore_mem>> -> memref<1x!tpu.dma_semaphore, #tpu.memory_space<semaphore_mem>>
      %dma_start3A_723 = tpu.memref_squeeze %dma_start3A_722 : memref<1x!tpu.dma_semaphore, #tpu.memory_space<semaphore_mem>> -> memref<!tpu.dma_semaphore, #tpu.memory_space<semaphore_mem>>
      %dma_start3A_724 = arith.constant 0 : i32
      %dma_start3A_725 = tpu.memref_slice %arg7[%dma_start3A_724] : memref<8192xf32, #tpu.memory_space<vmem>> -> memref<8192xf32, #tpu.memory_space<vmem>>
      %dma_start3A_726 = tpu.memref_slice %arg5[%add3A_717] : memref<1000448xf32, #tpu.memory_space<vmem_shared>> -> memref<8192xf32, #tpu.memory_space<vmem_shared>>
      tpu.enqueue_dma source(%dma_start3A_726 : memref<8192xf32, #tpu.memory_space<vmem_shared>>) target(%dma_start3A_725 : memref<8192xf32, #tpu.memory_space<vmem>>) target_semaphore(%dma_start3A_723 : memref<!tpu.dma_semaphore, #tpu.memory_space<semaphore_mem>>)
      %dma_wait3A_727 = arith.constant 1 : i32
      %dma_wait3A_728 = arith.constant 0 : i32
      %dma_wait3A_729 = tpu.memref_slice %arg9[%dma_wait3A_728] : memref<8192xf32, #tpu.memory_space<vmem>> -> memref<8192xf32, #tpu.memory_space<vmem>>
      %dma_wait3A_730 = tpu.memref_slice %arg5[%add3A_674] : memref<1000448xf32, #tpu.memory_space<vmem_shared>> -> memref<8192xf32, #tpu.memory_space<vmem_shared>>
      %dma_wait3A_731 = tpu.memref_slice %arg17[%dma_wait3A_727] : memref<10x!tpu.dma_semaphore, #tpu.memory_space<semaphore_mem>> -> memref<1x!tpu.dma_semaphore, #tpu.memory_space<semaphore_mem>>
      %dma_wait3A_732 = tpu.memref_squeeze %dma_wait3A_731 : memref<1x!tpu.dma_semaphore, #tpu.memory_space<semaphore_mem>> -> memref<!tpu.dma_semaphore, #tpu.memory_space<semaphore_mem>>
      %dma_wait3A_733 = arith.constant 0 : i32
      %dma_wait3A_734 = tpu.memref_slice %arg9[%dma_wait3A_733] : memref<8192xf32, #tpu.memory_space<vmem>> -> memref<8192xf32, #tpu.memory_space<vmem>>
      %dma_wait3A_735 = tpu.memref_slice %arg5[%add3A_674] : memref<1000448xf32, #tpu.memory_space<vmem_shared>> -> memref<8192xf32, #tpu.memory_space<vmem_shared>>
      tpu.wait_dma2 semaphore(%dma_wait3A_732 : memref<!tpu.dma_semaphore, #tpu.memory_space<semaphore_mem>>) src(%dma_wait3A_735 : memref<8192xf32, #tpu.memory_space<vmem_shared>>) dst(%dma_wait3A_734 : memref<8192xf32, #tpu.memory_space<vmem>>)
      %mul3A_736 = arith.constant 1000000 : i32
      %mul3A_737 = arith.muli %arg0, %mul3A_736 : i32
      %add3A_738 = arith.addi %mul3A_737, %mul3A_10 : i32
      %add3A_739 = arith.constant 24576 : i32
      %add3A_740 = arith.addi %add3A_738, %add3A_739 : i32
      %dma_start3A_741 = arith.constant 8 : i32
      %dma_start3A_742 = arith.constant 0 : i32
      %dma_start3A_743 = tpu.memref_slice %arg9[%dma_start3A_742] : memref<8192xf32, #tpu.memory_space<vmem>> -> memref<8192xf32, #tpu.memory_space<vmem>>
      %dma_start3A_744 = tpu.memref_slice %arg4[%add3A_740] : memref<2000000xf32, #tpu.memory_space<hbm>> -> memref<8192xf32, #tpu.memory_space<hbm>>
      %dma_start3A_745 = tpu.memref_slice %arg17[%dma_start3A_741] : memref<10x!tpu.dma_semaphore, #tpu.memory_space<semaphore_mem>> -> memref<1x!tpu.dma_semaphore, #tpu.memory_space<semaphore_mem>>
      %dma_start3A_746 = tpu.memref_squeeze %dma_start3A_745 : memref<1x!tpu.dma_semaphore, #tpu.memory_space<semaphore_mem>> -> memref<!tpu.dma_semaphore, #tpu.memory_space<semaphore_mem>>
      %dma_start3A_747 = tpu.memref_slice %arg4[%add3A_740] : memref<2000000xf32, #tpu.memory_space<hbm>> -> memref<8192xf32, #tpu.memory_space<hbm>>
      %dma_start3A_748 = arith.constant 0 : i32
      %dma_start3A_749 = tpu.memref_slice %arg9[%dma_start3A_748] : memref<8192xf32, #tpu.memory_space<vmem>> -> memref<8192xf32, #tpu.memory_space<vmem>>
      tpu.enqueue_dma source(%dma_start3A_749 : memref<8192xf32, #tpu.memory_space<vmem>>) target(%dma_start3A_747 : memref<8192xf32, #tpu.memory_space<hbm>>) target_semaphore(%dma_start3A_746 : memref<!tpu.dma_semaphore, #tpu.memory_space<semaphore_mem>>)
      %dma_wait3A_750 = arith.constant 8 : i32
      %dma_wait3A_751 = arith.constant 0 : i32
      %dma_wait3A_752 = tpu.memref_slice %arg9[%dma_wait3A_751] : memref<8192xf32, #tpu.memory_space<vmem>> -> memref<8192xf32, #tpu.memory_space<vmem>>
      %dma_wait3A_753 = tpu.memref_slice %arg4[%add3A_740] : memref<2000000xf32, #tpu.memory_space<hbm>> -> memref<8192xf32, #tpu.memory_space<hbm>>
      %dma_wait3A_754 = tpu.memref_slice %arg17[%dma_wait3A_750] : memref<10x!tpu.dma_semaphore, #tpu.memory_space<semaphore_mem>> -> memref<1x!tpu.dma_semaphore, #tpu.memory_space<semaphore_mem>>
      %dma_wait3A_755 = tpu.memref_squeeze %dma_wait3A_754 : memref<1x!tpu.dma_semaphore, #tpu.memory_space<semaphore_mem>> -> memref<!tpu.dma_semaphore, #tpu.memory_space<semaphore_mem>>
      %dma_wait3A_756 = tpu.memref_slice %arg4[%add3A_740] : memref<2000000xf32, #tpu.memory_space<hbm>> -> memref<8192xf32, #tpu.memory_space<hbm>>
      %dma_wait3A_757 = arith.constant 0 : i32
      %dma_wait3A_758 = tpu.memref_slice %arg9[%dma_wait3A_757] : memref<8192xf32, #tpu.memory_space<vmem>> -> memref<8192xf32, #tpu.memory_space<vmem>>
      tpu.wait_dma2 semaphore(%dma_wait3A_755 : memref<!tpu.dma_semaphore, #tpu.memory_space<semaphore_mem>>) src(%dma_wait3A_758 : memref<8192xf32, #tpu.memory_space<vmem>>) dst(%dma_wait3A_756 : memref<8192xf32, #tpu.memory_space<hbm>>)
      %add3A_759 = arith.constant 40960 : i32
      %add3A_760 = arith.addi %mul3A_10, %add3A_759 : i32
      %dma_start3A_761 = arith.constant 1 : i32
      %dma_start3A_762 = arith.constant 0 : i32
      %dma_start3A_763 = tpu.memref_slice %arg9[%dma_start3A_762] : memref<8192xf32, #tpu.memory_space<vmem>> -> memref<8192xf32, #tpu.memory_space<vmem>>
      %dma_start3A_764 = tpu.memref_slice %arg5[%add3A_760] : memref<1000448xf32, #tpu.memory_space<vmem_shared>> -> memref<8192xf32, #tpu.memory_space<vmem_shared>>
      %dma_start3A_765 = tpu.memref_slice %arg17[%dma_start3A_761] : memref<10x!tpu.dma_semaphore, #tpu.memory_space<semaphore_mem>> -> memref<1x!tpu.dma_semaphore, #tpu.memory_space<semaphore_mem>>
      %dma_start3A_766 = tpu.memref_squeeze %dma_start3A_765 : memref<1x!tpu.dma_semaphore, #tpu.memory_space<semaphore_mem>> -> memref<!tpu.dma_semaphore, #tpu.memory_space<semaphore_mem>>
      %dma_start3A_767 = arith.constant 0 : i32
      %dma_start3A_768 = tpu.memref_slice %arg9[%dma_start3A_767] : memref<8192xf32, #tpu.memory_space<vmem>> -> memref<8192xf32, #tpu.memory_space<vmem>>
      %dma_start3A_769 = tpu.memref_slice %arg5[%add3A_760] : memref<1000448xf32, #tpu.memory_space<vmem_shared>> -> memref<8192xf32, #tpu.memory_space<vmem_shared>>
      tpu.enqueue_dma source(%dma_start3A_769 : memref<8192xf32, #tpu.memory_space<vmem_shared>>) target(%dma_start3A_768 : memref<8192xf32, #tpu.memory_space<vmem>>) target_semaphore(%dma_start3A_766 : memref<!tpu.dma_semaphore, #tpu.memory_space<semaphore_mem>>)
      %dma_wait3A_770 = arith.constant 0 : i32
      %dma_wait3A_771 = arith.constant 0 : i32
      %dma_wait3A_772 = tpu.memref_slice %arg7[%dma_wait3A_771] : memref<8192xf32, #tpu.memory_space<vmem>> -> memref<8192xf32, #tpu.memory_space<vmem>>
      %dma_wait3A_773 = tpu.memref_slice %arg5[%add3A_717] : memref<1000448xf32, #tpu.memory_space<vmem_shared>> -> memref<8192xf32, #tpu.memory_space<vmem_shared>>
      %dma_wait3A_774 = tpu.memref_slice %arg17[%dma_wait3A_770] : memref<10x!tpu.dma_semaphore, #tpu.memory_space<semaphore_mem>> -> memref<1x!tpu.dma_semaphore, #tpu.memory_space<semaphore_mem>>
      %dma_wait3A_775 = tpu.memref_squeeze %dma_wait3A_774 : memref<1x!tpu.dma_semaphore, #tpu.memory_space<semaphore_mem>> -> memref<!tpu.dma_semaphore, #tpu.memory_space<semaphore_mem>>
      %dma_wait3A_776 = arith.constant 0 : i32
      %dma_wait3A_777 = tpu.memref_slice %arg7[%dma_wait3A_776] : memref<8192xf32, #tpu.memory_space<vmem>> -> memref<8192xf32, #tpu.memory_space<vmem>>
      %dma_wait3A_778 = tpu.memref_slice %arg5[%add3A_717] : memref<1000448xf32, #tpu.memory_space<vmem_shared>> -> memref<8192xf32, #tpu.memory_space<vmem_shared>>
      tpu.wait_dma2 semaphore(%dma_wait3A_775 : memref<!tpu.dma_semaphore, #tpu.memory_space<semaphore_mem>>) src(%dma_wait3A_778 : memref<8192xf32, #tpu.memory_space<vmem_shared>>) dst(%dma_wait3A_777 : memref<8192xf32, #tpu.memory_space<vmem>>)
      %mul3A_779 = arith.constant 1000000 : i32
      %mul3A_780 = arith.muli %arg0, %mul3A_779 : i32
      %add3A_781 = arith.addi %mul3A_780, %mul3A_10 : i32
      %add3A_782 = arith.constant 32768 : i32
      %add3A_783 = arith.addi %add3A_781, %add3A_782 : i32
      %dma_start3A_784 = arith.constant 7 : i32
      %dma_start3A_785 = arith.constant 0 : i32
      %dma_start3A_786 = tpu.memref_slice %arg7[%dma_start3A_785] : memref<8192xf32, #tpu.memory_space<vmem>> -> memref<8192xf32, #tpu.memory_space<vmem>>
      %dma_start3A_787 = tpu.memref_slice %arg4[%add3A_783] : memref<2000000xf32, #tpu.memory_space<hbm>> -> memref<8192xf32, #tpu.memory_space<hbm>>
      %dma_start3A_788 = tpu.memref_slice %arg17[%dma_start3A_784] : memref<10x!tpu.dma_semaphore, #tpu.memory_space<semaphore_mem>> -> memref<1x!tpu.dma_semaphore, #tpu.memory_space<semaphore_mem>>
      %dma_start3A_789 = tpu.memref_squeeze %dma_start3A_788 : memref<1x!tpu.dma_semaphore, #tpu.memory_space<semaphore_mem>> -> memref<!tpu.dma_semaphore, #tpu.memory_space<semaphore_mem>>
      %dma_start3A_790 = tpu.memref_slice %arg4[%add3A_783] : memref<2000000xf32, #tpu.memory_space<hbm>> -> memref<8192xf32, #tpu.memory_space<hbm>>
      %dma_start3A_791 = arith.constant 0 : i32
      %dma_start3A_792 = tpu.memref_slice %arg7[%dma_start3A_791] : memref<8192xf32, #tpu.memory_space<vmem>> -> memref<8192xf32, #tpu.memory_space<vmem>>
      tpu.enqueue_dma source(%dma_start3A_792 : memref<8192xf32, #tpu.memory_space<vmem>>) target(%dma_start3A_790 : memref<8192xf32, #tpu.memory_space<hbm>>) target_semaphore(%dma_start3A_789 : memref<!tpu.dma_semaphore, #tpu.memory_space<semaphore_mem>>)
      %dma_wait3A_793 = arith.constant 7 : i32
      %dma_wait3A_794 = arith.constant 0 : i32
      %dma_wait3A_795 = tpu.memref_slice %arg7[%dma_wait3A_794] : memref<8192xf32, #tpu.memory_space<vmem>> -> memref<8192xf32, #tpu.memory_space<vmem>>
      %dma_wait3A_796 = tpu.memref_slice %arg4[%add3A_783] : memref<2000000xf32, #tpu.memory_space<hbm>> -> memref<8192xf32, #tpu.memory_space<hbm>>
      %dma_wait3A_797 = tpu.memref_slice %arg17[%dma_wait3A_793] : memref<10x!tpu.dma_semaphore, #tpu.memory_space<semaphore_mem>> -> memref<1x!tpu.dma_semaphore, #tpu.memory_space<semaphore_mem>>
      %dma_wait3A_798 = tpu.memref_squeeze %dma_wait3A_797 : memref<1x!tpu.dma_semaphore, #tpu.memory_space<semaphore_mem>> -> memref<!tpu.dma_semaphore, #tpu.memory_space<semaphore_mem>>
      %dma_wait3A_799 = tpu.memref_slice %arg4[%add3A_783] : memref<2000000xf32, #tpu.memory_space<hbm>> -> memref<8192xf32, #tpu.memory_space<hbm>>
      %dma_wait3A_800 = arith.constant 0 : i32
      %dma_wait3A_801 = tpu.memref_slice %arg7[%dma_wait3A_800] : memref<8192xf32, #tpu.memory_space<vmem>> -> memref<8192xf32, #tpu.memory_space<vmem>>
      tpu.wait_dma2 semaphore(%dma_wait3A_798 : memref<!tpu.dma_semaphore, #tpu.memory_space<semaphore_mem>>) src(%dma_wait3A_801 : memref<8192xf32, #tpu.memory_space<vmem>>) dst(%dma_wait3A_799 : memref<8192xf32, #tpu.memory_space<hbm>>)
      %add3A_802 = arith.constant 49152 : i32
      %add3A_803 = arith.addi %mul3A_10, %add3A_802 : i32
      %dma_start3A_804 = arith.constant 0 : i32
      %dma_start3A_805 = arith.constant 0 : i32
      %dma_start3A_806 = tpu.memref_slice %arg7[%dma_start3A_805] : memref<8192xf32, #tpu.memory_space<vmem>> -> memref<8192xf32, #tpu.memory_space<vmem>>
      %dma_start3A_807 = tpu.memref_slice %arg5[%add3A_803] : memref<1000448xf32, #tpu.memory_space<vmem_shared>> -> memref<8192xf32, #tpu.memory_space<vmem_shared>>
      %dma_start3A_808 = tpu.memref_slice %arg17[%dma_start3A_804] : memref<10x!tpu.dma_semaphore, #tpu.memory_space<semaphore_mem>> -> memref<1x!tpu.dma_semaphore, #tpu.memory_space<semaphore_mem>>
      %dma_start3A_809 = tpu.memref_squeeze %dma_start3A_808 : memref<1x!tpu.dma_semaphore, #tpu.memory_space<semaphore_mem>> -> memref<!tpu.dma_semaphore, #tpu.memory_space<semaphore_mem>>
      %dma_start3A_810 = arith.constant 0 : i32
      %dma_start3A_811 = tpu.memref_slice %arg7[%dma_start3A_810] : memref<8192xf32, #tpu.memory_space<vmem>> -> memref<8192xf32, #tpu.memory_space<vmem>>
      %dma_start3A_812 = tpu.memref_slice %arg5[%add3A_803] : memref<1000448xf32, #tpu.memory_space<vmem_shared>> -> memref<8192xf32, #tpu.memory_space<vmem_shared>>
      tpu.enqueue_dma source(%dma_start3A_812 : memref<8192xf32, #tpu.memory_space<vmem_shared>>) target(%dma_start3A_811 : memref<8192xf32, #tpu.memory_space<vmem>>) target_semaphore(%dma_start3A_809 : memref<!tpu.dma_semaphore, #tpu.memory_space<semaphore_mem>>)
      %dma_wait3A_813 = arith.constant 1 : i32
      %dma_wait3A_814 = arith.constant 0 : i32
      %dma_wait3A_815 = tpu.memref_slice %arg9[%dma_wait3A_814] : memref<8192xf32, #tpu.memory_space<vmem>> -> memref<8192xf32, #tpu.memory_space<vmem>>
      %dma_wait3A_816 = tpu.memref_slice %arg5[%add3A_760] : memref<1000448xf32, #tpu.memory_space<vmem_shared>> -> memref<8192xf32, #tpu.memory_space<vmem_shared>>
      %dma_wait3A_817 = tpu.memref_slice %arg17[%dma_wait3A_813] : memref<10x!tpu.dma_semaphore, #tpu.memory_space<semaphore_mem>> -> memref<1x!tpu.dma_semaphore, #tpu.memory_space<semaphore_mem>>
      %dma_wait3A_818 = tpu.memref_squeeze %dma_wait3A_817 : memref<1x!tpu.dma_semaphore, #tpu.memory_space<semaphore_mem>> -> memref<!tpu.dma_semaphore, #tpu.memory_space<semaphore_mem>>
      %dma_wait3A_819 = arith.constant 0 : i32
      %dma_wait3A_820 = tpu.memref_slice %arg9[%dma_wait3A_819] : memref<8192xf32, #tpu.memory_space<vmem>> -> memref<8192xf32, #tpu.memory_space<vmem>>
      %dma_wait3A_821 = tpu.memref_slice %arg5[%add3A_760] : memref<1000448xf32, #tpu.memory_space<vmem_shared>> -> memref<8192xf32, #tpu.memory_space<vmem_shared>>
      tpu.wait_dma2 semaphore(%dma_wait3A_818 : memref<!tpu.dma_semaphore, #tpu.memory_space<semaphore_mem>>) src(%dma_wait3A_821 : memref<8192xf32, #tpu.memory_space<vmem_shared>>) dst(%dma_wait3A_820 : memref<8192xf32, #tpu.memory_space<vmem>>)
      %mul3A_822 = arith.constant 1000000 : i32
      %mul3A_823 = arith.muli %arg0, %mul3A_822 : i32
      %add3A_824 = arith.addi %mul3A_823, %mul3A_10 : i32
      %add3A_825 = arith.constant 40960 : i32
      %add3A_826 = arith.addi %add3A_824, %add3A_825 : i32
      %dma_start3A_827 = arith.constant 8 : i32
      %dma_start3A_828 = arith.constant 0 : i32
      %dma_start3A_829 = tpu.memref_slice %arg9[%dma_start3A_828] : memref<8192xf32, #tpu.memory_space<vmem>> -> memref<8192xf32, #tpu.memory_space<vmem>>
      %dma_start3A_830 = tpu.memref_slice %arg4[%add3A_826] : memref<2000000xf32, #tpu.memory_space<hbm>> -> memref<8192xf32, #tpu.memory_space<hbm>>
      %dma_start3A_831 = tpu.memref_slice %arg17[%dma_start3A_827] : memref<10x!tpu.dma_semaphore, #tpu.memory_space<semaphore_mem>> -> memref<1x!tpu.dma_semaphore, #tpu.memory_space<semaphore_mem>>
      %dma_start3A_832 = tpu.memref_squeeze %dma_start3A_831 : memref<1x!tpu.dma_semaphore, #tpu.memory_space<semaphore_mem>> -> memref<!tpu.dma_semaphore, #tpu.memory_space<semaphore_mem>>
      %dma_start3A_833 = tpu.memref_slice %arg4[%add3A_826] : memref<2000000xf32, #tpu.memory_space<hbm>> -> memref<8192xf32, #tpu.memory_space<hbm>>
      %dma_start3A_834 = arith.constant 0 : i32
      %dma_start3A_835 = tpu.memref_slice %arg9[%dma_start3A_834] : memref<8192xf32, #tpu.memory_space<vmem>> -> memref<8192xf32, #tpu.memory_space<vmem>>
      tpu.enqueue_dma source(%dma_start3A_835 : memref<8192xf32, #tpu.memory_space<vmem>>) target(%dma_start3A_833 : memref<8192xf32, #tpu.memory_space<hbm>>) target_semaphore(%dma_start3A_832 : memref<!tpu.dma_semaphore, #tpu.memory_space<semaphore_mem>>)
      %dma_wait3A_836 = arith.constant 8 : i32
      %dma_wait3A_837 = arith.constant 0 : i32
      %dma_wait3A_838 = tpu.memref_slice %arg9[%dma_wait3A_837] : memref<8192xf32, #tpu.memory_space<vmem>> -> memref<8192xf32, #tpu.memory_space<vmem>>
      %dma_wait3A_839 = tpu.memref_slice %arg4[%add3A_826] : memref<2000000xf32, #tpu.memory_space<hbm>> -> memref<8192xf32, #tpu.memory_space<hbm>>
      %dma_wait3A_840 = tpu.memref_slice %arg17[%dma_wait3A_836] : memref<10x!tpu.dma_semaphore, #tpu.memory_space<semaphore_mem>> -> memref<1x!tpu.dma_semaphore, #tpu.memory_space<semaphore_mem>>
      %dma_wait3A_841 = tpu.memref_squeeze %dma_wait3A_840 : memref<1x!tpu.dma_semaphore, #tpu.memory_space<semaphore_mem>> -> memref<!tpu.dma_semaphore, #tpu.memory_space<semaphore_mem>>
      %dma_wait3A_842 = tpu.memref_slice %arg4[%add3A_826] : memref<2000000xf32, #tpu.memory_space<hbm>> -> memref<8192xf32, #tpu.memory_space<hbm>>
      %dma_wait3A_843 = arith.constant 0 : i32
      %dma_wait3A_844 = tpu.memref_slice %arg9[%dma_wait3A_843] : memref<8192xf32, #tpu.memory_space<vmem>> -> memref<8192xf32, #tpu.memory_space<vmem>>
      tpu.wait_dma2 semaphore(%dma_wait3A_841 : memref<!tpu.dma_semaphore, #tpu.memory_space<semaphore_mem>>) src(%dma_wait3A_844 : memref<8192xf32, #tpu.memory_space<vmem>>) dst(%dma_wait3A_842 : memref<8192xf32, #tpu.memory_space<hbm>>)
      %add3A_845 = arith.constant 57344 : i32
      %add3A_846 = arith.addi %mul3A_10, %add3A_845 : i32
      %dma_start3A_847 = arith.constant 1 : i32
      %dma_start3A_848 = arith.constant 0 : i32
      %dma_start3A_849 = tpu.memref_slice %arg9[%dma_start3A_848] : memref<8192xf32, #tpu.memory_space<vmem>> -> memref<5184xf32, #tpu.memory_space<vmem>>
      %dma_start3A_850 = tpu.memref_slice %arg5[%add3A_846] : memref<1000448xf32, #tpu.memory_space<vmem_shared>> -> memref<5184xf32, #tpu.memory_space<vmem_shared>>
      %dma_start3A_851 = tpu.memref_slice %arg17[%dma_start3A_847] : memref<10x!tpu.dma_semaphore, #tpu.memory_space<semaphore_mem>> -> memref<1x!tpu.dma_semaphore, #tpu.memory_space<semaphore_mem>>
      %dma_start3A_852 = tpu.memref_squeeze %dma_start3A_851 : memref<1x!tpu.dma_semaphore, #tpu.memory_space<semaphore_mem>> -> memref<!tpu.dma_semaphore, #tpu.memory_space<semaphore_mem>>
      %dma_start3A_853 = arith.constant 0 : i32
      %dma_start3A_854 = tpu.memref_slice %arg9[%dma_start3A_853] : memref<8192xf32, #tpu.memory_space<vmem>> -> memref<5184xf32, #tpu.memory_space<vmem>>
      %dma_start3A_855 = tpu.memref_slice %arg5[%add3A_846] : memref<1000448xf32, #tpu.memory_space<vmem_shared>> -> memref<5184xf32, #tpu.memory_space<vmem_shared>>
      tpu.enqueue_dma source(%dma_start3A_855 : memref<5184xf32, #tpu.memory_space<vmem_shared>>) target(%dma_start3A_854 : memref<5184xf32, #tpu.memory_space<vmem>>) target_semaphore(%dma_start3A_852 : memref<!tpu.dma_semaphore, #tpu.memory_space<semaphore_mem>>)
      %dma_wait3A_856 = arith.constant 0 : i32
      %dma_wait3A_857 = arith.constant 0 : i32
      %dma_wait3A_858 = tpu.memref_slice %arg7[%dma_wait3A_857] : memref<8192xf32, #tpu.memory_space<vmem>> -> memref<8192xf32, #tpu.memory_space<vmem>>
      %dma_wait3A_859 = tpu.memref_slice %arg5[%add3A_803] : memref<1000448xf32, #tpu.memory_space<vmem_shared>> -> memref<8192xf32, #tpu.memory_space<vmem_shared>>
      %dma_wait3A_860 = tpu.memref_slice %arg17[%dma_wait3A_856] : memref<10x!tpu.dma_semaphore, #tpu.memory_space<semaphore_mem>> -> memref<1x!tpu.dma_semaphore, #tpu.memory_space<semaphore_mem>>
      %dma_wait3A_861 = tpu.memref_squeeze %dma_wait3A_860 : memref<1x!tpu.dma_semaphore, #tpu.memory_space<semaphore_mem>> -> memref<!tpu.dma_semaphore, #tpu.memory_space<semaphore_mem>>
      %dma_wait3A_862 = arith.constant 0 : i32
      %dma_wait3A_863 = tpu.memref_slice %arg7[%dma_wait3A_862] : memref<8192xf32, #tpu.memory_space<vmem>> -> memref<8192xf32, #tpu.memory_space<vmem>>
      %dma_wait3A_864 = tpu.memref_slice %arg5[%add3A_803] : memref<1000448xf32, #tpu.memory_space<vmem_shared>> -> memref<8192xf32, #tpu.memory_space<vmem_shared>>
      tpu.wait_dma2 semaphore(%dma_wait3A_861 : memref<!tpu.dma_semaphore, #tpu.memory_space<semaphore_mem>>) src(%dma_wait3A_864 : memref<8192xf32, #tpu.memory_space<vmem_shared>>) dst(%dma_wait3A_863 : memref<8192xf32, #tpu.memory_space<vmem>>)
      %mul3A_865 = arith.constant 1000000 : i32
      %mul3A_866 = arith.muli %arg0, %mul3A_865 : i32
      %add3A_867 = arith.addi %mul3A_866, %mul3A_10 : i32
      %add3A_868 = arith.constant 49152 : i32
      %add3A_869 = arith.addi %add3A_867, %add3A_868 : i32
      %dma_start3A_870 = arith.constant 7 : i32
      %dma_start3A_871 = arith.constant 0 : i32
      %dma_start3A_872 = tpu.memref_slice %arg7[%dma_start3A_871] : memref<8192xf32, #tpu.memory_space<vmem>> -> memref<8192xf32, #tpu.memory_space<vmem>>
      %dma_start3A_873 = tpu.memref_slice %arg4[%add3A_869] : memref<2000000xf32, #tpu.memory_space<hbm>> -> memref<8192xf32, #tpu.memory_space<hbm>>
      %dma_start3A_874 = tpu.memref_slice %arg17[%dma_start3A_870] : memref<10x!tpu.dma_semaphore, #tpu.memory_space<semaphore_mem>> -> memref<1x!tpu.dma_semaphore, #tpu.memory_space<semaphore_mem>>
      %dma_start3A_875 = tpu.memref_squeeze %dma_start3A_874 : memref<1x!tpu.dma_semaphore, #tpu.memory_space<semaphore_mem>> -> memref<!tpu.dma_semaphore, #tpu.memory_space<semaphore_mem>>
      %dma_start3A_876 = tpu.memref_slice %arg4[%add3A_869] : memref<2000000xf32, #tpu.memory_space<hbm>> -> memref<8192xf32, #tpu.memory_space<hbm>>
      %dma_start3A_877 = arith.constant 0 : i32
      %dma_start3A_878 = tpu.memref_slice %arg7[%dma_start3A_877] : memref<8192xf32, #tpu.memory_space<vmem>> -> memref<8192xf32, #tpu.memory_space<vmem>>
      tpu.enqueue_dma source(%dma_start3A_878 : memref<8192xf32, #tpu.memory_space<vmem>>) target(%dma_start3A_876 : memref<8192xf32, #tpu.memory_space<hbm>>) target_semaphore(%dma_start3A_875 : memref<!tpu.dma_semaphore, #tpu.memory_space<semaphore_mem>>)
      %dma_wait3A_879 = arith.constant 1 : i32
      %dma_wait3A_880 = arith.constant 0 : i32
      %dma_wait3A_881 = tpu.memref_slice %arg9[%dma_wait3A_880] : memref<8192xf32, #tpu.memory_space<vmem>> -> memref<5184xf32, #tpu.memory_space<vmem>>
      %dma_wait3A_882 = tpu.memref_slice %arg5[%add3A_846] : memref<1000448xf32, #tpu.memory_space<vmem_shared>> -> memref<5184xf32, #tpu.memory_space<vmem_shared>>
      %dma_wait3A_883 = tpu.memref_slice %arg17[%dma_wait3A_879] : memref<10x!tpu.dma_semaphore, #tpu.memory_space<semaphore_mem>> -> memref<1x!tpu.dma_semaphore, #tpu.memory_space<semaphore_mem>>
      %dma_wait3A_884 = tpu.memref_squeeze %dma_wait3A_883 : memref<1x!tpu.dma_semaphore, #tpu.memory_space<semaphore_mem>> -> memref<!tpu.dma_semaphore, #tpu.memory_space<semaphore_mem>>
      %dma_wait3A_885 = arith.constant 0 : i32
      %dma_wait3A_886 = tpu.memref_slice %arg9[%dma_wait3A_885] : memref<8192xf32, #tpu.memory_space<vmem>> -> memref<5184xf32, #tpu.memory_space<vmem>>
      %dma_wait3A_887 = tpu.memref_slice %arg5[%add3A_846] : memref<1000448xf32, #tpu.memory_space<vmem_shared>> -> memref<5184xf32, #tpu.memory_space<vmem_shared>>
      tpu.wait_dma2 semaphore(%dma_wait3A_884 : memref<!tpu.dma_semaphore, #tpu.memory_space<semaphore_mem>>) src(%dma_wait3A_887 : memref<5184xf32, #tpu.memory_space<vmem_shared>>) dst(%dma_wait3A_886 : memref<5184xf32, #tpu.memory_space<vmem>>)
      %mul3A_888 = arith.constant 1000000 : i32
      %mul3A_889 = arith.muli %arg0, %mul3A_888 : i32
      %add3A_890 = arith.addi %mul3A_889, %mul3A_10 : i32
      %add3A_891 = arith.constant 57344 : i32
      %add3A_892 = arith.addi %add3A_890, %add3A_891 : i32
      %dma_start3A_893 = arith.constant 8 : i32
      %dma_start3A_894 = arith.constant 0 : i32
      %dma_start3A_895 = tpu.memref_slice %arg9[%dma_start3A_894] : memref<8192xf32, #tpu.memory_space<vmem>> -> memref<5184xf32, #tpu.memory_space<vmem>>
      %dma_start3A_896 = tpu.memref_slice %arg4[%add3A_892] : memref<2000000xf32, #tpu.memory_space<hbm>> -> memref<5184xf32, #tpu.memory_space<hbm>>
      %dma_start3A_897 = tpu.memref_slice %arg17[%dma_start3A_893] : memref<10x!tpu.dma_semaphore, #tpu.memory_space<semaphore_mem>> -> memref<1x!tpu.dma_semaphore, #tpu.memory_space<semaphore_mem>>
      %dma_start3A_898 = tpu.memref_squeeze %dma_start3A_897 : memref<1x!tpu.dma_semaphore, #tpu.memory_space<semaphore_mem>> -> memref<!tpu.dma_semaphore, #tpu.memory_space<semaphore_mem>>
      %dma_start3A_899 = tpu.memref_slice %arg4[%add3A_892] : memref<2000000xf32, #tpu.memory_space<hbm>> -> memref<5184xf32, #tpu.memory_space<hbm>>
      %dma_start3A_900 = arith.constant 0 : i32
      %dma_start3A_901 = tpu.memref_slice %arg9[%dma_start3A_900] : memref<8192xf32, #tpu.memory_space<vmem>> -> memref<5184xf32, #tpu.memory_space<vmem>>
      tpu.enqueue_dma source(%dma_start3A_901 : memref<5184xf32, #tpu.memory_space<vmem>>) target(%dma_start3A_899 : memref<5184xf32, #tpu.memory_space<hbm>>) target_semaphore(%dma_start3A_898 : memref<!tpu.dma_semaphore, #tpu.memory_space<semaphore_mem>>)
      %dma_wait3A_902 = arith.constant 7 : i32
      %dma_wait3A_903 = arith.constant 0 : i32
      %dma_wait3A_904 = tpu.memref_slice %arg7[%dma_wait3A_903] : memref<8192xf32, #tpu.memory_space<vmem>> -> memref<8192xf32, #tpu.memory_space<vmem>>
      %dma_wait3A_905 = tpu.memref_slice %arg4[%add3A_869] : memref<2000000xf32, #tpu.memory_space<hbm>> -> memref<8192xf32, #tpu.memory_space<hbm>>
      %dma_wait3A_906 = tpu.memref_slice %arg17[%dma_wait3A_902] : memref<10x!tpu.dma_semaphore, #tpu.memory_space<semaphore_mem>> -> memref<1x!tpu.dma_semaphore, #tpu.memory_space<semaphore_mem>>
      %dma_wait3A_907 = tpu.memref_squeeze %dma_wait3A_906 : memref<1x!tpu.dma_semaphore, #tpu.memory_space<semaphore_mem>> -> memref<!tpu.dma_semaphore, #tpu.memory_space<semaphore_mem>>
      %dma_wait3A_908 = tpu.memref_slice %arg4[%add3A_869] : memref<2000000xf32, #tpu.memory_space<hbm>> -> memref<8192xf32, #tpu.memory_space<hbm>>
      %dma_wait3A_909 = arith.constant 0 : i32
      %dma_wait3A_910 = tpu.memref_slice %arg7[%dma_wait3A_909] : memref<8192xf32, #tpu.memory_space<vmem>> -> memref<8192xf32, #tpu.memory_space<vmem>>
      tpu.wait_dma2 semaphore(%dma_wait3A_907 : memref<!tpu.dma_semaphore, #tpu.memory_space<semaphore_mem>>) src(%dma_wait3A_910 : memref<8192xf32, #tpu.memory_space<vmem>>) dst(%dma_wait3A_908 : memref<8192xf32, #tpu.memory_space<hbm>>)
      %dma_wait3A_911 = arith.constant 8 : i32
      %dma_wait3A_912 = arith.constant 0 : i32
      %dma_wait3A_913 = tpu.memref_slice %arg9[%dma_wait3A_912] : memref<8192xf32, #tpu.memory_space<vmem>> -> memref<5184xf32, #tpu.memory_space<vmem>>
      %dma_wait3A_914 = tpu.memref_slice %arg4[%add3A_892] : memref<2000000xf32, #tpu.memory_space<hbm>> -> memref<5184xf32, #tpu.memory_space<hbm>>
      %dma_wait3A_915 = tpu.memref_slice %arg17[%dma_wait3A_911] : memref<10x!tpu.dma_semaphore, #tpu.memory_space<semaphore_mem>> -> memref<1x!tpu.dma_semaphore, #tpu.memory_space<semaphore_mem>>
      %dma_wait3A_916 = tpu.memref_squeeze %dma_wait3A_915 : memref<1x!tpu.dma_semaphore, #tpu.memory_space<semaphore_mem>> -> memref<!tpu.dma_semaphore, #tpu.memory_space<semaphore_mem>>
      %dma_wait3A_917 = tpu.memref_slice %arg4[%add3A_892] : memref<2000000xf32, #tpu.memory_space<hbm>> -> memref<5184xf32, #tpu.memory_space<hbm>>
      %dma_wait3A_918 = arith.constant 0 : i32
      %dma_wait3A_919 = tpu.memref_slice %arg9[%dma_wait3A_918] : memref<8192xf32, #tpu.memory_space<vmem>> -> memref<5184xf32, #tpu.memory_space<vmem>>
      tpu.wait_dma2 semaphore(%dma_wait3A_916 : memref<!tpu.dma_semaphore, #tpu.memory_space<semaphore_mem>>) src(%dma_wait3A_919 : memref<5184xf32, #tpu.memory_space<vmem>>) dst(%dma_wait3A_917 : memref<5184xf32, #tpu.memory_space<hbm>>)
    } else {
    }
    %eq3A = arith.constant 15 : i32
    %eq3A_572 = arith.cmpi eq, %arg1, %eq3A : i32
    %convert_element_type3A_573 = arith.extui %eq3A_572 : i1 to i32
    %cond3A_574 = arith.constant 0 : i32
    %cond3A_575 = arith.cmpi ne, %convert_element_type3A_573, %cond3A_574 : i32
    scf.if %cond3A_575 {
      %add3A_576 = arith.constant 0 : i32
      %add3A_577 = arith.addi %mul3A_10, %add3A_576 : i32
      %dma_start3A_578 = arith.constant 0 : i32
      %dma_start3A_579 = arith.constant 0 : i32
      %dma_start3A_580 = tpu.memref_slice %arg7[%dma_start3A_579] : memref<8192xf32, #tpu.memory_space<vmem>> -> memref<8192xf32, #tpu.memory_space<vmem>>
      %dma_start3A_581 = tpu.memref_slice %arg5[%add3A_577] : memref<1000448xf32, #tpu.memory_space<vmem_shared>> -> memref<8192xf32, #tpu.memory_space<vmem_shared>>
      %dma_start3A_582 = tpu.memref_slice %arg17[%dma_start3A_578] : memref<10x!tpu.dma_semaphore, #tpu.memory_space<semaphore_mem>> -> memref<1x!tpu.dma_semaphore, #tpu.memory_space<semaphore_mem>>
      %dma_start3A_583 = tpu.memref_squeeze %dma_start3A_582 : memref<1x!tpu.dma_semaphore, #tpu.memory_space<semaphore_mem>> -> memref<!tpu.dma_semaphore, #tpu.memory_space<semaphore_mem>>
      %dma_start3A_584 = arith.constant 0 : i32
      %dma_start3A_585 = tpu.memref_slice %arg7[%dma_start3A_584] : memref<8192xf32, #tpu.memory_space<vmem>> -> memref<8192xf32, #tpu.memory_space<vmem>>
      %dma_start3A_586 = tpu.memref_slice %arg5[%add3A_577] : memref<1000448xf32, #tpu.memory_space<vmem_shared>> -> memref<8192xf32, #tpu.memory_space<vmem_shared>>
      tpu.enqueue_dma source(%dma_start3A_586 : memref<8192xf32, #tpu.memory_space<vmem_shared>>) target(%dma_start3A_585 : memref<8192xf32, #tpu.memory_space<vmem>>) target_semaphore(%dma_start3A_583 : memref<!tpu.dma_semaphore, #tpu.memory_space<semaphore_mem>>)
      %add3A_587 = arith.constant 8192 : i32
      %add3A_588 = arith.addi %mul3A_10, %add3A_587 : i32
      %dma_start3A_589 = arith.constant 1 : i32
      %dma_start3A_590 = arith.constant 0 : i32
      %dma_start3A_591 = tpu.memref_slice %arg9[%dma_start3A_590] : memref<8192xf32, #tpu.memory_space<vmem>> -> memref<8192xf32, #tpu.memory_space<vmem>>
      %dma_start3A_592 = tpu.memref_slice %arg5[%add3A_588] : memref<1000448xf32, #tpu.memory_space<vmem_shared>> -> memref<8192xf32, #tpu.memory_space<vmem_shared>>
      %dma_start3A_593 = tpu.memref_slice %arg17[%dma_start3A_589] : memref<10x!tpu.dma_semaphore, #tpu.memory_space<semaphore_mem>> -> memref<1x!tpu.dma_semaphore, #tpu.memory_space<semaphore_mem>>
      %dma_start3A_594 = tpu.memref_squeeze %dma_start3A_593 : memref<1x!tpu.dma_semaphore, #tpu.memory_space<semaphore_mem>> -> memref<!tpu.dma_semaphore, #tpu.memory_space<semaphore_mem>>
      %dma_start3A_595 = arith.constant 0 : i32
      %dma_start3A_596 = tpu.memref_slice %arg9[%dma_start3A_595] : memref<8192xf32, #tpu.memory_space<vmem>> -> memref<8192xf32, #tpu.memory_space<vmem>>
      %dma_start3A_597 = tpu.memref_slice %arg5[%add3A_588] : memref<1000448xf32, #tpu.memory_space<vmem_shared>> -> memref<8192xf32, #tpu.memory_space<vmem_shared>>
      tpu.enqueue_dma source(%dma_start3A_597 : memref<8192xf32, #tpu.memory_space<vmem_shared>>) target(%dma_start3A_596 : memref<8192xf32, #tpu.memory_space<vmem>>) target_semaphore(%dma_start3A_594 : memref<!tpu.dma_semaphore, #tpu.memory_space<semaphore_mem>>)
      %dma_wait3A_598 = arith.constant 0 : i32
      %dma_wait3A_599 = arith.constant 0 : i32
      %dma_wait3A_600 = tpu.memref_slice %arg7[%dma_wait3A_599] : memref<8192xf32, #tpu.memory_space<vmem>> -> memref<8192xf32, #tpu.memory_space<vmem>>
      %dma_wait3A_601 = tpu.memref_slice %arg5[%add3A_577] : memref<1000448xf32, #tpu.memory_space<vmem_shared>> -> memref<8192xf32, #tpu.memory_space<vmem_shared>>
      %dma_wait3A_602 = tpu.memref_slice %arg17[%dma_wait3A_598] : memref<10x!tpu.dma_semaphore, #tpu.memory_space<semaphore_mem>> -> memref<1x!tpu.dma_semaphore, #tpu.memory_space<semaphore_mem>>
      %dma_wait3A_603 = tpu.memref_squeeze %dma_wait3A_602 : memref<1x!tpu.dma_semaphore, #tpu.memory_space<semaphore_mem>> -> memref<!tpu.dma_semaphore, #tpu.memory_space<semaphore_mem>>
      %dma_wait3A_604 = arith.constant 0 : i32
      %dma_wait3A_605 = tpu.memref_slice %arg7[%dma_wait3A_604] : memref<8192xf32, #tpu.memory_space<vmem>> -> memref<8192xf32, #tpu.memory_space<vmem>>
      %dma_wait3A_606 = tpu.memref_slice %arg5[%add3A_577] : memref<1000448xf32, #tpu.memory_space<vmem_shared>> -> memref<8192xf32, #tpu.memory_space<vmem_shared>>
      tpu.wait_dma2 semaphore(%dma_wait3A_603 : memref<!tpu.dma_semaphore, #tpu.memory_space<semaphore_mem>>) src(%dma_wait3A_606 : memref<8192xf32, #tpu.memory_space<vmem_shared>>) dst(%dma_wait3A_605 : memref<8192xf32, #tpu.memory_space<vmem>>)
      %mul3A_607 = arith.constant 1000000 : i32
      %mul3A_608 = arith.muli %arg0, %mul3A_607 : i32
      %add3A_609 = arith.addi %mul3A_608, %mul3A_10 : i32
      %add3A_610 = arith.constant 0 : i32
      %add3A_611 = arith.addi %add3A_609, %add3A_610 : i32
      %dma_start3A_612 = arith.constant 7 : i32
      %dma_start3A_613 = arith.constant 0 : i32
      %dma_start3A_614 = tpu.memref_slice %arg7[%dma_start3A_613] : memref<8192xf32, #tpu.memory_space<vmem>> -> memref<8192xf32, #tpu.memory_space<vmem>>
      %dma_start3A_615 = tpu.memref_slice %arg4[%add3A_611] : memref<2000000xf32, #tpu.memory_space<hbm>> -> memref<8192xf32, #tpu.memory_space<hbm>>
      %dma_start3A_616 = tpu.memref_slice %arg17[%dma_start3A_612] : memref<10x!tpu.dma_semaphore, #tpu.memory_space<semaphore_mem>> -> memref<1x!tpu.dma_semaphore, #tpu.memory_space<semaphore_mem>>
      %dma_start3A_617 = tpu.memref_squeeze %dma_start3A_616 : memref<1x!tpu.dma_semaphore, #tpu.memory_space<semaphore_mem>> -> memref<!tpu.dma_semaphore, #tpu.memory_space<semaphore_mem>>
      %dma_start3A_618 = tpu.memref_slice %arg4[%add3A_611] : memref<2000000xf32, #tpu.memory_space<hbm>> -> memref<8192xf32, #tpu.memory_space<hbm>>
      %dma_start3A_619 = arith.constant 0 : i32
      %dma_start3A_620 = tpu.memref_slice %arg7[%dma_start3A_619] : memref<8192xf32, #tpu.memory_space<vmem>> -> memref<8192xf32, #tpu.memory_space<vmem>>
      tpu.enqueue_dma source(%dma_start3A_620 : memref<8192xf32, #tpu.memory_space<vmem>>) target(%dma_start3A_618 : memref<8192xf32, #tpu.memory_space<hbm>>) target_semaphore(%dma_start3A_617 : memref<!tpu.dma_semaphore, #tpu.memory_space<semaphore_mem>>)
      %dma_wait3A_621 = arith.constant 7 : i32
      %dma_wait3A_622 = arith.constant 0 : i32
      %dma_wait3A_623 = tpu.memref_slice %arg7[%dma_wait3A_622] : memref<8192xf32, #tpu.memory_space<vmem>> -> memref<8192xf32, #tpu.memory_space<vmem>>
      %dma_wait3A_624 = tpu.memref_slice %arg4[%add3A_611] : memref<2000000xf32, #tpu.memory_space<hbm>> -> memref<8192xf32, #tpu.memory_space<hbm>>
      %dma_wait3A_625 = tpu.memref_slice %arg17[%dma_wait3A_621] : memref<10x!tpu.dma_semaphore, #tpu.memory_space<semaphore_mem>> -> memref<1x!tpu.dma_semaphore, #tpu.memory_space<semaphore_mem>>
      %dma_wait3A_626 = tpu.memref_squeeze %dma_wait3A_625 : memref<1x!tpu.dma_semaphore, #tpu.memory_space<semaphore_mem>> -> memref<!tpu.dma_semaphore, #tpu.memory_space<semaphore_mem>>
      %dma_wait3A_627 = tpu.memref_slice %arg4[%add3A_611] : memref<2000000xf32, #tpu.memory_space<hbm>> -> memref<8192xf32, #tpu.memory_space<hbm>>
      %dma_wait3A_628 = arith.constant 0 : i32
      %dma_wait3A_629 = tpu.memref_slice %arg7[%dma_wait3A_628] : memref<8192xf32, #tpu.memory_space<vmem>> -> memref<8192xf32, #tpu.memory_space<vmem>>
      tpu.wait_dma2 semaphore(%dma_wait3A_626 : memref<!tpu.dma_semaphore, #tpu.memory_space<semaphore_mem>>) src(%dma_wait3A_629 : memref<8192xf32, #tpu.memory_space<vmem>>) dst(%dma_wait3A_627 : memref<8192xf32, #tpu.memory_space<hbm>>)
      %add3A_630 = arith.constant 16384 : i32
      %add3A_631 = arith.addi %mul3A_10, %add3A_630 : i32
      %dma_start3A_632 = arith.constant 0 : i32
      %dma_start3A_633 = arith.constant 0 : i32
      %dma_start3A_634 = tpu.memref_slice %arg7[%dma_start3A_633] : memref<8192xf32, #tpu.memory_space<vmem>> -> memref<8192xf32, #tpu.memory_space<vmem>>
      %dma_start3A_635 = tpu.memref_slice %arg5[%add3A_631] : memref<1000448xf32, #tpu.memory_space<vmem_shared>> -> memref<8192xf32, #tpu.memory_space<vmem_shared>>
      %dma_start3A_636 = tpu.memref_slice %arg17[%dma_start3A_632] : memref<10x!tpu.dma_semaphore, #tpu.memory_space<semaphore_mem>> -> memref<1x!tpu.dma_semaphore, #tpu.memory_space<semaphore_mem>>
      %dma_start3A_637 = tpu.memref_squeeze %dma_start3A_636 : memref<1x!tpu.dma_semaphore, #tpu.memory_space<semaphore_mem>> -> memref<!tpu.dma_semaphore, #tpu.memory_space<semaphore_mem>>
      %dma_start3A_638 = arith.constant 0 : i32
      %dma_start3A_639 = tpu.memref_slice %arg7[%dma_start3A_638] : memref<8192xf32, #tpu.memory_space<vmem>> -> memref<8192xf32, #tpu.memory_space<vmem>>
      %dma_start3A_640 = tpu.memref_slice %arg5[%add3A_631] : memref<1000448xf32, #tpu.memory_space<vmem_shared>> -> memref<8192xf32, #tpu.memory_space<vmem_shared>>
      tpu.enqueue_dma source(%dma_start3A_640 : memref<8192xf32, #tpu.memory_space<vmem_shared>>) target(%dma_start3A_639 : memref<8192xf32, #tpu.memory_space<vmem>>) target_semaphore(%dma_start3A_637 : memref<!tpu.dma_semaphore, #tpu.memory_space<semaphore_mem>>)
      %dma_wait3A_641 = arith.constant 1 : i32
      %dma_wait3A_642 = arith.constant 0 : i32
      %dma_wait3A_643 = tpu.memref_slice %arg9[%dma_wait3A_642] : memref<8192xf32, #tpu.memory_space<vmem>> -> memref<8192xf32, #tpu.memory_space<vmem>>
      %dma_wait3A_644 = tpu.memref_slice %arg5[%add3A_588] : memref<1000448xf32, #tpu.memory_space<vmem_shared>> -> memref<8192xf32, #tpu.memory_space<vmem_shared>>
      %dma_wait3A_645 = tpu.memref_slice %arg17[%dma_wait3A_641] : memref<10x!tpu.dma_semaphore, #tpu.memory_space<semaphore_mem>> -> memref<1x!tpu.dma_semaphore, #tpu.memory_space<semaphore_mem>>
      %dma_wait3A_646 = tpu.memref_squeeze %dma_wait3A_645 : memref<1x!tpu.dma_semaphore, #tpu.memory_space<semaphore_mem>> -> memref<!tpu.dma_semaphore, #tpu.memory_space<semaphore_mem>>
      %dma_wait3A_647 = arith.constant 0 : i32
      %dma_wait3A_648 = tpu.memref_slice %arg9[%dma_wait3A_647] : memref<8192xf32, #tpu.memory_space<vmem>> -> memref<8192xf32, #tpu.memory_space<vmem>>
      %dma_wait3A_649 = tpu.memref_slice %arg5[%add3A_588] : memref<1000448xf32, #tpu.memory_space<vmem_shared>> -> memref<8192xf32, #tpu.memory_space<vmem_shared>>
      tpu.wait_dma2 semaphore(%dma_wait3A_646 : memref<!tpu.dma_semaphore, #tpu.memory_space<semaphore_mem>>) src(%dma_wait3A_649 : memref<8192xf32, #tpu.memory_space<vmem_shared>>) dst(%dma_wait3A_648 : memref<8192xf32, #tpu.memory_space<vmem>>)
      %mul3A_650 = arith.constant 1000000 : i32
      %mul3A_651 = arith.muli %arg0, %mul3A_650 : i32
      %add3A_652 = arith.addi %mul3A_651, %mul3A_10 : i32
      %add3A_653 = arith.constant 8192 : i32
      %add3A_654 = arith.addi %add3A_652, %add3A_653 : i32
      %dma_start3A_655 = arith.constant 8 : i32
      %dma_start3A_656 = arith.constant 0 : i32
      %dma_start3A_657 = tpu.memref_slice %arg9[%dma_start3A_656] : memref<8192xf32, #tpu.memory_space<vmem>> -> memref<8192xf32, #tpu.memory_space<vmem>>
      %dma_start3A_658 = tpu.memref_slice %arg4[%add3A_654] : memref<2000000xf32, #tpu.memory_space<hbm>> -> memref<8192xf32, #tpu.memory_space<hbm>>
      %dma_start3A_659 = tpu.memref_slice %arg17[%dma_start3A_655] : memref<10x!tpu.dma_semaphore, #tpu.memory_space<semaphore_mem>> -> memref<1x!tpu.dma_semaphore, #tpu.memory_space<semaphore_mem>>
      %dma_start3A_660 = tpu.memref_squeeze %dma_start3A_659 : memref<1x!tpu.dma_semaphore, #tpu.memory_space<semaphore_mem>> -> memref<!tpu.dma_semaphore, #tpu.memory_space<semaphore_mem>>
      %dma_start3A_661 = tpu.memref_slice %arg4[%add3A_654] : memref<2000000xf32, #tpu.memory_space<hbm>> -> memref<8192xf32, #tpu.memory_space<hbm>>
      %dma_start3A_662 = arith.constant 0 : i32
      %dma_start3A_663 = tpu.memref_slice %arg9[%dma_start3A_662] : memref<8192xf32, #tpu.memory_space<vmem>> -> memref<8192xf32, #tpu.memory_space<vmem>>
      tpu.enqueue_dma source(%dma_start3A_663 : memref<8192xf32, #tpu.memory_space<vmem>>) target(%dma_start3A_661 : memref<8192xf32, #tpu.memory_space<hbm>>) target_semaphore(%dma_start3A_660 : memref<!tpu.dma_semaphore, #tpu.memory_space<semaphore_mem>>)
      %dma_wait3A_664 = arith.constant 8 : i32
      %dma_wait3A_665 = arith.constant 0 : i32
      %dma_wait3A_666 = tpu.memref_slice %arg9[%dma_wait3A_665] : memref<8192xf32, #tpu.memory_space<vmem>> -> memref<8192xf32, #tpu.memory_space<vmem>>
      %dma_wait3A_667 = tpu.memref_slice %arg4[%add3A_654] : memref<2000000xf32, #tpu.memory_space<hbm>> -> memref<8192xf32, #tpu.memory_space<hbm>>
      %dma_wait3A_668 = tpu.memref_slice %arg17[%dma_wait3A_664] : memref<10x!tpu.dma_semaphore, #tpu.memory_space<semaphore_mem>> -> memref<1x!tpu.dma_semaphore, #tpu.memory_space<semaphore_mem>>
      %dma_wait3A_669 = tpu.memref_squeeze %dma_wait3A_668 : memref<1x!tpu.dma_semaphore, #tpu.memory_space<semaphore_mem>> -> memref<!tpu.dma_semaphore, #tpu.memory_space<semaphore_mem>>
      %dma_wait3A_670 = tpu.memref_slice %arg4[%add3A_654] : memref<2000000xf32, #tpu.memory_space<hbm>> -> memref<8192xf32, #tpu.memory_space<hbm>>
      %dma_wait3A_671 = arith.constant 0 : i32
      %dma_wait3A_672 = tpu.memref_slice %arg9[%dma_wait3A_671] : memref<8192xf32, #tpu.memory_space<vmem>> -> memref<8192xf32, #tpu.memory_space<vmem>>
      tpu.wait_dma2 semaphore(%dma_wait3A_669 : memref<!tpu.dma_semaphore, #tpu.memory_space<semaphore_mem>>) src(%dma_wait3A_672 : memref<8192xf32, #tpu.memory_space<vmem>>) dst(%dma_wait3A_670 : memref<8192xf32, #tpu.memory_space<hbm>>)
      %add3A_673 = arith.constant 24576 : i32
      %add3A_674 = arith.addi %mul3A_10, %add3A_673 : i32
      %dma_start3A_675 = arith.constant 1 : i32
      %dma_start3A_676 = arith.constant 0 : i32
      %dma_start3A_677 = tpu.memref_slice %arg9[%dma_start3A_676] : memref<8192xf32, #tpu.memory_space<vmem>> -> memref<8192xf32, #tpu.memory_space<vmem>>
      %dma_start3A_678 = tpu.memref_slice %arg5[%add3A_674] : memref<1000448xf32, #tpu.memory_space<vmem_shared>> -> memref<8192xf32, #tpu.memory_space<vmem_shared>>
      %dma_start3A_679 = tpu.memref_slice %arg17[%dma_start3A_675] : memref<10x!tpu.dma_semaphore, #tpu.memory_space<semaphore_mem>> -> memref<1x!tpu.dma_semaphore, #tpu.memory_space<semaphore_mem>>
      %dma_start3A_680 = tpu.memref_squeeze %dma_start3A_679 : memref<1x!tpu.dma_semaphore, #tpu.memory_space<semaphore_mem>> -> memref<!tpu.dma_semaphore, #tpu.memory_space<semaphore_mem>>
      %dma_start3A_681 = arith.constant 0 : i32
      %dma_start3A_682 = tpu.memref_slice %arg9[%dma_start3A_681] : memref<8192xf32, #tpu.memory_space<vmem>> -> memref<8192xf32, #tpu.memory_space<vmem>>
      %dma_start3A_683 = tpu.memref_slice %arg5[%add3A_674] : memref<1000448xf32, #tpu.memory_space<vmem_shared>> -> memref<8192xf32, #tpu.memory_space<vmem_shared>>
      tpu.enqueue_dma source(%dma_start3A_683 : memref<8192xf32, #tpu.memory_space<vmem_shared>>) target(%dma_start3A_682 : memref<8192xf32, #tpu.memory_space<vmem>>) target_semaphore(%dma_start3A_680 : memref<!tpu.dma_semaphore, #tpu.memory_space<semaphore_mem>>)
      %dma_wait3A_684 = arith.constant 0 : i32
      %dma_wait3A_685 = arith.constant 0 : i32
      %dma_wait3A_686 = tpu.memref_slice %arg7[%dma_wait3A_685] : memref<8192xf32, #tpu.memory_space<vmem>> -> memref<8192xf32, #tpu.memory_space<vmem>>
      %dma_wait3A_687 = tpu.memref_slice %arg5[%add3A_631] : memref<1000448xf32, #tpu.memory_space<vmem_shared>> -> memref<8192xf32, #tpu.memory_space<vmem_shared>>
      %dma_wait3A_688 = tpu.memref_slice %arg17[%dma_wait3A_684] : memref<10x!tpu.dma_semaphore, #tpu.memory_space<semaphore_mem>> -> memref<1x!tpu.dma_semaphore, #tpu.memory_space<semaphore_mem>>
      %dma_wait3A_689 = tpu.memref_squeeze %dma_wait3A_688 : memref<1x!tpu.dma_semaphore, #tpu.memory_space<semaphore_mem>> -> memref<!tpu.dma_semaphore, #tpu.memory_space<semaphore_mem>>
      %dma_wait3A_690 = arith.constant 0 : i32
      %dma_wait3A_691 = tpu.memref_slice %arg7[%dma_wait3A_690] : memref<8192xf32, #tpu.memory_space<vmem>> -> memref<8192xf32, #tpu.memory_space<vmem>>
      %dma_wait3A_692 = tpu.memref_slice %arg5[%add3A_631] : memref<1000448xf32, #tpu.memory_space<vmem_shared>> -> memref<8192xf32, #tpu.memory_space<vmem_shared>>
      tpu.wait_dma2 semaphore(%dma_wait3A_689 : memref<!tpu.dma_semaphore, #tpu.memory_space<semaphore_mem>>) src(%dma_wait3A_692 : memref<8192xf32, #tpu.memory_space<vmem_shared>>) dst(%dma_wait3A_691 : memref<8192xf32, #tpu.memory_space<vmem>>)
      %mul3A_693 = arith.constant 1000000 : i32
      %mul3A_694 = arith.muli %arg0, %mul3A_693 : i32
      %add3A_695 = arith.addi %mul3A_694, %mul3A_10 : i32
      %add3A_696 = arith.constant 16384 : i32
      %add3A_697 = arith.addi %add3A_695, %add3A_696 : i32
      %dma_start3A_698 = arith.constant 7 : i32
      %dma_start3A_699 = arith.constant 0 : i32
      %dma_start3A_700 = tpu.memref_slice %arg7[%dma_start3A_699] : memref<8192xf32, #tpu.memory_space<vmem>> -> memref<8192xf32, #tpu.memory_space<vmem>>
      %dma_start3A_701 = tpu.memref_slice %arg4[%add3A_697] : memref<2000000xf32, #tpu.memory_space<hbm>> -> memref<8192xf32, #tpu.memory_space<hbm>>
      %dma_start3A_702 = tpu.memref_slice %arg17[%dma_start3A_698] : memref<10x!tpu.dma_semaphore, #tpu.memory_space<semaphore_mem>> -> memref<1x!tpu.dma_semaphore, #tpu.memory_space<semaphore_mem>>
      %dma_start3A_703 = tpu.memref_squeeze %dma_start3A_702 : memref<1x!tpu.dma_semaphore, #tpu.memory_space<semaphore_mem>> -> memref<!tpu.dma_semaphore, #tpu.memory_space<semaphore_mem>>
      %dma_start3A_704 = tpu.memref_slice %arg4[%add3A_697] : memref<2000000xf32, #tpu.memory_space<hbm>> -> memref<8192xf32, #tpu.memory_space<hbm>>
      %dma_start3A_705 = arith.constant 0 : i32
      %dma_start3A_706 = tpu.memref_slice %arg7[%dma_start3A_705] : memref<8192xf32, #tpu.memory_space<vmem>> -> memref<8192xf32, #tpu.memory_space<vmem>>
      tpu.enqueue_dma source(%dma_start3A_706 : memref<8192xf32, #tpu.memory_space<vmem>>) target(%dma_start3A_704 : memref<8192xf32, #tpu.memory_space<hbm>>) target_semaphore(%dma_start3A_703 : memref<!tpu.dma_semaphore, #tpu.memory_space<semaphore_mem>>)
      %dma_wait3A_707 = arith.constant 7 : i32
      %dma_wait3A_708 = arith.constant 0 : i32
      %dma_wait3A_709 = tpu.memref_slice %arg7[%dma_wait3A_708] : memref<8192xf32, #tpu.memory_space<vmem>> -> memref<8192xf32, #tpu.memory_space<vmem>>
      %dma_wait3A_710 = tpu.memref_slice %arg4[%add3A_697] : memref<2000000xf32, #tpu.memory_space<hbm>> -> memref<8192xf32, #tpu.memory_space<hbm>>
      %dma_wait3A_711 = tpu.memref_slice %arg17[%dma_wait3A_707] : memref<10x!tpu.dma_semaphore, #tpu.memory_space<semaphore_mem>> -> memref<1x!tpu.dma_semaphore, #tpu.memory_space<semaphore_mem>>
      %dma_wait3A_712 = tpu.memref_squeeze %dma_wait3A_711 : memref<1x!tpu.dma_semaphore, #tpu.memory_space<semaphore_mem>> -> memref<!tpu.dma_semaphore, #tpu.memory_space<semaphore_mem>>
      %dma_wait3A_713 = tpu.memref_slice %arg4[%add3A_697] : memref<2000000xf32, #tpu.memory_space<hbm>> -> memref<8192xf32, #tpu.memory_space<hbm>>
      %dma_wait3A_714 = arith.constant 0 : i32
      %dma_wait3A_715 = tpu.memref_slice %arg7[%dma_wait3A_714] : memref<8192xf32, #tpu.memory_space<vmem>> -> memref<8192xf32, #tpu.memory_space<vmem>>
      tpu.wait_dma2 semaphore(%dma_wait3A_712 : memref<!tpu.dma_semaphore, #tpu.memory_space<semaphore_mem>>) src(%dma_wait3A_715 : memref<8192xf32, #tpu.memory_space<vmem>>) dst(%dma_wait3A_713 : memref<8192xf32, #tpu.memory_space<hbm>>)
      %add3A_716 = arith.constant 32768 : i32
      %add3A_717 = arith.addi %mul3A_10, %add3A_716 : i32
      %dma_start3A_718 = arith.constant 0 : i32
      %dma_start3A_719 = arith.constant 0 : i32
      %dma_start3A_720 = tpu.memref_slice %arg7[%dma_start3A_719] : memref<8192xf32, #tpu.memory_space<vmem>> -> memref<8192xf32, #tpu.memory_space<vmem>>
      %dma_start3A_721 = tpu.memref_slice %arg5[%add3A_717] : memref<1000448xf32, #tpu.memory_space<vmem_shared>> -> memref<8192xf32, #tpu.memory_space<vmem_shared>>
      %dma_start3A_722 = tpu.memref_slice %arg17[%dma_start3A_718] : memref<10x!tpu.dma_semaphore, #tpu.memory_space<semaphore_mem>> -> memref<1x!tpu.dma_semaphore, #tpu.memory_space<semaphore_mem>>
      %dma_start3A_723 = tpu.memref_squeeze %dma_start3A_722 : memref<1x!tpu.dma_semaphore, #tpu.memory_space<semaphore_mem>> -> memref<!tpu.dma_semaphore, #tpu.memory_space<semaphore_mem>>
      %dma_start3A_724 = arith.constant 0 : i32
      %dma_start3A_725 = tpu.memref_slice %arg7[%dma_start3A_724] : memref<8192xf32, #tpu.memory_space<vmem>> -> memref<8192xf32, #tpu.memory_space<vmem>>
      %dma_start3A_726 = tpu.memref_slice %arg5[%add3A_717] : memref<1000448xf32, #tpu.memory_space<vmem_shared>> -> memref<8192xf32, #tpu.memory_space<vmem_shared>>
      tpu.enqueue_dma source(%dma_start3A_726 : memref<8192xf32, #tpu.memory_space<vmem_shared>>) target(%dma_start3A_725 : memref<8192xf32, #tpu.memory_space<vmem>>) target_semaphore(%dma_start3A_723 : memref<!tpu.dma_semaphore, #tpu.memory_space<semaphore_mem>>)
      %dma_wait3A_727 = arith.constant 1 : i32
      %dma_wait3A_728 = arith.constant 0 : i32
      %dma_wait3A_729 = tpu.memref_slice %arg9[%dma_wait3A_728] : memref<8192xf32, #tpu.memory_space<vmem>> -> memref<8192xf32, #tpu.memory_space<vmem>>
      %dma_wait3A_730 = tpu.memref_slice %arg5[%add3A_674] : memref<1000448xf32, #tpu.memory_space<vmem_shared>> -> memref<8192xf32, #tpu.memory_space<vmem_shared>>
      %dma_wait3A_731 = tpu.memref_slice %arg17[%dma_wait3A_727] : memref<10x!tpu.dma_semaphore, #tpu.memory_space<semaphore_mem>> -> memref<1x!tpu.dma_semaphore, #tpu.memory_space<semaphore_mem>>
      %dma_wait3A_732 = tpu.memref_squeeze %dma_wait3A_731 : memref<1x!tpu.dma_semaphore, #tpu.memory_space<semaphore_mem>> -> memref<!tpu.dma_semaphore, #tpu.memory_space<semaphore_mem>>
      %dma_wait3A_733 = arith.constant 0 : i32
      %dma_wait3A_734 = tpu.memref_slice %arg9[%dma_wait3A_733] : memref<8192xf32, #tpu.memory_space<vmem>> -> memref<8192xf32, #tpu.memory_space<vmem>>
      %dma_wait3A_735 = tpu.memref_slice %arg5[%add3A_674] : memref<1000448xf32, #tpu.memory_space<vmem_shared>> -> memref<8192xf32, #tpu.memory_space<vmem_shared>>
      tpu.wait_dma2 semaphore(%dma_wait3A_732 : memref<!tpu.dma_semaphore, #tpu.memory_space<semaphore_mem>>) src(%dma_wait3A_735 : memref<8192xf32, #tpu.memory_space<vmem_shared>>) dst(%dma_wait3A_734 : memref<8192xf32, #tpu.memory_space<vmem>>)
      %mul3A_736 = arith.constant 1000000 : i32
      %mul3A_737 = arith.muli %arg0, %mul3A_736 : i32
      %add3A_738 = arith.addi %mul3A_737, %mul3A_10 : i32
      %add3A_739 = arith.constant 24576 : i32
      %add3A_740 = arith.addi %add3A_738, %add3A_739 : i32
      %dma_start3A_741 = arith.constant 8 : i32
      %dma_start3A_742 = arith.constant 0 : i32
      %dma_start3A_743 = tpu.memref_slice %arg9[%dma_start3A_742] : memref<8192xf32, #tpu.memory_space<vmem>> -> memref<8192xf32, #tpu.memory_space<vmem>>
      %dma_start3A_744 = tpu.memref_slice %arg4[%add3A_740] : memref<2000000xf32, #tpu.memory_space<hbm>> -> memref<8192xf32, #tpu.memory_space<hbm>>
      %dma_start3A_745 = tpu.memref_slice %arg17[%dma_start3A_741] : memref<10x!tpu.dma_semaphore, #tpu.memory_space<semaphore_mem>> -> memref<1x!tpu.dma_semaphore, #tpu.memory_space<semaphore_mem>>
      %dma_start3A_746 = tpu.memref_squeeze %dma_start3A_745 : memref<1x!tpu.dma_semaphore, #tpu.memory_space<semaphore_mem>> -> memref<!tpu.dma_semaphore, #tpu.memory_space<semaphore_mem>>
      %dma_start3A_747 = tpu.memref_slice %arg4[%add3A_740] : memref<2000000xf32, #tpu.memory_space<hbm>> -> memref<8192xf32, #tpu.memory_space<hbm>>
      %dma_start3A_748 = arith.constant 0 : i32
      %dma_start3A_749 = tpu.memref_slice %arg9[%dma_start3A_748] : memref<8192xf32, #tpu.memory_space<vmem>> -> memref<8192xf32, #tpu.memory_space<vmem>>
      tpu.enqueue_dma source(%dma_start3A_749 : memref<8192xf32, #tpu.memory_space<vmem>>) target(%dma_start3A_747 : memref<8192xf32, #tpu.memory_space<hbm>>) target_semaphore(%dma_start3A_746 : memref<!tpu.dma_semaphore, #tpu.memory_space<semaphore_mem>>)
      %dma_wait3A_750 = arith.constant 8 : i32
      %dma_wait3A_751 = arith.constant 0 : i32
      %dma_wait3A_752 = tpu.memref_slice %arg9[%dma_wait3A_751] : memref<8192xf32, #tpu.memory_space<vmem>> -> memref<8192xf32, #tpu.memory_space<vmem>>
      %dma_wait3A_753 = tpu.memref_slice %arg4[%add3A_740] : memref<2000000xf32, #tpu.memory_space<hbm>> -> memref<8192xf32, #tpu.memory_space<hbm>>
      %dma_wait3A_754 = tpu.memref_slice %arg17[%dma_wait3A_750] : memref<10x!tpu.dma_semaphore, #tpu.memory_space<semaphore_mem>> -> memref<1x!tpu.dma_semaphore, #tpu.memory_space<semaphore_mem>>
      %dma_wait3A_755 = tpu.memref_squeeze %dma_wait3A_754 : memref<1x!tpu.dma_semaphore, #tpu.memory_space<semaphore_mem>> -> memref<!tpu.dma_semaphore, #tpu.memory_space<semaphore_mem>>
      %dma_wait3A_756 = tpu.memref_slice %arg4[%add3A_740] : memref<2000000xf32, #tpu.memory_space<hbm>> -> memref<8192xf32, #tpu.memory_space<hbm>>
      %dma_wait3A_757 = arith.constant 0 : i32
      %dma_wait3A_758 = tpu.memref_slice %arg9[%dma_wait3A_757] : memref<8192xf32, #tpu.memory_space<vmem>> -> memref<8192xf32, #tpu.memory_space<vmem>>
      tpu.wait_dma2 semaphore(%dma_wait3A_755 : memref<!tpu.dma_semaphore, #tpu.memory_space<semaphore_mem>>) src(%dma_wait3A_758 : memref<8192xf32, #tpu.memory_space<vmem>>) dst(%dma_wait3A_756 : memref<8192xf32, #tpu.memory_space<hbm>>)
      %add3A_759 = arith.constant 40960 : i32
      %add3A_760 = arith.addi %mul3A_10, %add3A_759 : i32
      %dma_start3A_761 = arith.constant 1 : i32
      %dma_start3A_762 = arith.constant 0 : i32
      %dma_start3A_763 = tpu.memref_slice %arg9[%dma_start3A_762] : memref<8192xf32, #tpu.memory_space<vmem>> -> memref<8192xf32, #tpu.memory_space<vmem>>
      %dma_start3A_764 = tpu.memref_slice %arg5[%add3A_760] : memref<1000448xf32, #tpu.memory_space<vmem_shared>> -> memref<8192xf32, #tpu.memory_space<vmem_shared>>
      %dma_start3A_765 = tpu.memref_slice %arg17[%dma_start3A_761] : memref<10x!tpu.dma_semaphore, #tpu.memory_space<semaphore_mem>> -> memref<1x!tpu.dma_semaphore, #tpu.memory_space<semaphore_mem>>
      %dma_start3A_766 = tpu.memref_squeeze %dma_start3A_765 : memref<1x!tpu.dma_semaphore, #tpu.memory_space<semaphore_mem>> -> memref<!tpu.dma_semaphore, #tpu.memory_space<semaphore_mem>>
      %dma_start3A_767 = arith.constant 0 : i32
      %dma_start3A_768 = tpu.memref_slice %arg9[%dma_start3A_767] : memref<8192xf32, #tpu.memory_space<vmem>> -> memref<8192xf32, #tpu.memory_space<vmem>>
      %dma_start3A_769 = tpu.memref_slice %arg5[%add3A_760] : memref<1000448xf32, #tpu.memory_space<vmem_shared>> -> memref<8192xf32, #tpu.memory_space<vmem_shared>>
      tpu.enqueue_dma source(%dma_start3A_769 : memref<8192xf32, #tpu.memory_space<vmem_shared>>) target(%dma_start3A_768 : memref<8192xf32, #tpu.memory_space<vmem>>) target_semaphore(%dma_start3A_766 : memref<!tpu.dma_semaphore, #tpu.memory_space<semaphore_mem>>)
      %dma_wait3A_770 = arith.constant 0 : i32
      %dma_wait3A_771 = arith.constant 0 : i32
      %dma_wait3A_772 = tpu.memref_slice %arg7[%dma_wait3A_771] : memref<8192xf32, #tpu.memory_space<vmem>> -> memref<8192xf32, #tpu.memory_space<vmem>>
      %dma_wait3A_773 = tpu.memref_slice %arg5[%add3A_717] : memref<1000448xf32, #tpu.memory_space<vmem_shared>> -> memref<8192xf32, #tpu.memory_space<vmem_shared>>
      %dma_wait3A_774 = tpu.memref_slice %arg17[%dma_wait3A_770] : memref<10x!tpu.dma_semaphore, #tpu.memory_space<semaphore_mem>> -> memref<1x!tpu.dma_semaphore, #tpu.memory_space<semaphore_mem>>
      %dma_wait3A_775 = tpu.memref_squeeze %dma_wait3A_774 : memref<1x!tpu.dma_semaphore, #tpu.memory_space<semaphore_mem>> -> memref<!tpu.dma_semaphore, #tpu.memory_space<semaphore_mem>>
      %dma_wait3A_776 = arith.constant 0 : i32
      %dma_wait3A_777 = tpu.memref_slice %arg7[%dma_wait3A_776] : memref<8192xf32, #tpu.memory_space<vmem>> -> memref<8192xf32, #tpu.memory_space<vmem>>
      %dma_wait3A_778 = tpu.memref_slice %arg5[%add3A_717] : memref<1000448xf32, #tpu.memory_space<vmem_shared>> -> memref<8192xf32, #tpu.memory_space<vmem_shared>>
      tpu.wait_dma2 semaphore(%dma_wait3A_775 : memref<!tpu.dma_semaphore, #tpu.memory_space<semaphore_mem>>) src(%dma_wait3A_778 : memref<8192xf32, #tpu.memory_space<vmem_shared>>) dst(%dma_wait3A_777 : memref<8192xf32, #tpu.memory_space<vmem>>)
      %mul3A_779 = arith.constant 1000000 : i32
      %mul3A_780 = arith.muli %arg0, %mul3A_779 : i32
      %add3A_781 = arith.addi %mul3A_780, %mul3A_10 : i32
      %add3A_782 = arith.constant 32768 : i32
      %add3A_783 = arith.addi %add3A_781, %add3A_782 : i32
      %dma_start3A_784 = arith.constant 7 : i32
      %dma_start3A_785 = arith.constant 0 : i32
      %dma_start3A_786 = tpu.memref_slice %arg7[%dma_start3A_785] : memref<8192xf32, #tpu.memory_space<vmem>> -> memref<8192xf32, #tpu.memory_space<vmem>>
      %dma_start3A_787 = tpu.memref_slice %arg4[%add3A_783] : memref<2000000xf32, #tpu.memory_space<hbm>> -> memref<8192xf32, #tpu.memory_space<hbm>>
      %dma_start3A_788 = tpu.memref_slice %arg17[%dma_start3A_784] : memref<10x!tpu.dma_semaphore, #tpu.memory_space<semaphore_mem>> -> memref<1x!tpu.dma_semaphore, #tpu.memory_space<semaphore_mem>>
      %dma_start3A_789 = tpu.memref_squeeze %dma_start3A_788 : memref<1x!tpu.dma_semaphore, #tpu.memory_space<semaphore_mem>> -> memref<!tpu.dma_semaphore, #tpu.memory_space<semaphore_mem>>
      %dma_start3A_790 = tpu.memref_slice %arg4[%add3A_783] : memref<2000000xf32, #tpu.memory_space<hbm>> -> memref<8192xf32, #tpu.memory_space<hbm>>
      %dma_start3A_791 = arith.constant 0 : i32
      %dma_start3A_792 = tpu.memref_slice %arg7[%dma_start3A_791] : memref<8192xf32, #tpu.memory_space<vmem>> -> memref<8192xf32, #tpu.memory_space<vmem>>
      tpu.enqueue_dma source(%dma_start3A_792 : memref<8192xf32, #tpu.memory_space<vmem>>) target(%dma_start3A_790 : memref<8192xf32, #tpu.memory_space<hbm>>) target_semaphore(%dma_start3A_789 : memref<!tpu.dma_semaphore, #tpu.memory_space<semaphore_mem>>)
      %dma_wait3A_793 = arith.constant 7 : i32
      %dma_wait3A_794 = arith.constant 0 : i32
      %dma_wait3A_795 = tpu.memref_slice %arg7[%dma_wait3A_794] : memref<8192xf32, #tpu.memory_space<vmem>> -> memref<8192xf32, #tpu.memory_space<vmem>>
      %dma_wait3A_796 = tpu.memref_slice %arg4[%add3A_783] : memref<2000000xf32, #tpu.memory_space<hbm>> -> memref<8192xf32, #tpu.memory_space<hbm>>
      %dma_wait3A_797 = tpu.memref_slice %arg17[%dma_wait3A_793] : memref<10x!tpu.dma_semaphore, #tpu.memory_space<semaphore_mem>> -> memref<1x!tpu.dma_semaphore, #tpu.memory_space<semaphore_mem>>
      %dma_wait3A_798 = tpu.memref_squeeze %dma_wait3A_797 : memref<1x!tpu.dma_semaphore, #tpu.memory_space<semaphore_mem>> -> memref<!tpu.dma_semaphore, #tpu.memory_space<semaphore_mem>>
      %dma_wait3A_799 = tpu.memref_slice %arg4[%add3A_783] : memref<2000000xf32, #tpu.memory_space<hbm>> -> memref<8192xf32, #tpu.memory_space<hbm>>
      %dma_wait3A_800 = arith.constant 0 : i32
      %dma_wait3A_801 = tpu.memref_slice %arg7[%dma_wait3A_800] : memref<8192xf32, #tpu.memory_space<vmem>> -> memref<8192xf32, #tpu.memory_space<vmem>>
      tpu.wait_dma2 semaphore(%dma_wait3A_798 : memref<!tpu.dma_semaphore, #tpu.memory_space<semaphore_mem>>) src(%dma_wait3A_801 : memref<8192xf32, #tpu.memory_space<vmem>>) dst(%dma_wait3A_799 : memref<8192xf32, #tpu.memory_space<hbm>>)
      %add3A_802 = arith.constant 49152 : i32
      %add3A_803 = arith.addi %mul3A_10, %add3A_802 : i32
      %dma_start3A_804 = arith.constant 0 : i32
      %dma_start3A_805 = arith.constant 0 : i32
      %dma_start3A_806 = tpu.memref_slice %arg7[%dma_start3A_805] : memref<8192xf32, #tpu.memory_space<vmem>> -> memref<8192xf32, #tpu.memory_space<vmem>>
      %dma_start3A_807 = tpu.memref_slice %arg5[%add3A_803] : memref<1000448xf32, #tpu.memory_space<vmem_shared>> -> memref<8192xf32, #tpu.memory_space<vmem_shared>>
      %dma_start3A_808 = tpu.memref_slice %arg17[%dma_start3A_804] : memref<10x!tpu.dma_semaphore, #tpu.memory_space<semaphore_mem>> -> memref<1x!tpu.dma_semaphore, #tpu.memory_space<semaphore_mem>>
      %dma_start3A_809 = tpu.memref_squeeze %dma_start3A_808 : memref<1x!tpu.dma_semaphore, #tpu.memory_space<semaphore_mem>> -> memref<!tpu.dma_semaphore, #tpu.memory_space<semaphore_mem>>
      %dma_start3A_810 = arith.constant 0 : i32
      %dma_start3A_811 = tpu.memref_slice %arg7[%dma_start3A_810] : memref<8192xf32, #tpu.memory_space<vmem>> -> memref<8192xf32, #tpu.memory_space<vmem>>
      %dma_start3A_812 = tpu.memref_slice %arg5[%add3A_803] : memref<1000448xf32, #tpu.memory_space<vmem_shared>> -> memref<8192xf32, #tpu.memory_space<vmem_shared>>
      tpu.enqueue_dma source(%dma_start3A_812 : memref<8192xf32, #tpu.memory_space<vmem_shared>>) target(%dma_start3A_811 : memref<8192xf32, #tpu.memory_space<vmem>>) target_semaphore(%dma_start3A_809 : memref<!tpu.dma_semaphore, #tpu.memory_space<semaphore_mem>>)
      %dma_wait3A_813 = arith.constant 1 : i32
      %dma_wait3A_814 = arith.constant 0 : i32
      %dma_wait3A_815 = tpu.memref_slice %arg9[%dma_wait3A_814] : memref<8192xf32, #tpu.memory_space<vmem>> -> memref<8192xf32, #tpu.memory_space<vmem>>
      %dma_wait3A_816 = tpu.memref_slice %arg5[%add3A_760] : memref<1000448xf32, #tpu.memory_space<vmem_shared>> -> memref<8192xf32, #tpu.memory_space<vmem_shared>>
      %dma_wait3A_817 = tpu.memref_slice %arg17[%dma_wait3A_813] : memref<10x!tpu.dma_semaphore, #tpu.memory_space<semaphore_mem>> -> memref<1x!tpu.dma_semaphore, #tpu.memory_space<semaphore_mem>>
      %dma_wait3A_818 = tpu.memref_squeeze %dma_wait3A_817 : memref<1x!tpu.dma_semaphore, #tpu.memory_space<semaphore_mem>> -> memref<!tpu.dma_semaphore, #tpu.memory_space<semaphore_mem>>
      %dma_wait3A_819 = arith.constant 0 : i32
      %dma_wait3A_820 = tpu.memref_slice %arg9[%dma_wait3A_819] : memref<8192xf32, #tpu.memory_space<vmem>> -> memref<8192xf32, #tpu.memory_space<vmem>>
      %dma_wait3A_821 = tpu.memref_slice %arg5[%add3A_760] : memref<1000448xf32, #tpu.memory_space<vmem_shared>> -> memref<8192xf32, #tpu.memory_space<vmem_shared>>
      tpu.wait_dma2 semaphore(%dma_wait3A_818 : memref<!tpu.dma_semaphore, #tpu.memory_space<semaphore_mem>>) src(%dma_wait3A_821 : memref<8192xf32, #tpu.memory_space<vmem_shared>>) dst(%dma_wait3A_820 : memref<8192xf32, #tpu.memory_space<vmem>>)
      %mul3A_822 = arith.constant 1000000 : i32
      %mul3A_823 = arith.muli %arg0, %mul3A_822 : i32
      %add3A_824 = arith.addi %mul3A_823, %mul3A_10 : i32
      %add3A_825 = arith.constant 40960 : i32
      %add3A_826 = arith.addi %add3A_824, %add3A_825 : i32
      %dma_start3A_827 = arith.constant 8 : i32
      %dma_start3A_828 = arith.constant 0 : i32
      %dma_start3A_829 = tpu.memref_slice %arg9[%dma_start3A_828] : memref<8192xf32, #tpu.memory_space<vmem>> -> memref<8192xf32, #tpu.memory_space<vmem>>
      %dma_start3A_830 = tpu.memref_slice %arg4[%add3A_826] : memref<2000000xf32, #tpu.memory_space<hbm>> -> memref<8192xf32, #tpu.memory_space<hbm>>
      %dma_start3A_831 = tpu.memref_slice %arg17[%dma_start3A_827] : memref<10x!tpu.dma_semaphore, #tpu.memory_space<semaphore_mem>> -> memref<1x!tpu.dma_semaphore, #tpu.memory_space<semaphore_mem>>
      %dma_start3A_832 = tpu.memref_squeeze %dma_start3A_831 : memref<1x!tpu.dma_semaphore, #tpu.memory_space<semaphore_mem>> -> memref<!tpu.dma_semaphore, #tpu.memory_space<semaphore_mem>>
      %dma_start3A_833 = tpu.memref_slice %arg4[%add3A_826] : memref<2000000xf32, #tpu.memory_space<hbm>> -> memref<8192xf32, #tpu.memory_space<hbm>>
      %dma_start3A_834 = arith.constant 0 : i32
      %dma_start3A_835 = tpu.memref_slice %arg9[%dma_start3A_834] : memref<8192xf32, #tpu.memory_space<vmem>> -> memref<8192xf32, #tpu.memory_space<vmem>>
      tpu.enqueue_dma source(%dma_start3A_835 : memref<8192xf32, #tpu.memory_space<vmem>>) target(%dma_start3A_833 : memref<8192xf32, #tpu.memory_space<hbm>>) target_semaphore(%dma_start3A_832 : memref<!tpu.dma_semaphore, #tpu.memory_space<semaphore_mem>>)
      %dma_wait3A_836 = arith.constant 8 : i32
      %dma_wait3A_837 = arith.constant 0 : i32
      %dma_wait3A_838 = tpu.memref_slice %arg9[%dma_wait3A_837] : memref<8192xf32, #tpu.memory_space<vmem>> -> memref<8192xf32, #tpu.memory_space<vmem>>
      %dma_wait3A_839 = tpu.memref_slice %arg4[%add3A_826] : memref<2000000xf32, #tpu.memory_space<hbm>> -> memref<8192xf32, #tpu.memory_space<hbm>>
      %dma_wait3A_840 = tpu.memref_slice %arg17[%dma_wait3A_836] : memref<10x!tpu.dma_semaphore, #tpu.memory_space<semaphore_mem>> -> memref<1x!tpu.dma_semaphore, #tpu.memory_space<semaphore_mem>>
      %dma_wait3A_841 = tpu.memref_squeeze %dma_wait3A_840 : memref<1x!tpu.dma_semaphore, #tpu.memory_space<semaphore_mem>> -> memref<!tpu.dma_semaphore, #tpu.memory_space<semaphore_mem>>
      %dma_wait3A_842 = tpu.memref_slice %arg4[%add3A_826] : memref<2000000xf32, #tpu.memory_space<hbm>> -> memref<8192xf32, #tpu.memory_space<hbm>>
      %dma_wait3A_843 = arith.constant 0 : i32
      %dma_wait3A_844 = tpu.memref_slice %arg9[%dma_wait3A_843] : memref<8192xf32, #tpu.memory_space<vmem>> -> memref<8192xf32, #tpu.memory_space<vmem>>
      tpu.wait_dma2 semaphore(%dma_wait3A_841 : memref<!tpu.dma_semaphore, #tpu.memory_space<semaphore_mem>>) src(%dma_wait3A_844 : memref<8192xf32, #tpu.memory_space<vmem>>) dst(%dma_wait3A_842 : memref<8192xf32, #tpu.memory_space<hbm>>)
      %add3A_845 = arith.constant 57344 : i32
      %add3A_846 = arith.addi %mul3A_10, %add3A_845 : i32
      %dma_start3A_847 = arith.constant 1 : i32
      %dma_start3A_848 = arith.constant 0 : i32
      %dma_start3A_849 = tpu.memref_slice %arg9[%dma_start3A_848] : memref<8192xf32, #tpu.memory_space<vmem>> -> memref<4736xf32, #tpu.memory_space<vmem>>
      %dma_start3A_850 = tpu.memref_slice %arg5[%add3A_846] : memref<1000448xf32, #tpu.memory_space<vmem_shared>> -> memref<4736xf32, #tpu.memory_space<vmem_shared>>
      %dma_start3A_851 = tpu.memref_slice %arg17[%dma_start3A_847] : memref<10x!tpu.dma_semaphore, #tpu.memory_space<semaphore_mem>> -> memref<1x!tpu.dma_semaphore, #tpu.memory_space<semaphore_mem>>
      %dma_start3A_852 = tpu.memref_squeeze %dma_start3A_851 : memref<1x!tpu.dma_semaphore, #tpu.memory_space<semaphore_mem>> -> memref<!tpu.dma_semaphore, #tpu.memory_space<semaphore_mem>>
      %dma_start3A_853 = arith.constant 0 : i32
      %dma_start3A_854 = tpu.memref_slice %arg9[%dma_start3A_853] : memref<8192xf32, #tpu.memory_space<vmem>> -> memref<4736xf32, #tpu.memory_space<vmem>>
      %dma_start3A_855 = tpu.memref_slice %arg5[%add3A_846] : memref<1000448xf32, #tpu.memory_space<vmem_shared>> -> memref<4736xf32, #tpu.memory_space<vmem_shared>>
      tpu.enqueue_dma source(%dma_start3A_855 : memref<4736xf32, #tpu.memory_space<vmem_shared>>) target(%dma_start3A_854 : memref<4736xf32, #tpu.memory_space<vmem>>) target_semaphore(%dma_start3A_852 : memref<!tpu.dma_semaphore, #tpu.memory_space<semaphore_mem>>)
      %dma_wait3A_856 = arith.constant 0 : i32
      %dma_wait3A_857 = arith.constant 0 : i32
      %dma_wait3A_858 = tpu.memref_slice %arg7[%dma_wait3A_857] : memref<8192xf32, #tpu.memory_space<vmem>> -> memref<8192xf32, #tpu.memory_space<vmem>>
      %dma_wait3A_859 = tpu.memref_slice %arg5[%add3A_803] : memref<1000448xf32, #tpu.memory_space<vmem_shared>> -> memref<8192xf32, #tpu.memory_space<vmem_shared>>
      %dma_wait3A_860 = tpu.memref_slice %arg17[%dma_wait3A_856] : memref<10x!tpu.dma_semaphore, #tpu.memory_space<semaphore_mem>> -> memref<1x!tpu.dma_semaphore, #tpu.memory_space<semaphore_mem>>
      %dma_wait3A_861 = tpu.memref_squeeze %dma_wait3A_860 : memref<1x!tpu.dma_semaphore, #tpu.memory_space<semaphore_mem>> -> memref<!tpu.dma_semaphore, #tpu.memory_space<semaphore_mem>>
      %dma_wait3A_862 = arith.constant 0 : i32
      %dma_wait3A_863 = tpu.memref_slice %arg7[%dma_wait3A_862] : memref<8192xf32, #tpu.memory_space<vmem>> -> memref<8192xf32, #tpu.memory_space<vmem>>
      %dma_wait3A_864 = tpu.memref_slice %arg5[%add3A_803] : memref<1000448xf32, #tpu.memory_space<vmem_shared>> -> memref<8192xf32, #tpu.memory_space<vmem_shared>>
      tpu.wait_dma2 semaphore(%dma_wait3A_861 : memref<!tpu.dma_semaphore, #tpu.memory_space<semaphore_mem>>) src(%dma_wait3A_864 : memref<8192xf32, #tpu.memory_space<vmem_shared>>) dst(%dma_wait3A_863 : memref<8192xf32, #tpu.memory_space<vmem>>)
      %mul3A_865 = arith.constant 1000000 : i32
      %mul3A_866 = arith.muli %arg0, %mul3A_865 : i32
      %add3A_867 = arith.addi %mul3A_866, %mul3A_10 : i32
      %add3A_868 = arith.constant 49152 : i32
      %add3A_869 = arith.addi %add3A_867, %add3A_868 : i32
      %dma_start3A_870 = arith.constant 7 : i32
      %dma_start3A_871 = arith.constant 0 : i32
      %dma_start3A_872 = tpu.memref_slice %arg7[%dma_start3A_871] : memref<8192xf32, #tpu.memory_space<vmem>> -> memref<8192xf32, #tpu.memory_space<vmem>>
      %dma_start3A_873 = tpu.memref_slice %arg4[%add3A_869] : memref<2000000xf32, #tpu.memory_space<hbm>> -> memref<8192xf32, #tpu.memory_space<hbm>>
      %dma_start3A_874 = tpu.memref_slice %arg17[%dma_start3A_870] : memref<10x!tpu.dma_semaphore, #tpu.memory_space<semaphore_mem>> -> memref<1x!tpu.dma_semaphore, #tpu.memory_space<semaphore_mem>>
      %dma_start3A_875 = tpu.memref_squeeze %dma_start3A_874 : memref<1x!tpu.dma_semaphore, #tpu.memory_space<semaphore_mem>> -> memref<!tpu.dma_semaphore, #tpu.memory_space<semaphore_mem>>
      %dma_start3A_876 = tpu.memref_slice %arg4[%add3A_869] : memref<2000000xf32, #tpu.memory_space<hbm>> -> memref<8192xf32, #tpu.memory_space<hbm>>
      %dma_start3A_877 = arith.constant 0 : i32
      %dma_start3A_878 = tpu.memref_slice %arg7[%dma_start3A_877] : memref<8192xf32, #tpu.memory_space<vmem>> -> memref<8192xf32, #tpu.memory_space<vmem>>
      tpu.enqueue_dma source(%dma_start3A_878 : memref<8192xf32, #tpu.memory_space<vmem>>) target(%dma_start3A_876 : memref<8192xf32, #tpu.memory_space<hbm>>) target_semaphore(%dma_start3A_875 : memref<!tpu.dma_semaphore, #tpu.memory_space<semaphore_mem>>)
      %dma_wait3A_879 = arith.constant 1 : i32
      %dma_wait3A_880 = arith.constant 0 : i32
      %dma_wait3A_881 = tpu.memref_slice %arg9[%dma_wait3A_880] : memref<8192xf32, #tpu.memory_space<vmem>> -> memref<4736xf32, #tpu.memory_space<vmem>>
      %dma_wait3A_882 = tpu.memref_slice %arg5[%add3A_846] : memref<1000448xf32, #tpu.memory_space<vmem_shared>> -> memref<4736xf32, #tpu.memory_space<vmem_shared>>
      %dma_wait3A_883 = tpu.memref_slice %arg17[%dma_wait3A_879] : memref<10x!tpu.dma_semaphore, #tpu.memory_space<semaphore_mem>> -> memref<1x!tpu.dma_semaphore, #tpu.memory_space<semaphore_mem>>
      %dma_wait3A_884 = tpu.memref_squeeze %dma_wait3A_883 : memref<1x!tpu.dma_semaphore, #tpu.memory_space<semaphore_mem>> -> memref<!tpu.dma_semaphore, #tpu.memory_space<semaphore_mem>>
      %dma_wait3A_885 = arith.constant 0 : i32
      %dma_wait3A_886 = tpu.memref_slice %arg9[%dma_wait3A_885] : memref<8192xf32, #tpu.memory_space<vmem>> -> memref<4736xf32, #tpu.memory_space<vmem>>
      %dma_wait3A_887 = tpu.memref_slice %arg5[%add3A_846] : memref<1000448xf32, #tpu.memory_space<vmem_shared>> -> memref<4736xf32, #tpu.memory_space<vmem_shared>>
      tpu.wait_dma2 semaphore(%dma_wait3A_884 : memref<!tpu.dma_semaphore, #tpu.memory_space<semaphore_mem>>) src(%dma_wait3A_887 : memref<4736xf32, #tpu.memory_space<vmem_shared>>) dst(%dma_wait3A_886 : memref<4736xf32, #tpu.memory_space<vmem>>)
      %mul3A_888 = arith.constant 1000000 : i32
      %mul3A_889 = arith.muli %arg0, %mul3A_888 : i32
      %add3A_890 = arith.addi %mul3A_889, %mul3A_10 : i32
      %add3A_891 = arith.constant 57344 : i32
      %add3A_892 = arith.addi %add3A_890, %add3A_891 : i32
      %dma_start3A_893 = arith.constant 8 : i32
      %dma_start3A_894 = arith.constant 0 : i32
      %dma_start3A_895 = tpu.memref_slice %arg9[%dma_start3A_894] : memref<8192xf32, #tpu.memory_space<vmem>> -> memref<4736xf32, #tpu.memory_space<vmem>>
      %dma_start3A_896 = tpu.memref_slice %arg4[%add3A_892] : memref<2000000xf32, #tpu.memory_space<hbm>> -> memref<4736xf32, #tpu.memory_space<hbm>>
      %dma_start3A_897 = tpu.memref_slice %arg17[%dma_start3A_893] : memref<10x!tpu.dma_semaphore, #tpu.memory_space<semaphore_mem>> -> memref<1x!tpu.dma_semaphore, #tpu.memory_space<semaphore_mem>>
      %dma_start3A_898 = tpu.memref_squeeze %dma_start3A_897 : memref<1x!tpu.dma_semaphore, #tpu.memory_space<semaphore_mem>> -> memref<!tpu.dma_semaphore, #tpu.memory_space<semaphore_mem>>
      %dma_start3A_899 = tpu.memref_slice %arg4[%add3A_892] : memref<2000000xf32, #tpu.memory_space<hbm>> -> memref<4736xf32, #tpu.memory_space<hbm>>
      %dma_start3A_900 = arith.constant 0 : i32
      %dma_start3A_901 = tpu.memref_slice %arg9[%dma_start3A_900] : memref<8192xf32, #tpu.memory_space<vmem>> -> memref<4736xf32, #tpu.memory_space<vmem>>
      tpu.enqueue_dma source(%dma_start3A_901 : memref<4736xf32, #tpu.memory_space<vmem>>) target(%dma_start3A_899 : memref<4736xf32, #tpu.memory_space<hbm>>) target_semaphore(%dma_start3A_898 : memref<!tpu.dma_semaphore, #tpu.memory_space<semaphore_mem>>)
      %dma_wait3A_902 = arith.constant 7 : i32
      %dma_wait3A_903 = arith.constant 0 : i32
      %dma_wait3A_904 = tpu.memref_slice %arg7[%dma_wait3A_903] : memref<8192xf32, #tpu.memory_space<vmem>> -> memref<8192xf32, #tpu.memory_space<vmem>>
      %dma_wait3A_905 = tpu.memref_slice %arg4[%add3A_869] : memref<2000000xf32, #tpu.memory_space<hbm>> -> memref<8192xf32, #tpu.memory_space<hbm>>
      %dma_wait3A_906 = tpu.memref_slice %arg17[%dma_wait3A_902] : memref<10x!tpu.dma_semaphore, #tpu.memory_space<semaphore_mem>> -> memref<1x!tpu.dma_semaphore, #tpu.memory_space<semaphore_mem>>
      %dma_wait3A_907 = tpu.memref_squeeze %dma_wait3A_906 : memref<1x!tpu.dma_semaphore, #tpu.memory_space<semaphore_mem>> -> memref<!tpu.dma_semaphore, #tpu.memory_space<semaphore_mem>>
      %dma_wait3A_908 = tpu.memref_slice %arg4[%add3A_869] : memref<2000000xf32, #tpu.memory_space<hbm>> -> memref<8192xf32, #tpu.memory_space<hbm>>
      %dma_wait3A_909 = arith.constant 0 : i32
      %dma_wait3A_910 = tpu.memref_slice %arg7[%dma_wait3A_909] : memref<8192xf32, #tpu.memory_space<vmem>> -> memref<8192xf32, #tpu.memory_space<vmem>>
      tpu.wait_dma2 semaphore(%dma_wait3A_907 : memref<!tpu.dma_semaphore, #tpu.memory_space<semaphore_mem>>) src(%dma_wait3A_910 : memref<8192xf32, #tpu.memory_space<vmem>>) dst(%dma_wait3A_908 : memref<8192xf32, #tpu.memory_space<hbm>>)
      %dma_wait3A_911 = arith.constant 8 : i32
      %dma_wait3A_912 = arith.constant 0 : i32
      %dma_wait3A_913 = tpu.memref_slice %arg9[%dma_wait3A_912] : memref<8192xf32, #tpu.memory_space<vmem>> -> memref<4736xf32, #tpu.memory_space<vmem>>
      %dma_wait3A_914 = tpu.memref_slice %arg4[%add3A_892] : memref<2000000xf32, #tpu.memory_space<hbm>> -> memref<4736xf32, #tpu.memory_space<hbm>>
      %dma_wait3A_915 = tpu.memref_slice %arg17[%dma_wait3A_911] : memref<10x!tpu.dma_semaphore, #tpu.memory_space<semaphore_mem>> -> memref<1x!tpu.dma_semaphore, #tpu.memory_space<semaphore_mem>>
      %dma_wait3A_916 = tpu.memref_squeeze %dma_wait3A_915 : memref<1x!tpu.dma_semaphore, #tpu.memory_space<semaphore_mem>> -> memref<!tpu.dma_semaphore, #tpu.memory_space<semaphore_mem>>
      %dma_wait3A_917 = tpu.memref_slice %arg4[%add3A_892] : memref<2000000xf32, #tpu.memory_space<hbm>> -> memref<4736xf32, #tpu.memory_space<hbm>>
      %dma_wait3A_918 = arith.constant 0 : i32
      %dma_wait3A_919 = tpu.memref_slice %arg9[%dma_wait3A_918] : memref<8192xf32, #tpu.memory_space<vmem>> -> memref<4736xf32, #tpu.memory_space<vmem>>
      tpu.wait_dma2 semaphore(%dma_wait3A_916 : memref<!tpu.dma_semaphore, #tpu.memory_space<semaphore_mem>>) src(%dma_wait3A_919 : memref<4736xf32, #tpu.memory_space<vmem>>) dst(%dma_wait3A_917 : memref<4736xf32, #tpu.memory_space<hbm>>)
    } else {
    }
    return
  }
}

module attributes {stable_mosaic.version = 14 : i64} {
  func.func @_combine_body(%arg0: memref<2x1000x1000xf32, #tpu.memory_space<vmem>>, %arg1: memref<1000x1000xf32, #tpu.memory_space<vmem>>) attributes {dimension_semantics = [], scalar_prefetch = 0 : i64, scratch_operands = 0 : i64, tpu.core_type = #tpu.core_type<tc>} {
    %get3A = arith.constant 0 : index
    %get3A_0 = arith.constant 0 : index
    %get3A_1 = arith.constant 0 : index
    %get3A_2 = vector.load %arg0[%get3A, %get3A_0, %get3A_1] : memref<2x1000x1000xf32, #tpu.memory_space<vmem>>, vector<1x1000x1000xf32>
    %get3A_3 = vector.shape_cast %get3A_2 : vector<1x1000x1000xf32> to vector<1000x1000xf32>
    %get3A_4 = arith.constant 1 : index
    %get3A_5 = arith.constant 0 : index
    %get3A_6 = arith.constant 0 : index
    %get3A_7 = vector.load %arg0[%get3A_4, %get3A_5, %get3A_6] : memref<2x1000x1000xf32, #tpu.memory_space<vmem>>, vector<1x1000x1000xf32>
    %get3A_8 = vector.shape_cast %get3A_7 : vector<1x1000x1000xf32> to vector<1000x1000xf32>
    %add3A = arith.addf %get3A_3, %get3A_8 : vector<1000x1000xf32>
    %swap3A = arith.constant 0 : index
    %swap3A_9 = arith.constant 0 : index
    %swap3A_10 = vector.load %arg1[%swap3A, %swap3A_9] : memref<1000x1000xf32, #tpu.memory_space<vmem>>, vector<1000x1000xf32>
    tpu.vector_store %arg1[%swap3A, %swap3A_9], %add3A {strides = array<i32>} : memref<1000x1000xf32, #tpu.memory_space<vmem>>, vector<1000x1000xf32>,
    return
  }
}

</mosaic_0001>

<sc_bundles>
// kernel: kernel.4.cloned.1.call-start
scs
__scs_entry_jumppad:
0x0: {  	(pc) =	sbr.rel $0x88, $3  }
0x1: {  	(tag) =	ssettag $0x0;
	lr =	simm.s32 $0x1  }
0x2: {  	[smem:$0x3F9F] =	sst lr;
	_ =	strace $0xD0000000  }
0x3: {  	_ = 	snop  }
0x4: {  	_ = 	snop  }
0x5: {  	_ = 	snop  }
0x6: {  	_ = 	snop  }
0x7: {  	_ = 	snop  }
__scs_overlays_trampoline_lowered:
0x8: {  	[smem:$0x3FAE] =	sst s0  }
0x9: {  	[smem:$0x3FAF] =	sst s1  }
0xa: {  	[smem:$0x3FB0] =	sst s2  }
0xb: {  	[smem:$0x3FB1] =	sst s3  }
0xc: {  	[smem:$0x3FB2] =	sst s4  }
0xd: {  	[smem:$0x3FB3] =	sst s5  }
0xe: {  	[smem:$0x3FB4] =	sst s6  }
0xf: {  	[smem:$0x3FB5] =	sst s7  }
0x10: {  	[smem:$0x3FB6] =	sst s8  }
0x11: {  	[smem:$0x3FB7] =	sst s9;
	s0 =	simm.s32 @!p0 $0x0  }
0x12: {  	s1 =	sld [smem:$0x3F9D];
	s0 =	simm.s32 @p0 $0x1  }
0x13: {  	[smem:$0x3FB8] =	sst s0;
	s0 =	simm.s32 @!p1 $0x0  }
0x14: {  	s2 =	sld [smem:$0x3F9C];
	s0 =	simm.s32 @p1 $0x1  }
0x15: {  	[smem:$0x3FB9] =	sst s0;
	s0 =	simm.s32 @!p2 $0x0  }
0x16: {  	s3 =	sld [smem:$0x3FDB];
	s0 =	simm.s32 @p2 $0x1  }
0x17: {  	s4 =	simm.s32 $0x1BF5;
	[smem:$0x3FBB] =	sst s0  }
0x18: {  	s0 =	sld [smem:$0x3F9E];
	_ =	swait.ge [sflag:s4], $0x0  }
0x19: {  	s7 =	sld [smem:$0x3F9F]  }
0x1a: {  	s8 =	sadd.s32 $0xFFFFE003, lr  }
0x1b: {  	s9 =	sadd.s32 $0xFFFFFEF7, lr;
	s5 =	simm.s32 $0xFFFFFFFF;
	p2 =	slt.u32 s8, $0xFFFFF086  }
0x1c: {  	p1 =	slt.u32 s9, $0xF7A;
	s5 =	simm.s32 @!p2 $0x0  }
0x1d: {  	s5 =	simm.s32 @p1 $0x1;
	p0 =	seq.s32 s7, s2  }
0x1e: {  	s7 =	smul.u32 @!p0 $0xF7A, s2;
	p2 =	seq.s32 @!p0 s5, $0x0  }
0x1f: {  	s9 =	smul.u32 $0xF7A, s1;
	s8 =	simm.s32 @!p0 $0x1BF5;
	p2 =	por !p2, p0  }
0x20: {  	[sflag:s8] =	ssyncset.s32 @!p0 $0xFFFFF086;
	s6 =	sadd.s32 @!p0 s3, s7;
	s7 =	simm.s32 @!p0 $0x108  }
0x21: {  	s3 =	sadd.s32 s3, s9;
	s6 =	sadd.s32 @!p0 $0x88, s6;
	s7 =	simm.s32 @p2 $0x1082  }
0x22: {  	[simem:s7], [sflag:s8] =	dma.local @!p0 [hbm:s6], $0xF7A  }
0x23: {  	s9 =	sor.u32 $0xD0000000, s2;
	s6 =	simm.s32 $0x108;
	_ =	swait.ge @!p0 [sflag:s8], $0x0  }
0x24: {  	s3 =	sadd.s32 $0x88, s3;
	s6 =	simm.s32 @!p1 $0x1082;
	[sflag:s4] =	ssyncset.s32 $0xFFFFF086  }
0x25: {  	[simem:s6], [sflag:s4] =	dma.local [hbm:s3], $0xF7A  }
0x26: {  	[smem:$0x3F9F] =	sst s1;
	(tag) =	ssettag s2;
	_ =	strace s9  }
0x27: {  	s1 =	sld [smem:$0x3FAF]  }
0x28: {  	s2 =	sld [smem:$0x3FB0]  }
0x29: {  	s4 =	sld [smem:$0x3FB2]  }
0x2a: {  	p0 =	seq.s32 s5, $0x0;
	s5 =	sld [smem:$0x3FB3]  }
0x2b: {  	s6 =	sld [smem:$0x3FB4]  }
0x2c: {  	s7 =	sld [smem:$0x3FB5]  }
0x2d: {  	s3 =	simm.s32 $0x108;
	s8 =	sld [smem:$0x3FB6]  }
0x2e: {  	s3 =	simm.s32 @!p0 $0x1082;
	s9 =	sld [smem:$0x3FB7]  }
0x2f: {  	lr =	sadd.s32 s0, s3;
	s0 =	sld [smem:$0x3FAE]  }
0x30: {  	s3 =	sld [smem:$0x3FB1]  }
0x31: {  	[smem:$0x3FBA] =	sst s10  }
0x32: {  	s10 =	sld [smem:$0x3FB8];
	_ =	sdelay $0x3  }
0x33: {  	p0 =	seq.s32 s10, $0x1;
	s10 =	sld [smem:$0x3FBA];
	_ =	sdelay $0x3  }
0x34: {  	[smem:$0x3FBA] =	sst s10  }
0x35: {  	s10 =	sld [smem:$0x3FB9];
	_ =	sdelay $0x3  }
0x36: {  	p1 =	seq.s32 s10, $0x1;
	s10 =	sld [smem:$0x3FBA];
	_ =	sdelay $0x3  }
0x37: {  	[smem:$0x3FBA] =	sst s10  }
0x38: {  	s10 =	sld [smem:$0x3FBB]  }
0x39: {  	_ = 	snop;
	(pc) =	sbr.ind lr, $3  }
0x3a: {  	_ = 	snop  }
0x3b: {  	_ = 	snop  }
0x3c: {  	p2 =	seq.s32 s10, $0x1;
	s10 =	sld [smem:$0x3FBA]  }
0x3d: {  	_ =	shalt  }
0x3e: {  	_ =	shalt  }
0x3f: {  	_ =	shalt  }
0x40: {  	_ =	shalt  }
0x41: {  	_ =	shalt  }
0x42: {  	_ =	shalt  }
0x43: {  	_ =	shalt  }
0x44: {  	_ =	shalt  }
0x45: {  	_ =	shalt  }
0x46: {  	_ =	shalt  }
0x47: {  	_ =	shalt  }
0x48: {  	_ =	shalt  }
0x49: {  	_ =	shalt  }
0x4a: {  	_ =	shalt  }
0x4b: {  	_ =	shalt  }
0x4c: {  	_ =	shalt  }
0x4d: {  	_ =	shalt  }
0x4e: {  	_ =	shalt  }
0x4f: {  	_ =	shalt  }
0x50: {  	_ =	shalt  }
0x51: {  	_ =	shalt  }
0x52: {  	_ =	shalt  }
0x53: {  	_ =	shalt  }
0x54: {  	_ =	shalt  }
0x55: {  	_ =	shalt  }
0x56: {  	_ =	shalt  }
0x57: {  	_ =	shalt  }
0x58: {  	_ =	shalt  }
0x59: {  	_ =	shalt  }
0x5a: {  	_ =	shalt  }
0x5b: {  	_ =	shalt  }
0x5c: {  	_ =	shalt  }
0x5d: {  	_ =	shalt  }
0x5e: {  	_ =	shalt  }
0x5f: {  	_ =	shalt  }
0x60: {  	_ =	shalt  }
0x61: {  	_ =	shalt  }
0x62: {  	_ =	shalt  }
0x63: {  	_ =	shalt  }
0x64: {  	_ =	shalt  }
0x65: {  	_ =	shalt  }
0x66: {  	_ =	shalt  }
0x67: {  	_ =	shalt  }
0x68: {  	_ =	shalt  }
0x69: {  	_ =	shalt  }
0x6a: {  	_ =	shalt  }
0x6b: {  	_ =	shalt  }
0x6c: {  	_ =	shalt  }
0x6d: {  	_ =	shalt  }
0x6e: {  	_ =	shalt  }
0x6f: {  	_ =	shalt  }
0x70: {  	_ =	shalt  }
0x71: {  	_ =	shalt  }
0x72: {  	_ =	shalt  }
0x73: {  	_ =	shalt  }
0x74: {  	_ =	shalt  }
0x75: {  	_ =	shalt  }
0x76: {  	_ =	shalt  }
0x77: {  	_ =	shalt  }
0x78: {  	_ =	shalt  }
0x79: {  	_ =	shalt  }
0x7a: {  	_ =	shalt  }
0x7b: {  	_ =	shalt  }
0x7c: {  	_ =	shalt  }
0x7d: {  	_ =	shalt  }
0x7e: {  	_ =	shalt  }
0x7f: {  	_ =	shalt  }
0x80: {  	_ =	shalt  }
0x81: {  	_ =	shalt  }
0x82: {  	_ =	shalt  }
0x83: {  	_ =	shalt  }
0x84: {  	_ =	shalt  }
0x85: {  	_ =	shalt  }
0x86: {  	_ =	shalt  }
0x87: {  	_ =	shalt  }
.Lfunc_end0:
.L_simem_size_0:
called_computation_lowered:
.L_overlay_start_0:
0x88: {  	s2 =	sld [smem:$0x3FD9]  }
0x89: {  	s3 =	sld [smem:$0x3FFE];
	_ =	sdelay $0x1  }
0x8a: {  	s1 =	srdreg.scid  }
0x8b: {  	s0 =	sand.u32 $0x1, s1  }
0x8c: {  	s17 =	sshll.u32 s0, $0xA;
	s2 =	sadd.s32 s3, s2  }
0x8d: {  	s2 =	sadd.s32 s2, s17  }
0x8e: {  	[smem:$0x3FC6] =	sst s2  }
0x8f: {  	_ = 	snop  }
0x90: {  	s2 =	sld [smem:$0x3FC9]  }
0x91: {  	s18 =	sld [smem:$0x3FC8];
	(tm) =	ssettm $0x1  }
0x92: {  	s4 =	sld [smem:$0x3FFB];
	_ =	sdelay $0x3  }
0x93: {  	_ =	strace s4  }
0x94: {  	s4 =	sld [smem:$0x3FFC];
	_ =	sdelay $0x3  }
0x95: {  	_ =	strace s4  }
0x96: {  	s4 =	sld [smem:$0x3FFD];
	_ =	sdelay $0x3  }
0x97: {  	_ =	strace s4  }
0x98: {  	_ =	strace $0x8FFFFFFF  }
0x99: {  	s19 =	sld [smem:$0x3FDB];
	_ =	sdelay $0x1  }
0x9a: {  	s5 =	simm.s32 $_scs_section_size  }
0x9b: {  	s6 =	simm.s32 $_size__tile_overlayer_lowered;
	s7 =	simm.s32 $_tile_overlayer_lowered  }
0x9c: {  	s22 =	simm.s32 $0x1BFF;
	s21 =	sshll.u32 s7, $0x1;
	s4 =	sadd.s32 s5, s19  }
0x9d: {  	s8 =	simm.s32 $0x0;
	s20 =	sshll.u32 s6, $0x1;
	s6 =	sadd.s32 s21, s4  }
0x9e: {  	[timem:s8], [sflag:s22] =	dma.local [hbm:s6], s20  }
0x9f: {  	_ =	swait.ge [sflag:s22], s20  }
0xa0: {  	s5 =	ssub.s32 $0x0, s20;
	[sflag:s22] =	ssyncset.done $0x0  }
0xa1: {  	[sflag:s22] =	ssyncadd.s32 s5;
	_ =	sdelay $0x1  }
0xa2: {  	s23 =	simm.s32 $0x1B8B  }
0xa3: {  	_ =	swait.ge [sflag:s23], $0x1  }
0xa4: {  	[sflag:s23] =	ssyncset.done $0x0  }
0xa5: {  	s25 =	simm.s32 $0x1B8E;
	s24 =	sld [smem:$0x3FFE];
	[sflag:s23] =	ssyncadd.s32 $0xFFFFFFFF  }
0xa6: {  	s26 =	simm.s32 $execute0_lowered;
	[smem:$0x3FD2] =	sst s25  }
0xa7: {  	s6 =	sshll.u32 s26, $0x1;
	_ =	strace $0x80000046;
	[dreg:$0x1] =	wrdreg $0xFFFFFFFF  }
0xa8: {  	s28 =	simm.s32 $_size_execute0_lowered;
	s4 =	sadd.s32 s4, s6;
	[dreg:$0x0] =	wrdreg $0x0  }
0xa9: {  	s6 =	sshll.u32 s28, $0x1;
	[dreg:$0x2] =	wrdreg s4  }
0xaa: {  	[dreg:$0x3] =	wrdreg s6  }
0xab: {  	[dreg:$0x4] =	wrdreg $0xC0  }
0xac: {  	_ =	task [dreg:s8], $0x5FFFF  }
0xad: {  	[dreg:$0x1] =	wrdreg $0xFFFFFFFF  }
0xae: {  	[dreg:$0x0] =	wrdreg $0x60  }
0xaf: {  	[dreg:$0x2] =	wrdreg s18  }
0xb0: {  	[dreg:$0x3] =	wrdreg s2  }
0xb1: {  	[dreg:$0x4] =	wrdreg s24  }
0xb2: {  	[dreg:$0x5] =	wrdreg $0x0  }
0xb3: {  	[dreg:$0x6] =	wrdreg $0x9  }
0xb4: {  	_ =	task.clear_ibuf [dreg:s8], $0x7FFFF;
	_ =	strace $0x90000046  }
0xb5: {  	s29 =	simm.s32 $0x9;
	_ =	strace $0x80000048  }
0xb6: {  	_ =	swait.ge [sflag:s29], $0x1  }
0xb7: {  	[sflag:s29] =	ssyncadd.s32 $0xFFFFFFFF  }
0xb8: {  	_ =	strace $0x90000048  }
0xb9: {  	_ =	sfence  }
0xba: {  	s30 =	sld [smem:$0x0];
	_ =	sdelay $0x2  }
0xbb: {  	s31 =	sshll.u32 s1, $0xD;
	s1 =	sshrl.u32 s1, $0x2  }
0xbc: {  	s3 =	sand.u32 $0x4000, s31;
	s1 =	sadd.s32 s1, s30  }
0xbd: {  	s0 =	sor.u32 s3, s0;
	s1 =	sshll.u32 s1, $0x11  }
0xbe: {  	s0 =	sor.u32 s1, s0  }
0xbf: {  	s0 =	sadd.s32 $0x8F2B, s0  }
0xc0: {  	[sflag:s0] =	ssyncadd.remote.s32 $0x1  }
0xc1: {  	_ =	sfence.sel $0xFFFF  }
0xc2: {  	[dreg:$0x0] =	wrdreg $0xFFFFFFFF;
	(pc) =	sbr.abs _section_cstart, $3  }
0xc3: {  	[dreg:$0x1] =	wrdreg $0xFFFFFFFF  }
0xc4: {  	_ =	task.clear_ibuf [dreg:s8], $0x2FFFF;
	_ =	strace $0x9FFFFFFF  }
0xc5: {  	(tm) =	ssettm $0x7FFFFFFF  }
tec
execute0_lowered:
.L_overlay_start_1:
0x0: {  	(tag) =	ssettag $0x1  }
0x1: {  	s0 =	rddreg [dreg:$0x0]  }
0x2: {  	s1 =	srdreg.scid;
	s10 =	stileid.u32  }
0x3: {  	s4 =	rddreg [dreg:$0x1];
	s2 =	sand.u32 $0x1, s1;
	s19 =	sshll.u32 s10, $0x1  }
0x4: {  	s7 =	rddreg [dreg:$0x2];
	s3 =	smul.u32 $0xF440, s10;
	s6 =	sor.u32 s2, s19  }
0x5: {  	s28 =	rddreg [dreg:$0x3];
	s8 =	smul.u32 $0x61, s6  }
0x6: {  	s1 =	simm.s32 $0x0;
	s5 =	smul.u32 $0xF4240, s2;
	s9 =	smin.u32 s6, $0x15  }
0x7: {  	[smem:$0x7FF] =	sst s1;
	s8 =	sadd.s32 s9, s8  }
0x8: {  	s2 =	ssub.s32 $0x2, s2;
	s5 =	sadd.s32 s3, s5;
	s8 =	sshll.u32 s8, $0x7  }
0x9: {  	s20 =	sshrl.u32 s2, $0x1;
	s5 =	sshrl.u32 s5, $0x3;
	s21 =	sadd.s32 $0x400, s8  }
0xa: {  	s2 =	ssub.s32 s2, s20;
	s5 =	sadd.s32 s5, s7;
	s22 =	sadd.s32 s0, s21  }
0xb: {  	s23 =	sadd.s32 $0x800, s8;
	s7 =	sadd.s32 s4, s21;
	[dreg:$0x5] =	wrdreg s22  }
0xc: {  	s25 =	sadd.s32 $0xC00, s8;
	s24 =	sadd.s32 s0, s23;
	[dreg:$0x6] =	wrdreg s7  }
0xd: {  	s31 =	sadd.s32 $0x1000, s8;
	s26 =	sadd.s32 s0, s25;
	[dreg:$0x7] =	wrdreg s24  }
0xe: {  	s12 =	sadd.s32 $0x1400, s8;
	s11 =	sadd.s32 s0, s31;
	[dreg:$0x9] =	wrdreg s26  }
0xf: {  	s14 =	sadd.s32 $0x1800, s8;
	s13 =	sadd.s32 s0, s12;
	[dreg:$0xb] =	wrdreg s11  }
0x10: {  	s16 =	sadd.s32 $0x1C00, s8;
	s15 =	sadd.s32 s0, s14;
	[dreg:$0xd] =	wrdreg s13  }
0x11: {  	s18 =	sadd.s32 $0x2000, s8;
	s17 =	sadd.s32 s0, s16;
	[dreg:$0xf] =	wrdreg s15  }
0x12: {  	s20 =	sadd.s32 $0x2400, s8;
	s19 =	sadd.s32 s0, s18;
	[dreg:$0x11] =	wrdreg s17  }
0x13: {  	s21 =	sadd.s32 s0, s20;
	[dreg:$0x13] =	wrdreg s19  }
0x14: {  	s7 =	sadd.s32 s4, s23;
	[dreg:$0x15] =	wrdreg s21  }
0x15: {  	s9 =	sadd.s32 $0x3000, s8;
	s26 =	sadd.s32 s0, s8;
	[dreg:$0x8] =	wrdreg s7  }
0x16: {  	s11 =	sadd.s32 s4, s9;
	[dreg:$0x1b] =	wrdreg s26  }
0x17: {  	s22 =	sadd.s32 $0x2800, s8;
	s7 =	sadd.s32 s4, s25;
	[dreg:$0x1e] =	wrdreg s11  }
0x18: {  	s24 =	sadd.s32 $0x2C00, s8;
	s23 =	sadd.s32 s0, s22;
	[dreg:$0xa] =	wrdreg s7  }
0x19: {  	s25 =	sadd.s32 s0, s24;
	[dreg:$0x17] =	wrdreg s23  }
0x1a: {  	s0 =	sadd.s32 s0, s9;
	[dreg:$0x19] =	wrdreg s25  }
0x1b: {  	s7 =	sadd.s32 s4, s31;
	[dreg:$0x1d] =	wrdreg s0  }
0x1c: {  	s31 =	sadd.s32 s4, s8;
	[dreg:$0xc] =	wrdreg s7  }
0x1d: {  	s7 =	sadd.s32 s4, s12;
	[dreg:$0x1c] =	wrdreg s31  }
0x1e: {  	[dreg:$0xe] =	wrdreg s7;
	s7 =	sadd.s32 s4, s14  }
0x1f: {  	[dreg:$0x10] =	wrdreg s7;
	s7 =	sadd.s32 s4, s16  }
0x20: {  	[dreg:$0x12] =	wrdreg s7;
	s7 =	sadd.s32 s4, s18  }
0x21: {  	[dreg:$0x14] =	wrdreg s7;
	s7 =	sadd.s32 s4, s20  }
0x22: {  	[dreg:$0x16] =	wrdreg s7;
	s7 =	sadd.s32 s4, s22  }
0x23: {  	[dreg:$0x18] =	wrdreg s7;
	s7 =	sadd.s32 s4, s24  }
0x24: {  	s12 =	sadd.s32 $0x400, s5;
	[dreg:$0x1a] =	wrdreg s7  }
0x25: {  	s13 =	sadd.s32 $0x800, s5;
	_ =	strace $0x80000047;
	[dreg:$0x1f] =	wrdreg s12  }
0x26: {  	s14 =	sadd.s32 $0xC00, s5;
	[smem:$0x7EE] =	sst s13  }
0x27: {  	s15 =	sadd.s32 $0x1000, s5;
	[smem:$0x7EF] =	sst s14  }
0x28: {  	s16 =	sadd.s32 $0x1400, s5;
	[smem:$0x7F0] =	sst s15  }
0x29: {  	s17 =	sadd.s32 $0x1800, s5;
	[smem:$0x7F1] =	sst s16  }
0x2a: {  	s18 =	sadd.s32 $0x1C00, s5;
	[smem:$0x7F2] =	sst s17  }
0x2b: {  	s19 =	sadd.s32 $0x2000, s5;
	[smem:$0x7F3] =	sst s18  }
0x2c: {  	s3 =	sadd.s32 s3, s28;
	s20 =	smax.u32 s2, $0x1;
	[smem:$0x7F4] =	sst s19  }
0x2d: {  	s29 =	simm.s32 $0xA;
	s21 =	sadd.s32 $0x2000, s3;
	[smem:$0x7F5] =	sst s20  }
0x2e: {  	s30 =	simm.s32 $0x0;
	s22 =	sadd.s32 $0x4000, s3;
	[smem:$0x7F6] =	sst s21  }
0x2f: {  	p1 =	seq.s32 s10, $0xF;
	s23 =	sadd.s32 $0x6000, s3;
	[smem:$0x7F7] =	sst s22  }
0x30: {  	p0 =	sgt.u32 s6, $0x14;
	s24 =	sadd.s32 $0x8000, s3;
	[smem:$0x7F8] =	sst s23  }
0x31: {  	s26 =	sadd.s32 $0xC000, s3;
	s25 =	sadd.s32 $0xA000, s3;
	[smem:$0x7F9] =	sst s24  }
0x32: {  	s0 =	simm.s32 $0x2;
	s8 =	simm.s32 $0x9;
	[smem:$0x7FA] =	sst s25  }
0x33: {  	s31 =	sadd.s32 $0xE000, s3;
	s5 =	simm.s32 $0x8;
	[smem:$0x7FB] =	sst s26  }
0x34: {  	s2 =	simm.s32 $0x5;
	s4 =	simm.s32 $0x6;
	[smem:$0x7FC] =	sst s3  }
0x35: {  	[smem:$0x7FD] =	sst s31;
	s18 =	simm.s32 $0x11440;
	s20 =	simm.s32 $0x15440  }
0x36: {  	s22 =	simm.s32 $0x19440;
	s23 =	simm.s32 $0x7;
	s25 =	simm.s32 $0x1  }
0x37: {  	v0 =	vimm.f32 $0.0e+00;
	s26 =	simm.s32 $0x4;
	s24 =	simm.s32 $0x2000;
	s3 =	simm.s32 $0x3  }
.LBB2_1:
0x38: {  	s6 =	simm.s32 $0x0;
	s7 =	simm.s32 $0x200  }
.LBB2_2:
0x39: {  	p2 =	sne.s32 s7, $0x7E00;
	[tilespmem:s6+$0x1CCB0] =	vst v0  }
0x3a: {  	[tilespmem:s6+$0x1CC40] =	vst v0  }
0x3b: {  	[tilespmem:s6+$0x1CC50] =	vst v0  }
.Ltmp0:
0x3c: {  	[tilespmem:s6+$0x1CC60] =	vst v0;
	(pc) =	sbr.rel @p2 .LBB2_2-.Ltmp0, $4  }
0x3d: {  	[tilespmem:s6+$0x1CC70] =	vst v0  }
0x3e: {  	[tilespmem:s6+$0x1CC80] =	vst v0  }
0x3f: {  	[tilespmem:s6+$0x1CC90] =	vst v0  }
0x40: {  	[tilespmem:s6+$0x1CCA0] =	vst v0;
	s6 =	sshra.s32 s7, $0x2;
	s7 =	sadd.s32 $0x200, s7  }
0x41: {  	[tilespmem:s6+$0x1CCB0] =	vst v0  }
0x42: {  	[tilespmem:s6+$0x1CC40] =	vst v0  }
0x43: {  	[tilespmem:s6+$0x1CC50] =	vst v0  }
0x44: {  	[tilespmem:s6+$0x1CC60] =	vst v0  }
0x45: {  	[tilespmem:s6+$0x1CC70] =	vst v0  }
0x46: {  	[tilespmem:s6+$0x1CC80] =	vst v0;
	s15 =	sld [smem:$0x7FC]  }
0x47: {  	[tilespmem:s6+$0x1CC90] =	vst v0  }
0x48: {  	[tilespmem:s6+$0x1CCA0] =	vst v0;
	s11 =	simm.s32 $0x1CC40;
	s13 =	sld [smem:$0x7F6]  }
0x49: {  	[spmem:s15] =	stream.linear.scatter [tilespmem:s11], [sflag:$0x7], $0x2000, $0x38;
	[tilespmem:$0x1EC40] =	vst v63  }
0x4a: {  	s14 =	sld [smem:$0x7F7]  }
0x4b: {  	[spmem:s13] =	stream.linear.scatter [tilespmem:s11], [sflag:$0x7], $0x2000, $0x38;
	[tilespmem:$0x1EC40] =	vst v63  }
0x4c: {  	s31 =	sld [smem:$0x7F8]  }
0x4d: {  	[spmem:s14] =	stream.linear.scatter [tilespmem:s11], [sflag:$0x7], $0x2000, $0x38;
	[tilespmem:$0x1EC40] =	vst v63  }
0x4e: {  	s16 =	sld [smem:$0x7F9]  }
0x4f: {  	[spmem:s31] =	stream.linear.scatter [tilespmem:s11], [sflag:$0x7], $0x2000, $0x38;
	[tilespmem:$0x1EC40] =	vst v63  }
0x50: {  	s17 =	sld [smem:$0x7FA]  }
0x51: {  	[spmem:s16] =	stream.linear.scatter [tilespmem:s11], [sflag:$0x7], $0x2000, $0x38;
	[tilespmem:$0x1EC40] =	vst v63  }
0x52: {  	s19 =	sld [smem:$0x7FB]  }
0x53: {  	[spmem:s17] =	stream.linear.scatter [tilespmem:s11], [sflag:$0x7], $0x2000, $0x38;
	[tilespmem:$0x1EC40] =	vst v63  }
0x54: {  	s21 =	sld [smem:$0x7FD]  }
0x55: {  	[spmem:s19] =	stream.linear.scatter [tilespmem:s11], [sflag:$0x7], $0x2000, $0x38;
	[tilespmem:$0x1EC40] =	vst v63  }
0x56: {  	_ = 	snop  }
0x57: {  	[spmem:s21] =	stream.linear.scatter [tilespmem:s11], [sflag:$0x7], $0x1440, $0x38;
	[tilespmem:$0x1EC40] =	vst v63  }
0x58: {  	s12 =	rddreg [dreg:$0x1b];
	s7 =	simm.s32 $0xF440  }
0x59: {  	[tilespmem:s7], [sflag:$0x1] =	stream.linear.gather [hbm4b:s12+s1], $0x2000, $0x38;
	[tilespmem:$0x1EC40] =	vst v63  }
0x5a: {  	s9 =	rddreg [dreg:$0x1c]  }
0x5b: {  	[tilespmem:s18], [sflag:$0x4] =	stream.linear.gather [hbm4b:s9+s1], $0x2000, $0x38;
	[tilespmem:$0x1EC40] =	vst v63  }
0x5c: {  	s10 =	rddreg [dreg:$0x5];
	s9 =	simm.s32 $0x13440  }
0x5d: {  	[tilespmem:s9], [sflag:$0x2] =	stream.linear.gather [hbm4b:s10+s1], $0x2000, $0x38;
	[tilespmem:$0x1EC40] =	vst v63  }
0x5e: {  	s11 =	rddreg [dreg:$0x6]  }
0x5f: {  	[tilespmem:s20], [sflag:$0x5] =	stream.linear.gather [hbm4b:s11+s1], $0x2000, $0x38;
	[tilespmem:$0x1EC40] =	vst v63  }
0x60: {  	s12 =	rddreg [dreg:$0x7];
	s10 =	simm.s32 $0x17440  }
0x61: {  	[tilespmem:s10], [sflag:$0x3] =	stream.linear.gather [hbm4b:s12+s1], $0x2000, $0x38;
	[tilespmem:$0x1EC40] =	vst v63  }
0x62: {  	s11 =	rddreg [dreg:$0x8]  }
0x63: {  	[tilespmem:s22], [sflag:$0x6] =	stream.linear.gather [hbm4b:s11+s1], $0x2000, $0x38;
	[tilespmem:$0x1EC40] =	vst v63  }
0x64: {  	_ =	swait.ge [sflag:s23], $0x2000  }
0x65: {  	[sflag:s23] =	ssyncset.done $0x0  }
0x66: {  	[sflag:s23] =	ssyncadd.s32 $0xFFFFE000  }
0x67: {  	_ =	swait.ge [sflag:s23], $0x2000  }
0x68: {  	[sflag:s23] =	ssyncset.done $0x0  }
0x69: {  	[sflag:s23] =	ssyncadd.s32 $0xFFFFE000  }
0x6a: {  	_ =	swait.ge [sflag:s23], $0x2000  }
0x6b: {  	[sflag:s23] =	ssyncset.done $0x0  }
0x6c: {  	[sflag:s23] =	ssyncadd.s32 $0xFFFFE000  }
0x6d: {  	_ =	swait.ge [sflag:s23], $0x2000  }
0x6e: {  	[sflag:s23] =	ssyncset.done $0x0  }
0x6f: {  	[sflag:s23] =	ssyncadd.s32 $0xFFFFE000  }
0x70: {  	_ =	swait.ge [sflag:s23], $0x2000  }
0x71: {  	[sflag:s23] =	ssyncset.done $0x0  }
0x72: {  	[sflag:s23] =	ssyncadd.s32 $0xFFFFE000  }
0x73: {  	_ =	swait.ge [sflag:s23], $0x2000  }
0x74: {  	[sflag:s23] =	ssyncset.done $0x0  }
0x75: {  	[sflag:s23] =	ssyncadd.s32 $0xFFFFE000  }
0x76: {  	_ =	swait.ge [sflag:s23], $0x2000  }
0x77: {  	[sflag:s23] =	ssyncset.done $0x0  }
0x78: {  	[sflag:s23] =	ssyncadd.s32 $0xFFFFE000  }
0x79: {  	_ =	swait.ge [sflag:s23], $0x1440  }
0x7a: {  	[sflag:s23] =	ssyncset.done $0x0  }
0x7b: {  	[sflag:s23] =	ssyncadd.s32 $0xFFFFEBC0  }
0x7c: {  	[bflag:$0x0] =	sbarrier.arrive $0xFFFF  }
0x7d: {  	_ =	swait.ge [sflag:s25], $0x2000  }
0x7e: {  	[sflag:s25] =	ssyncset.done $0x0  }
0x7f: {  	[sflag:s25] =	ssyncadd.s32 $0xFFFFE000  }
0x80: {  	_ =	swait.ge [sflag:s26], $0x2000  }
0x81: {  	[sflag:s26] =	ssyncset.done $0x0  }
0x82: {  	[sflag:s26] =	ssyncadd.s32 $0xFFFFE000  }
0x83: {  	[spmem:s28] =	stream.indirect.scatter.add.f32 [tilespmem:s18], [sflag:$0x8], $0x1, s7, s24, $0xb8;
	[tilespmem:$0x1EC40] =	vst v63  }
0x84: {  	_ =	swait.ge [sflag:s0], $0x2000  }
0x85: {  	[sflag:s0] =	ssyncset.done $0x0  }
0x86: {  	[sflag:s0] =	ssyncadd.s32 $0xFFFFE000  }
0x87: {  	_ =	swait.ge [sflag:s2], $0x2000  }
0x88: {  	[sflag:s2] =	ssyncset.done $0x0  }
0x89: {  	[sflag:s2] =	ssyncadd.s32 $0xFFFFE000  }
0x8a: {  	[spmem:s28] =	stream.indirect.scatter.add.f32 [tilespmem:s20], [sflag:$0x9], $0x1, s9, s24, $0xb8;
	[tilespmem:$0x1EC40] =	vst v63  }
0x8b: {  	_ =	swait.ge [sflag:s3], $0x2000  }
0x8c: {  	[sflag:s3] =	ssyncset.done $0x0  }
0x8d: {  	[sflag:s3] =	ssyncadd.s32 $0xFFFFE000  }
0x8e: {  	_ =	swait.ge [sflag:s4], $0x2000  }
0x8f: {  	[sflag:s4] =	ssyncset.done $0x0  }
0x90: {  	[sflag:s4] =	ssyncadd.s32 $0xFFFFE000  }
0x91: {  	[spmem:s28] =	stream.indirect.scatter.add.f32 [tilespmem:s22], [sflag:$0xA], $0x1, s10, s24, $0xb8;
	[tilespmem:$0x1EC40] =	vst v63  }
0x92: {  	_ =	swait.ge [sflag:s5], $0x2000  }
0x93: {  	[sflag:s5] =	ssyncset.done $0x0  }
0x94: {  	s12 =	rddreg [dreg:$0x9];
	[sflag:s5] =	ssyncadd.s32 $0xFFFFE000  }
0x95: {  	[tilespmem:s7], [sflag:$0x1] =	stream.linear.gather [hbm4b:s12+s1], $0x2000, $0x38;
	[tilespmem:$0x1EC40] =	vst v63  }
0x96: {  	s11 =	rddreg [dreg:$0xa]  }
0x97: {  	[tilespmem:s18], [sflag:$0x4] =	stream.linear.gather [hbm4b:s11+s1], $0x2000, $0x38;
	[tilespmem:$0x1EC40] =	vst v63  }
0x98: {  	_ =	swait.ge [sflag:s25], $0x2000  }
0x99: {  	[sflag:s25] =	ssyncset.done $0x0  }
0x9a: {  	[sflag:s25] =	ssyncadd.s32 $0xFFFFE000  }
0x9b: {  	_ =	swait.ge [sflag:s26], $0x2000  }
0x9c: {  	[sflag:s26] =	ssyncset.done $0x0  }
0x9d: {  	[sflag:s26] =	ssyncadd.s32 $0xFFFFE000  }
0x9e: {  	[spmem:s28] =	stream.indirect.scatter.add.f32 [tilespmem:s18], [sflag:$0x8], $0x1, s7, s24, $0xb8;
	[tilespmem:$0x1EC40] =	vst v63  }
0x9f: {  	_ =	swait.ge [sflag:s8], $0x2000  }
0xa0: {  	[sflag:s8] =	ssyncset.done $0x0  }
0xa1: {  	s12 =	rddreg [dreg:$0xb];
	[sflag:s8] =	ssyncadd.s32 $0xFFFFE000  }
0xa2: {  	[tilespmem:s9], [sflag:$0x2] =	stream.linear.gather [hbm4b:s12+s1], $0x2000, $0x38;
	[tilespmem:$0x1EC40] =	vst v63  }
0xa3: {  	s11 =	rddreg [dreg:$0xc]  }
0xa4: {  	[tilespmem:s20], [sflag:$0x5] =	stream.linear.gather [hbm4b:s11+s1], $0x2000, $0x38;
	[tilespmem:$0x1EC40] =	vst v63  }
0xa5: {  	_ =	swait.ge [sflag:s0], $0x2000  }
0xa6: {  	[sflag:s0] =	ssyncset.done $0x0  }
0xa7: {  	[sflag:s0] =	ssyncadd.s32 $0xFFFFE000  }
0xa8: {  	_ =	swait.ge [sflag:s2], $0x2000  }
0xa9: {  	[sflag:s2] =	ssyncset.done $0x0  }
0xaa: {  	[sflag:s2] =	ssyncadd.s32 $0xFFFFE000  }
0xab: {  	[spmem:s28] =	stream.indirect.scatter.add.f32 [tilespmem:s20], [sflag:$0x9], $0x1, s9, s24, $0xb8;
	[tilespmem:$0x1EC40] =	vst v63  }
0xac: {  	_ =	swait.ge [sflag:s29], $0x2000  }
0xad: {  	[sflag:s29] =	ssyncset.done $0x0  }
0xae: {  	s12 =	rddreg [dreg:$0xd];
	[sflag:s29] =	ssyncadd.s32 $0xFFFFE000  }
0xaf: {  	[tilespmem:s10], [sflag:$0x3] =	stream.linear.gather [hbm4b:s12+s1], $0x2000, $0x38;
	[tilespmem:$0x1EC40] =	vst v63  }
0xb0: {  	s11 =	rddreg [dreg:$0xe]  }
0xb1: {  	[tilespmem:s22], [sflag:$0x6] =	stream.linear.gather [hbm4b:s11+s1], $0x2000, $0x38;
	[tilespmem:$0x1EC40] =	vst v63  }
0xb2: {  	_ =	swait.ge [sflag:s3], $0x2000  }
0xb3: {  	[sflag:s3] =	ssyncset.done $0x0  }
0xb4: {  	[sflag:s3] =	ssyncadd.s32 $0xFFFFE000  }
0xb5: {  	_ =	swait.ge [sflag:s4], $0x2000  }
0xb6: {  	[sflag:s4] =	ssyncset.done $0x0  }
0xb7: {  	[sflag:s4] =	ssyncadd.s32 $0xFFFFE000  }
0xb8: {  	[spmem:s28] =	stream.indirect.scatter.add.f32 [tilespmem:s22], [sflag:$0xA], $0x1, s10, s24, $0xb8;
	[tilespmem:$0x1EC40] =	vst v63  }
0xb9: {  	_ =	swait.ge [sflag:s5], $0x2000  }
0xba: {  	[sflag:s5] =	ssyncset.done $0x0  }
0xbb: {  	s12 =	rddreg [dreg:$0xf];
	[sflag:s5] =	ssyncadd.s32 $0xFFFFE000  }
0xbc: {  	[tilespmem:s7], [sflag:$0x1] =	stream.linear.gather [hbm4b:s12+s1], $0x2000, $0x38;
	[tilespmem:$0x1EC40] =	vst v63  }
0xbd: {  	s11 =	rddreg [dreg:$0x10]  }
0xbe: {  	[tilespmem:s18], [sflag:$0x4] =	stream.linear.gather [hbm4b:s11+s1], $0x2000, $0x38;
	[tilespmem:$0x1EC40] =	vst v63  }
0xbf: {  	_ =	swait.ge [sflag:s25], $0x2000  }
0xc0: {  	[sflag:s25] =	ssyncset.done $0x0  }
0xc1: {  	[sflag:s25] =	ssyncadd.s32 $0xFFFFE000  }
0xc2: {  	_ =	swait.ge [sflag:s26], $0x2000  }
0xc3: {  	[sflag:s26] =	ssyncset.done $0x0  }
0xc4: {  	[sflag:s26] =	ssyncadd.s32 $0xFFFFE000  }
0xc5: {  	[spmem:s28] =	stream.indirect.scatter.add.f32 [tilespmem:s18], [sflag:$0x8], $0x1, s7, s24, $0xb8;
	[tilespmem:$0x1EC40] =	vst v63  }
0xc6: {  	_ =	swait.ge [sflag:s8], $0x2000  }
0xc7: {  	[sflag:s8] =	ssyncset.done $0x0  }
0xc8: {  	s12 =	rddreg [dreg:$0x11];
	[sflag:s8] =	ssyncadd.s32 $0xFFFFE000  }
0xc9: {  	[tilespmem:s9], [sflag:$0x2] =	stream.linear.gather [hbm4b:s12+s1], $0x2000, $0x38;
	[tilespmem:$0x1EC40] =	vst v63  }
0xca: {  	s11 =	rddreg [dreg:$0x12]  }
0xcb: {  	[tilespmem:s20], [sflag:$0x5] =	stream.linear.gather [hbm4b:s11+s1], $0x2000, $0x38;
	[tilespmem:$0x1EC40] =	vst v63  }
0xcc: {  	_ =	swait.ge [sflag:s0], $0x2000  }
0xcd: {  	[sflag:s0] =	ssyncset.done $0x0  }
0xce: {  	[sflag:s0] =	ssyncadd.s32 $0xFFFFE000  }
0xcf: {  	_ =	swait.ge [sflag:s2], $0x2000  }
0xd0: {  	[sflag:s2] =	ssyncset.done $0x0  }
0xd1: {  	[sflag:s2] =	ssyncadd.s32 $0xFFFFE000  }
0xd2: {  	[spmem:s28] =	stream.indirect.scatter.add.f32 [tilespmem:s20], [sflag:$0x9], $0x1, s9, s24, $0xb8;
	[tilespmem:$0x1EC40] =	vst v63  }
0xd3: {  	_ =	swait.ge [sflag:s29], $0x2000  }
0xd4: {  	[sflag:s29] =	ssyncset.done $0x0  }
0xd5: {  	s12 =	rddreg [dreg:$0x13];
	[sflag:s29] =	ssyncadd.s32 $0xFFFFE000  }
0xd6: {  	[tilespmem:s10], [sflag:$0x3] =	stream.linear.gather [hbm4b:s12+s1], $0x2000, $0x38;
	[tilespmem:$0x1EC40] =	vst v63  }
0xd7: {  	s11 =	rddreg [dreg:$0x14]  }
0xd8: {  	[tilespmem:s22], [sflag:$0x6] =	stream.linear.gather [hbm4b:s11+s1], $0x2000, $0x38;
	[tilespmem:$0x1EC40] =	vst v63  }
0xd9: {  	_ =	swait.ge [sflag:s3], $0x2000  }
0xda: {  	[sflag:s3] =	ssyncset.done $0x0  }
0xdb: {  	[sflag:s3] =	ssyncadd.s32 $0xFFFFE000  }
0xdc: {  	_ =	swait.ge [sflag:s4], $0x2000  }
0xdd: {  	[sflag:s4] =	ssyncset.done $0x0  }
0xde: {  	[sflag:s4] =	ssyncadd.s32 $0xFFFFE000  }
0xdf: {  	[spmem:s28] =	stream.indirect.scatter.add.f32 [tilespmem:s22], [sflag:$0xA], $0x1, s10, s24, $0xb8;
	[tilespmem:$0x1EC40] =	vst v63  }
0xe0: {  	_ =	swait.ge [sflag:s5], $0x2000  }
0xe1: {  	[sflag:s5] =	ssyncset.done $0x0  }
0xe2: {  	s12 =	rddreg [dreg:$0x15];
	[sflag:s5] =	ssyncadd.s32 $0xFFFFE000  }
0xe3: {  	[tilespmem:s7], [sflag:$0x1] =	stream.linear.gather [hbm4b:s12+s1], $0x2000, $0x38;
	[tilespmem:$0x1EC40] =	vst v63  }
0xe4: {  	s11 =	rddreg [dreg:$0x16]  }
0xe5: {  	[tilespmem:s18], [sflag:$0x4] =	stream.linear.gather [hbm4b:s11+s1], $0x2000, $0x38;
	[tilespmem:$0x1EC40] =	vst v63  }
0xe6: {  	_ =	swait.ge [sflag:s25], $0x2000  }
0xe7: {  	[sflag:s25] =	ssyncset.done $0x0  }
0xe8: {  	[sflag:s25] =	ssyncadd.s32 $0xFFFFE000  }
0xe9: {  	_ =	swait.ge [sflag:s26], $0x2000  }
0xea: {  	[sflag:s26] =	ssyncset.done $0x0  }
0xeb: {  	[sflag:s26] =	ssyncadd.s32 $0xFFFFE000  }
0xec: {  	[spmem:s28] =	stream.indirect.scatter.add.f32 [tilespmem:s18], [sflag:$0x8], $0x1, s7, s24, $0xb8;
	[tilespmem:$0x1EC40] =	vst v63  }
0xed: {  	_ =	swait.ge [sflag:s8], $0x2000  }
0xee: {  	[sflag:s8] =	ssyncset.done $0x0  }
0xef: {  	s12 =	rddreg [dreg:$0x17];
	[sflag:s8] =	ssyncadd.s32 $0xFFFFE000  }
0xf0: {  	[tilespmem:s9], [sflag:$0x2] =	stream.linear.gather [hbm4b:s12+s1], $0x2000, $0x38;
	[tilespmem:$0x1EC40] =	vst v63  }
0xf1: {  	s7 =	rddreg [dreg:$0x18]  }
0xf2: {  	[tilespmem:s20], [sflag:$0x5] =	stream.linear.gather [hbm4b:s7+s1], $0x2000, $0x38;
	[tilespmem:$0x1EC40] =	vst v63  }
0xf3: {  	_ =	swait.ge [sflag:s0], $0x2000  }
0xf4: {  	[sflag:s0] =	ssyncset.done $0x0  }
0xf5: {  	[sflag:s0] =	ssyncadd.s32 $0xFFFFE000  }
0xf6: {  	_ =	swait.ge [sflag:s2], $0x2000  }
0xf7: {  	[sflag:s2] =	ssyncset.done $0x0  }
0xf8: {  	[sflag:s2] =	ssyncadd.s32 $0xFFFFE000  }
0xf9: {  	[spmem:s28] =	stream.indirect.scatter.add.f32 [tilespmem:s20], [sflag:$0x9], $0x1, s9, s24, $0xb8;
	[tilespmem:$0x1EC40] =	vst v63  }
0xfa: {  	_ =	swait.ge [sflag:s29], $0x2000  }
0xfb: {  	[sflag:s29] =	ssyncset.done $0x0  }
0xfc: {  	s11 =	rddreg [dreg:$0x19];
	[sflag:s29] =	ssyncadd.s32 $0xFFFFE000  }
0xfd: {  	[tilespmem:s10], [sflag:$0x3] =	stream.linear.gather [hbm4b:s11+s1], $0x2000, $0x38;
	[tilespmem:$0x1EC40] =	vst v63  }
0xfe: {  	s12 =	rddreg [dreg:$0x1a]  }
0xff: {  	[tilespmem:s22], [sflag:$0x6] =	stream.linear.gather [hbm4b:s12+s1], $0x2000, $0x38;
	[tilespmem:$0x1EC40] =	vst v63  }
0x100: {  	_ =	swait.ge [sflag:s3], $0x2000  }
0x101: {  	[sflag:s3] =	ssyncset.done $0x0  }
0x102: {  	[sflag:s3] =	ssyncadd.s32 $0xFFFFE000  }
0x103: {  	_ =	swait.ge [sflag:s4], $0x2000  }
0x104: {  	[sflag:s4] =	ssyncset.done $0x0  }
0x105: {  	[sflag:s4] =	ssyncadd.s32 $0xFFFFE000  }
0x106: {  	[spmem:s28] =	stream.indirect.scatter.add.f32 [tilespmem:s22], [sflag:$0xA], $0x1, s10, s24, $0xb8;
	[tilespmem:$0x1EC40] =	vst v63  }
0x107: {  	_ =	swait.ge [sflag:s5], $0x2000  }
0x108: {  	[sflag:s5] =	ssyncset.done $0x0  }
0x109: {  	[sflag:s5] =	ssyncadd.s32 $0xFFFFE000  }
0x10a: {  	_ =	swait.ge [sflag:s8], $0x2000  }
0x10b: {  	[sflag:s8] =	ssyncset.done $0x0  }
0x10c: {  	[sflag:s8] =	ssyncadd.s32 $0xFFFFE000  }
0x10d: {  	_ =	swait.ge [sflag:s29], $0x2000  }
0x10e: {  	s6 =	simm.s32 @p0 $0x0;
	s7 =	simm.s32 @p0 $0x1B440;
	[sflag:s29] =	ssyncset.done $0x0  }
0x10f: {  	s9 =	simm.s32 @p0 $0xB;
	s11 =	rddreg [dreg:$0x1d];
	[sflag:s29] =	ssyncadd.s32 $0xFFFFE000  }
0x110: {  	[tilespmem:s7], [sflag:$0xB] =	stream.linear.gather @p0 [hbm4b:s11+s6], $0x400, $0x38;
	[tilespmem:$0x1EC40] =	vst v63  }
0x111: {  	_ =	swait.ge @p0 [sflag:s9], $0x400  }
0x112: {  	[sflag:s9] =	ssyncset.done @p0 $0x0  }
0x113: {  	s10 =	simm.s32 @p0 $0x1B840;
	s12 =	rddreg [dreg:$0x1e];
	[sflag:s9] =	ssyncadd.s32 @p0 $0xFFFFFC00  }
0x114: {  	[tilespmem:s10], [sflag:$0xB] =	stream.linear.gather @p0 [hbm4b:s12+s6], $0x400, $0x38;
	[tilespmem:$0x1EC40] =	vst v63  }
0x115: {  	_ =	swait.ge @p0 [sflag:s9], $0x400  }
0x116: {  	[sflag:s9] =	ssyncset.done @p0 $0x0  }
0x117: {  	s6 =	simm.s32 @p0 $0x400;
	[sflag:s9] =	ssyncadd.s32 @p0 $0xFFFFFC00  }
0x118: {  	[spmem:s28] =	stream.indirect.scatter.add.f32 @p0 [tilespmem:s10], [sflag:$0xB], $0x1, s7, s6, $0xb8;
	[tilespmem:$0x1EC40] =	vst v63  }
0x119: {  	_ =	swait.ge @p0 [sflag:s9], $0x400  }
0x11a: {  	s6 =	simm.s32 @!p0 $0x0;
	[sflag:s9] =	ssyncset.done @p0 $0x0  }
0x11b: {  	s7 =	simm.s32 @!p0 $0x1BC40;
	[sflag:s9] =	ssyncadd.s32 @p0 $0xFFFFFC00;
	s9 =	simm.s32 @!p0 $0xB  }
0x11c: {  	[tilespmem:s7], [sflag:$0xB] =	stream.linear.gather @!p0 [hbm4b:s11+s6], $0x800, $0x38;
	[tilespmem:$0x1EC40] =	vst v63  }
0x11d: {  	_ =	swait.ge @!p0 [sflag:s9], $0x800  }
0x11e: {  	[sflag:s9] =	ssyncset.done @!p0 $0x0  }
0x11f: {  	s10 =	simm.s32 @!p0 $0x1C440;
	[sflag:s9] =	ssyncadd.s32 @!p0 $0xFFFFF800  }
0x120: {  	[tilespmem:s10], [sflag:$0xB] =	stream.linear.gather @!p0 [hbm4b:s12+s6], $0x800, $0x38;
	[tilespmem:$0x1EC40] =	vst v63  }
0x121: {  	_ =	swait.ge @!p0 [sflag:s9], $0x800  }
0x122: {  	[sflag:s9] =	ssyncset.done @!p0 $0x0  }
0x123: {  	s6 =	simm.s32 @!p0 $0x800;
	[sflag:s9] =	ssyncadd.s32 @!p0 $0xFFFFF800  }
0x124: {  	[spmem:s28] =	stream.indirect.scatter.add.f32 @!p0 [tilespmem:s10], [sflag:$0xB], $0x1, s7, s6, $0xb8;
	[tilespmem:$0x1EC40] =	vst v63  }
0x125: {  	_ =	swait.ge @!p0 [sflag:s9], $0x800  }
0x126: {  	[sflag:s9] =	ssyncset.done @!p0 $0x0  }
0x127: {  	[sflag:s9] =	ssyncadd.s32 @!p0 $0xFFFFF800  }
0x128: {  	[bflag:$0x0] =	sbarrier.arrive $0xFFFF  }
0x129: {  	[tilespmem:s18], [sflag:$0x1] =	stream.linear.gather [spmem:s15], $0x2000, $0x38;
	[tilespmem:$0x1EC40] =	vst v63  }
0x12a: {  	_ = 	snop  }
0x12b: {  	[tilespmem:s20], [sflag:$0x2] =	stream.linear.gather [spmem:s13], $0x2000, $0x38;
	[tilespmem:$0x1EC40] =	vst v63  }
0x12c: {  	_ =	swait.ge [sflag:s25], $0x2000  }
0x12d: {  	[sflag:s25] =	ssyncset.done $0x0  }
0x12e: {  	s13 =	rddreg [dreg:$0x1f];
	[sflag:s25] =	ssyncadd.s32 $0xFFFFE000  }
0x12f: {  	[hbm4b:s13+s1] =	stream.linear.scatter [tilespmem:s18], [sflag:$0x8], $0x2000, $0x38;
	[tilespmem:$0x1EC40] =	vst v63  }
0x130: {  	_ =	swait.ge [sflag:s5], $0x2000  }
0x131: {  	[sflag:s5] =	ssyncset.done $0x0  }
0x132: {  	[sflag:s5] =	ssyncadd.s32 $0xFFFFE000  }
0x133: {  	[tilespmem:s18], [sflag:$0x1] =	stream.linear.gather [spmem:s14], $0x2000, $0x38;
	[tilespmem:$0x1EC40] =	vst v63  }
0x134: {  	_ =	swait.ge [sflag:s0], $0x2000  }
0x135: {  	s14 =	sld [smem:$0x7EE]  }
0x136: {  	[sflag:s0] =	ssyncset.done $0x0  }
0x137: {  	[sflag:s0] =	ssyncadd.s32 $0xFFFFE000  }
0x138: {  	[hbm4b:s14+s1] =	stream.linear.scatter [tilespmem:s20], [sflag:$0x9], $0x2000, $0x38;
	[tilespmem:$0x1EC40] =	vst v63  }
0x139: {  	_ =	swait.ge [sflag:s8], $0x2000  }
0x13a: {  	[sflag:s8] =	ssyncset.done $0x0  }
0x13b: {  	[sflag:s8] =	ssyncadd.s32 $0xFFFFE000  }
0x13c: {  	[tilespmem:s20], [sflag:$0x2] =	stream.linear.gather [spmem:s31], $0x2000, $0x38;
	[tilespmem:$0x1EC40] =	vst v63  }
0x13d: {  	_ =	swait.ge [sflag:s25], $0x2000  }
0x13e: {  	s15 =	sld [smem:$0x7EF]  }
0x13f: {  	[sflag:s25] =	ssyncset.done $0x0  }
0x140: {  	[sflag:s25] =	ssyncadd.s32 $0xFFFFE000  }
0x141: {  	[hbm4b:s15+s1] =	stream.linear.scatter [tilespmem:s18], [sflag:$0x8], $0x2000, $0x38;
	[tilespmem:$0x1EC40] =	vst v63  }
0x142: {  	_ =	swait.ge [sflag:s5], $0x2000  }
0x143: {  	[sflag:s5] =	ssyncset.done $0x0  }
0x144: {  	[sflag:s5] =	ssyncadd.s32 $0xFFFFE000  }
0x145: {  	[tilespmem:s18], [sflag:$0x1] =	stream.linear.gather [spmem:s16], $0x2000, $0x38;
	[tilespmem:$0x1EC40] =	vst v63  }
0x146: {  	_ =	swait.ge [sflag:s0], $0x2000  }
0x147: {  	s16 =	sld [smem:$0x7F0]  }
0x148: {  	[sflag:s0] =	ssyncset.done $0x0  }
0x149: {  	[sflag:s0] =	ssyncadd.s32 $0xFFFFE000  }
0x14a: {  	[hbm4b:s16+s1] =	stream.linear.scatter [tilespmem:s20], [sflag:$0x9], $0x2000, $0x38;
	[tilespmem:$0x1EC40] =	vst v63  }
0x14b: {  	_ =	swait.ge [sflag:s8], $0x2000  }
0x14c: {  	[sflag:s8] =	ssyncset.done $0x0  }
0x14d: {  	[sflag:s8] =	ssyncadd.s32 $0xFFFFE000  }
0x14e: {  	[tilespmem:s20], [sflag:$0x2] =	stream.linear.gather [spmem:s17], $0x2000, $0x38;
	[tilespmem:$0x1EC40] =	vst v63  }
0x14f: {  	_ =	swait.ge [sflag:s25], $0x2000  }
0x150: {  	s17 =	sld [smem:$0x7F1]  }
0x151: {  	[sflag:s25] =	ssyncset.done $0x0  }
0x152: {  	[sflag:s25] =	ssyncadd.s32 $0xFFFFE000  }
0x153: {  	[hbm4b:s17+s1] =	stream.linear.scatter [tilespmem:s18], [sflag:$0x8], $0x2000, $0x38;
	[tilespmem:$0x1EC40] =	vst v63  }
0x154: {  	_ =	swait.ge [sflag:s5], $0x2000  }
0x155: {  	[sflag:s5] =	ssyncset.done $0x0  }
0x156: {  	[sflag:s5] =	ssyncadd.s32 $0xFFFFE000  }
0x157: {  	[tilespmem:s18], [sflag:$0x1] =	stream.linear.gather [spmem:s19], $0x2000, $0x38;
	[tilespmem:$0x1EC40] =	vst v63  }
0x158: {  	_ =	swait.ge [sflag:s0], $0x2000  }
0x159: {  	s19 =	sld [smem:$0x7F2]  }
0x15a: {  	[sflag:s0] =	ssyncset.done $0x0  }
0x15b: {  	[sflag:s0] =	ssyncadd.s32 $0xFFFFE000  }
0x15c: {  	[hbm4b:s19+s1] =	stream.linear.scatter [tilespmem:s20], [sflag:$0x9], $0x2000, $0x38;
	[tilespmem:$0x1EC40] =	vst v63  }
0x15d: {  	_ =	swait.ge [sflag:s8], $0x2000  }
0x15e: {  	[sflag:s8] =	ssyncset.done $0x0  }
0x15f: {  	s6 =	simm.s32 @p1 $0x15440;
	s7 =	simm.s32 @p1 $0x1;
	[sflag:s8] =	ssyncadd.s32 $0xFFFFE000  }
0x160: {  	[tilespmem:s6], [sflag:$0x2] =	stream.linear.gather @p1 [spmem:s21], $0x1280, $0x38;
	[tilespmem:$0x1EC40] =	vst v63  }
0x161: {  	_ =	swait.ge @p1 [sflag:s7], $0x2000  }
0x162: {  	s10 =	sld [smem:$0x7F3]  }
0x163: {  	[sflag:s7] =	ssyncset.done @p1 $0x0  }
0x164: {  	s9 =	simm.s32 @p1 $0x11440;
	[sflag:s7] =	ssyncadd.s32 @p1 $0xFFFFE000;
	s7 =	simm.s32 @p1 $0x0  }
0x165: {  	[hbm4b:s10+s7] =	stream.linear.scatter @p1 [tilespmem:s9], [sflag:$0x8], $0x2000, $0x38;
	[tilespmem:$0x1EC40] =	vst v63  }
0x166: {  	s9 =	simm.s32 @p1 $0x2  }
0x167: {  	_ =	swait.ge @p1 [sflag:s9], $0x1280  }
0x168: {  	s11 =	sld [smem:$0x7F4]  }
0x169: {  	[sflag:s9] =	ssyncset.done @p1 $0x0  }
0x16a: {  	[sflag:s9] =	ssyncadd.s32 @p1 $0xFFFFED80  }
0x16b: {  	[hbm4b:s11+s7] =	stream.linear.scatter @p1 [tilespmem:s6], [sflag:$0x9], $0x1280, $0x38;
	[tilespmem:$0x1EC40] =	vst v63  }
0x16c: {  	s6 =	simm.s32 @p1 $0x8  }
0x16d: {  	_ =	swait.ge @p1 [sflag:s6], $0x2000  }
0x16e: {  	[sflag:s6] =	ssyncset.done @p1 $0x0  }
0x16f: {  	[sflag:s6] =	ssyncadd.s32 @p1 $0xFFFFE000;
	s6 =	simm.s32 @p1 $0x9  }
0x170: {  	_ =	swait.ge @p1 [sflag:s6], $0x1280  }
0x171: {  	[sflag:s6] =	ssyncset.done @p1 $0x0  }
0x172: {  	s7 =	simm.s32 @!p1 $0x1;
	[sflag:s6] =	ssyncadd.s32 @p1 $0xFFFFED80;
	s6 =	simm.s32 @!p1 $0x15440  }
0x173: {  	[tilespmem:s6], [sflag:$0x2] =	stream.linear.gather @!p1 [spmem:s21], $0x1440, $0x38;
	[tilespmem:$0x1EC40] =	vst v63  }
0x174: {  	_ =	swait.ge @!p1 [sflag:s7], $0x2000  }
0x175: {  	[sflag:s7] =	ssyncset.done @!p1 $0x0  }
0x176: {  	s9 =	simm.s32 @!p1 $0x11440;
	[sflag:s7] =	ssyncadd.s32 @!p1 $0xFFFFE000;
	s7 =	simm.s32 @!p1 $0x0  }
0x177: {  	[hbm4b:s10+s7] =	stream.linear.scatter @!p1 [tilespmem:s9], [sflag:$0x8], $0x2000, $0x38;
	[tilespmem:$0x1EC40] =	vst v63  }
0x178: {  	s9 =	simm.s32 @!p1 $0x2  }
0x179: {  	_ =	swait.ge @!p1 [sflag:s9], $0x1440  }
0x17a: {  	[sflag:s9] =	ssyncset.done @!p1 $0x0  }
0x17b: {  	[sflag:s9] =	ssyncadd.s32 @!p1 $0xFFFFEBC0  }
0x17c: {  	[hbm4b:s11+s7] =	stream.linear.scatter @!p1 [tilespmem:s6], [sflag:$0x9], $0x1440, $0x38;
	[tilespmem:$0x1EC40] =	vst v63  }
0x17d: {  	s6 =	simm.s32 @!p1 $0x8  }
0x17e: {  	_ =	swait.ge @!p1 [sflag:s6], $0x2000  }
0x17f: {  	[sflag:s6] =	ssyncset.done @!p1 $0x0  }
0x180: {  	[sflag:s6] =	ssyncadd.s32 @!p1 $0xFFFFE000;
	s6 =	simm.s32 @!p1 $0x9  }
0x181: {  	_ =	swait.ge @!p1 [sflag:s6], $0x1440  }
0x182: {  	s31 =	sld [smem:$0x7F5];
	_ =	sdelay $0x1  }
0x183: {  	s30 =	sadd.s32 $0x1, s30  }
0x184: {  	p2 =	sne.s32 s30, s31  }
.Ltmp1:
0x185: {  	_ = 	snop;
	(pc) =	sbr.rel @p2 .LBB2_1-.Ltmp1, $3  }
0x186: {  	_ =	sdelay $0x1  }
0x187: {  	[sflag:s6] =	ssyncset.done @!p1 $0x0  }
0x188: {  	[sflag:s6] =	ssyncadd.s32 @!p1 $0xFFFFEBC0  }
0x189: {  	_ =	sfence.sel $0x180000  }
0x18a: {  	[bflag:$0x0] =	sbarrier.arrive $0xFFFF  }
0x18b: {  	_ =	strace $0x90000047  }
0x18c: {  	s0 =	stileid.u32;
	[bflag:$0x2] =	sbarrier.arrive $0xFFFF  }
0x18d: {  	p0 =	sne.s32 s0, $0x0;
	s0 =	rddreg [dreg:$0x4]  }
0x18e: {  	s0 =	sadd.s32 @!p0 $0x100000, s0  }
0x18f: {  	[sflag:s0] =	ssyncadd.tile.s32 @!p0 $0x1;
	_ =	shalt  }
.Lfunc_end2:
_tile_overlayer_lowered:
.L_overlay_start_2:
0x190: {  	(tag) =	ssettag $0x2  }
0x191: {  	s0 =	rddreg [dreg:$0x0];
	s2 =	stileid.u32  }
0x192: {  	s1 =	rddreg [dreg:$0x1];
	p0 =	sne.s32 s2, $0x0  }
0x193: {  	s3 =	rddreg [dreg:$0x2];
	[bflag:$0x3] =	sbarrier.arrive $0xFFFF;
	s2 =	simm.s32 @!p0 $0x1C0B  }
0x194: {  	[timem:s3], [sflag:s2] =	dma.local @!p0 [hbm:s0], s1  }
0x195: {  	s0 =	simm.s32 @!p0 $0xB  }
0x196: {  	_ =	swait.ge @!p0 [sflag:s0], s1  }
0x197: {  	s1 =	ssub.s32 @!p0 $0x0, s1;
	[sflag:s0] =	ssyncset.done @!p0 $0x0  }
0x198: {  	[sflag:s0] =	ssyncadd.s32 @!p0 s1  }
0x199: {  	[bflag:$0x3] =	sbarrier.arrive $0xFFFF  }
0x19a: {  	_ =	shalt  }

</sc_bundles>
